<compile_context>
chip_gen: v7x
topology: tpu7x:2x2x1
jax: 0.10.2.dev20260603
libtpu: 0.0.44.dev20260713+nightly
codegen_flags: <defaults>
</compile_context>

<pallas_src>
import jax
import jax.numpy as jnp
from jax import lax
from jax.experimental import pallas as pl
from jax.experimental.pallas import tpu as pltpu
from jax.experimental.pallas import tpu_sc as plsc

NUM_FACTORS = 64
NUM_ROWS = 100000
BATCH = 16384
L = 16
NC = 2
NS = 16
NW = NC * NS
MAIN = 99968
TAILPAD = 128
ROWBUF = MAIN + TAILPAD
CH = 4096
NCH = BATCH // CH
PR = 128
CROWS = CH // 128

_COMPILER_PARAMS = pltpu.CompilerParams(
    needs_layout_passes=False, use_tc_tiling_on_sc=True)


def _pass1_kernel(uft_hbm, ift_hbm, utail_hbm, itail_hbm, uid_hbm, iid_hbm,
                  w_hbm, accs_hbm,
                  rowbuf, prod_v, ids0_v, ids1_v, w_v, zbuf_v, idxrows_v,
                  acc_sh, sem_m, sem_t, sem_i0, sem_i1):
    sid = lax.axis_index("s")
    cid = lax.axis_index("c")
    wid = sid * NC + cid
    pltpu.sync_copy(w_hbm, w_v)

    zero = jnp.zeros((L,), jnp.float32)
    iota = lax.iota(jnp.int32, L)
    for r in range(8):
        for c in range(8):
            zbuf_v[r, pl.ds(c * L, L)] = zero
    for h in range(NCH):
        for j in range(2):
            idxrows_v[h, pl.ds(j * L, L)] = iota + (h * CROWS + j * L)
    pltpu.sync_copy(zbuf_v, acc_sh.at[pl.ds(sid * 8, 8), :])
    plsc.subcore_barrier()

    idbufs = [(ids0_v, sem_i0), (ids1_v, sem_i1)]

    def load_row(f, table, tail, ids_hbm):
        cm = pltpu.async_copy(table.at[f, pl.ds(0, MAIN)],
                              rowbuf.at[pl.ds(0, MAIN)], sem_m)
        ct = pltpu.async_copy(tail.at[f, :],
                              rowbuf.at[pl.ds(MAIN, TAILPAD)], sem_t)
        pltpu.async_copy(ids_hbm.at[pl.ds(0, CH)], idbufs[0][0],
                         idbufs[0][1])
        cm.wait()
        ct.wait()

    def chunks(ids_hbm, body):
        for h in range(NCH):
            ids_v, sem_i = idbufs[h % 2]
            if h + 1 < NCH:
                nxt_v, nxt_s = idbufs[(h + 1) % 2]
                pltpu.async_copy(ids_hbm.at[pl.ds((h + 1) * CH, CH)],
                                 nxt_v, nxt_s)
            pltpu.make_async_copy(ids_hbm.at[pl.ds(0, CH)], ids_v,
                                  sem_i).wait()
            body(h, ids_v)

    def factor(f):
        load_row(f, uft_hbm, utail_hbm, uid_hbm)
        wspl = plsc.load_gather(w_v, [jnp.broadcast_to(f, (L,))])

        def ubody(h, ids_v):
            @plsc.parallel_loop(0, CH // L, unroll=4)
            def _g(v):
                idxv = ids_v[pl.ds(v * L, L)]
                r = h * CROWS + lax.shift_right_logical(v, 3)
                c = (v & 7) * L
                prod_v[r, pl.ds(c, L)] = (
                    plsc.load_gather(rowbuf, [idxv]) * wspl)
        chunks(uid_hbm, ubody)

        load_row(f, ift_hbm, itail_hbm, iid_hbm)

        def ibody(h, ids_v):
            @plsc.parallel_loop(0, CH // L, unroll=4)
            def _g(v):
                idxv = ids_v[pl.ds(v * L, L)]
                r = h * CROWS + lax.shift_right_logical(v, 3)
                c = (v & 7) * L
                prod_v[r, pl.ds(c, L)] = (
                    prod_v[r, pl.ds(c, L)]
                    * plsc.load_gather(rowbuf, [idxv]))
            pltpu.sync_copy(prod_v.at[pl.ds(h * CROWS, CROWS), :],
                            acc_sh.at[idxrows_v.at[h]], add=True)
        chunks(iid_hbm, ibody)

    factor(wid)
    factor(wid + 32)

    plsc.subcore_barrier()

    @pl.when(sid == 0)
    def _writeout():
        pltpu.sync_copy(acc_sh, accs_hbm.at[cid])


@jax.jit
def _run(user_ids, item_ids, user_factors, item_factors, w_vec, b):
    mesh = plsc.VectorSubcoreMesh(core_axis_name="c", subcore_axis_name="s")
    uft = user_factors.T
    ift = item_factors.T
    utail = jnp.pad(lax.slice(uft, (0, MAIN), (NUM_FACTORS, NUM_ROWS)),
                    ((0, 0), (0, TAILPAD - (NUM_ROWS - MAIN))))
    itail = jnp.pad(lax.slice(ift, (0, MAIN), (NUM_FACTORS, NUM_ROWS)),
                    ((0, 0), (0, TAILPAD - (NUM_ROWS - MAIN))))

    p1 = pl.kernel(
        _pass1_kernel,
        mesh=mesh,
        compiler_params=_COMPILER_PARAMS,
        out_type=jax.ShapeDtypeStruct((NC, PR, 128), jnp.float32),
        scratch_types=[
            pltpu.VMEM((ROWBUF,), jnp.float32),
            pltpu.VMEM((PR, 128), jnp.float32),
            pltpu.VMEM((CH,), jnp.int32),
            pltpu.VMEM((CH,), jnp.int32),
            pltpu.VMEM((NUM_FACTORS,), jnp.float32),
            pltpu.VMEM((8, 128), jnp.float32),
            pltpu.VMEM((NCH, CROWS), jnp.int32),
            pltpu.VMEM_SHARED((PR, 128), jnp.float32),
            pltpu.SemaphoreType.DMA,
            pltpu.SemaphoreType.DMA,
            pltpu.SemaphoreType.DMA,
            pltpu.SemaphoreType.DMA,
        ],
    )
    accs = p1(uft, ift, utail, itail, user_ids, item_ids, w_vec)
    return (accs[0] + accs[1]).reshape(BATCH) + b[0]


def kernel(user_ids, item_ids, user_factors, item_factors, W, b):
    uid = user_ids.astype(jnp.int32)
    iid = item_ids.astype(jnp.int32)
    w_vec = W.reshape(NUM_FACTORS).astype(jnp.float32)
    out = _run(uid, iid, user_factors, item_factors, w_vec,
               b.astype(jnp.float32))
    return out.reshape(BATCH, 1)

# --- scband reference (transcript-rebuilt; emitter-appended) ---
"""Pipeline reference for scband-matrix-factorization-58823872086770 (READ-ONLY COPY).

The authoritative reference and input builder live on the scoring server;
editing this copy changes nothing except your own understanding.
"""

import jax, jax.numpy as jnp
import numpy as np

NUM_USERS = 100000
NUM_ITEMS = 100000
NUM_FACTORS = 64
BATCH = 16384


def setup_inputs(seed: int = 0) -> dict:
    key = jax.random.key(seed)
    k1, k2, k3, k4, k5, k6 = jax.random.split(key, 6)
    user_ids = jax.random.randint(k1, (BATCH,), 0, NUM_USERS, dtype=jnp.int64 if jax.config.jax_enable_x64 else jnp.int32)
    item_ids = jax.random.randint(k2, (BATCH,), 0, NUM_ITEMS, dtype=jnp.int64 if jax.config.jax_enable_x64 else jnp.int32)
    # Embedding tables initialized uniform(0.25, 0.5) per the original module
    user_factors = jax.random.uniform(k3, (NUM_USERS, NUM_FACTORS), dtype=jnp.float32, minval=0.25, maxval=0.5)
    item_factors = jax.random.uniform(k4, (NUM_ITEMS, NUM_FACTORS), dtype=jnp.float32, minval=0.25, maxval=0.5)
    # Linear(num_factors, 1) parameters, kaiming-uniform-ish init
    bound = 1.0 / np.sqrt(NUM_FACTORS)
    W = jax.random.uniform(k5, (1, NUM_FACTORS), dtype=jnp.float32, minval=-bound, maxval=bound)
    b = jax.random.uniform(k6, (1,), dtype=jnp.float32, minval=-bound, maxval=bound)
    return {"user_ids": user_ids, "item_ids": item_ids, "user_factors": user_factors, "item_factors": item_factors, "W": W, "b": b}


def reference(user_ids, item_ids, user_factors, item_factors, W, b):
    # Embedding lookups (gather)
    user_embedding = jnp.take(user_factors, user_ids, axis=0)  # [B, F]
    item_embedding = jnp.take(item_factors, item_ids, axis=0)  # [B, F]
    # Elementwise interaction followed by the Linear(num_factors, 1) head.
    # (The original torch code sums over dim=1 before the Linear, which is
    # shape-inconsistent with Linear(num_factors, 1); the executable, faithful
    # interpretation applies the linear head over the factor dimension, which
    # computes the same weighted dot-product interaction.)
    interaction = user_embedding * item_embedding  # [B, F]
    prediction = interaction @ W.T + b  # [B, 1]
    return prediction

if __name__ == "__main__":
    import jax
    _d = setup_inputs()
    print(jax.jit(kernel)(*tuple(_d.values())))

</pallas_src>

<mosaic_0001>
#map = affine_map<(d0, d1) -> (0, 0)>
#map1 = affine_map<(d0, d1) -> (0)>
#map2 = affine_map<(d0, d1) -> (0, 0, 0)>
module attributes {stable_mosaic.version = 14 : i64} {
  func.func @_pass1_kernel(%arg0: i32, %arg1: i32, %arg2: memref<64x100000xf32, #tpu.memory_space<hbm>>, %arg3: memref<64x100000xf32, #tpu.memory_space<hbm>>, %arg4: memref<64x128xf32, #tpu.memory_space<hbm>>, %arg5: memref<64x128xf32, #tpu.memory_space<hbm>>, %arg6: memref<16384xi32, #tpu.memory_space<hbm>>, %arg7: memref<16384xi32, #tpu.memory_space<hbm>>, %arg8: memref<64xf32, #tpu.memory_space<hbm>>, %arg9: memref<2x128x128xf32, #tpu.memory_space<hbm>>, %arg10: memref<100096xf32, #tpu.memory_space<vmem>>, %arg11: memref<128x128xf32, #tpu.memory_space<vmem>>, %arg12: memref<4096xi32, #tpu.memory_space<vmem>>, %arg13: memref<4096xi32, #tpu.memory_space<vmem>>, %arg14: memref<64xf32, #tpu.memory_space<vmem>>, %arg15: memref<8x128xf32, #tpu.memory_space<vmem>>, %arg16: memref<4x32xi32, #tpu.memory_space<vmem>>, %arg17: memref<128x128xf32, #tpu.memory_space<vmem_shared>>, %arg18: memref<!tpu.dma_semaphore, #tpu.memory_space<semaphore_mem>>, %arg19: memref<!tpu.dma_semaphore, #tpu.memory_space<semaphore_mem>>, %arg20: memref<!tpu.dma_semaphore, #tpu.memory_space<semaphore_mem>>, %arg21: memref<!tpu.dma_semaphore, #tpu.memory_space<semaphore_mem>>) attributes {dimension_semantics = [#tpu.dimension_semantics<core_parallel>, #tpu.dimension_semantics<subcore_parallel>], iteration_bounds = array<i64: 2, 16>, scalar_prefetch = 0 : i64, scratch_operands = 12 : i64, tpu.core_type = #tpu.core_type<sc_vector_subcore>, window_params = [{transform_indices = #map}, {transform_indices = #map}, {transform_indices = #map}, {transform_indices = #map}, {transform_indices = #map1}, {transform_indices = #map1}, {transform_indices = #map1}, {transform_indices = #map2}]} {
    %mul3A = arith.constant 2 : i32
    %mul3A_0 = arith.muli %arg1, %mul3A : i32
    %add3A = arith.addi %mul3A_0, %arg0 : i32
    "tpu.region"() ({
      %run_scoped3A_663 = tpu.sem_alloc : memref<!tpu.dma_semaphore, #tpu.memory_space<semaphore_mem>>
      tpu.enqueue_dma source(%arg8 : memref<64xf32, #tpu.memory_space<hbm>>) target(%arg14 : memref<64xf32, #tpu.memory_space<vmem>>) target_semaphore(%run_scoped3A_663 : memref<!tpu.dma_semaphore, #tpu.memory_space<semaphore_mem>>)
      tpu.wait_dma2 semaphore(%run_scoped3A_663 : memref<!tpu.dma_semaphore, #tpu.memory_space<semaphore_mem>>) src(%arg8 : memref<64xf32, #tpu.memory_space<hbm>>) dst(%arg14 : memref<64xf32, #tpu.memory_space<vmem>>)
      tpu.yield
    }) : () -> ()
    %broadcast_in_dim3A = arith.constant 0.000000e+00 : f32
    %broadcast_in_dim3A_1 = vector.broadcast %broadcast_in_dim3A : f32 to vector<16xf32>
    %iota3A = tpu.iota {dimensions = array<i32: 0>} : vector<16xi32>
    %swap3A = arith.constant 0 : i32
    %swap3A_2 = arith.index_cast %swap3A : i32 to index
    %swap3A_3 = arith.constant 0 : index
    %swap3A_4 = tpu.vector_load %arg15[%swap3A_2, %swap3A_3] {strides = array<i32>} : memref<8x128xf32, #tpu.memory_space<vmem>>, vector<16xf32>,
    tpu.vector_store %arg15[%swap3A_2, %swap3A_3], %broadcast_in_dim3A_1 {strides = array<i32>} : memref<8x128xf32, #tpu.memory_space<vmem>>, vector<16xf32>,
    %swap3A_5 = arith.constant 0 : i32
    %swap3A_6 = arith.index_cast %swap3A_5 : i32 to index
    %swap3A_7 = arith.constant 16 : index
    %swap3A_8 = tpu.vector_load %arg15[%swap3A_6, %swap3A_7] {strides = array<i32>} : memref<8x128xf32, #tpu.memory_space<vmem>>, vector<16xf32>,
    tpu.vector_store %arg15[%swap3A_6, %swap3A_7], %broadcast_in_dim3A_1 {strides = array<i32>} : memref<8x128xf32, #tpu.memory_space<vmem>>, vector<16xf32>,
    %swap3A_9 = arith.constant 0 : i32
    %swap3A_10 = arith.index_cast %swap3A_9 : i32 to index
    %swap3A_11 = arith.constant 32 : index
    %swap3A_12 = tpu.vector_load %arg15[%swap3A_10, %swap3A_11] {strides = array<i32>} : memref<8x128xf32, #tpu.memory_space<vmem>>, vector<16xf32>,
    tpu.vector_store %arg15[%swap3A_10, %swap3A_11], %broadcast_in_dim3A_1 {strides = array<i32>} : memref<8x128xf32, #tpu.memory_space<vmem>>, vector<16xf32>,
    %swap3A_13 = arith.constant 0 : i32
    %swap3A_14 = arith.index_cast %swap3A_13 : i32 to index
    %swap3A_15 = arith.constant 48 : index
    %swap3A_16 = tpu.vector_load %arg15[%swap3A_14, %swap3A_15] {strides = array<i32>} : memref<8x128xf32, #tpu.memory_space<vmem>>, vector<16xf32>,
    tpu.vector_store %arg15[%swap3A_14, %swap3A_15], %broadcast_in_dim3A_1 {strides = array<i32>} : memref<8x128xf32, #tpu.memory_space<vmem>>, vector<16xf32>,
    %swap3A_17 = arith.constant 0 : i32
    %swap3A_18 = arith.index_cast %swap3A_17 : i32 to index
    %swap3A_19 = arith.constant 64 : index
    %swap3A_20 = tpu.vector_load %arg15[%swap3A_18, %swap3A_19] {strides = array<i32>} : memref<8x128xf32, #tpu.memory_space<vmem>>, vector<16xf32>,
    tpu.vector_store %arg15[%swap3A_18, %swap3A_19], %broadcast_in_dim3A_1 {strides = array<i32>} : memref<8x128xf32, #tpu.memory_space<vmem>>, vector<16xf32>,
    %swap3A_21 = arith.constant 0 : i32
    %swap3A_22 = arith.index_cast %swap3A_21 : i32 to index
    %swap3A_23 = arith.constant 80 : index
    %swap3A_24 = tpu.vector_load %arg15[%swap3A_22, %swap3A_23] {strides = array<i32>} : memref<8x128xf32, #tpu.memory_space<vmem>>, vector<16xf32>,
    tpu.vector_store %arg15[%swap3A_22, %swap3A_23], %broadcast_in_dim3A_1 {strides = array<i32>} : memref<8x128xf32, #tpu.memory_space<vmem>>, vector<16xf32>,
    %swap3A_25 = arith.constant 0 : i32
    %swap3A_26 = arith.index_cast %swap3A_25 : i32 to index
    %swap3A_27 = arith.constant 96 : index
    %swap3A_28 = tpu.vector_load %arg15[%swap3A_26, %swap3A_27] {strides = array<i32>} : memref<8x128xf32, #tpu.memory_space<vmem>>, vector<16xf32>,
    tpu.vector_store %arg15[%swap3A_26, %swap3A_27], %broadcast_in_dim3A_1 {strides = array<i32>} : memref<8x128xf32, #tpu.memory_space<vmem>>, vector<16xf32>,
    %swap3A_29 = arith.constant 0 : i32
    %swap3A_30 = arith.index_cast %swap3A_29 : i32 to index
    %swap3A_31 = arith.constant 112 : index
    %swap3A_32 = tpu.vector_load %arg15[%swap3A_30, %swap3A_31] {strides = array<i32>} : memref<8x128xf32, #tpu.memory_space<vmem>>, vector<16xf32>,
    tpu.vector_store %arg15[%swap3A_30, %swap3A_31], %broadcast_in_dim3A_1 {strides = array<i32>} : memref<8x128xf32, #tpu.memory_space<vmem>>, vector<16xf32>,
    %swap3A_33 = arith.constant 1 : i32
    %swap3A_34 = arith.index_cast %swap3A_33 : i32 to index
    %swap3A_35 = arith.constant 0 : index
    %swap3A_36 = tpu.vector_load %arg15[%swap3A_34, %swap3A_35] {strides = array<i32>} : memref<8x128xf32, #tpu.memory_space<vmem>>, vector<16xf32>,
    tpu.vector_store %arg15[%swap3A_34, %swap3A_35], %broadcast_in_dim3A_1 {strides = array<i32>} : memref<8x128xf32, #tpu.memory_space<vmem>>, vector<16xf32>,
    %swap3A_37 = arith.constant 1 : i32
    %swap3A_38 = arith.index_cast %swap3A_37 : i32 to index
    %swap3A_39 = arith.constant 16 : index
    %swap3A_40 = tpu.vector_load %arg15[%swap3A_38, %swap3A_39] {strides = array<i32>} : memref<8x128xf32, #tpu.memory_space<vmem>>, vector<16xf32>,
    tpu.vector_store %arg15[%swap3A_38, %swap3A_39], %broadcast_in_dim3A_1 {strides = array<i32>} : memref<8x128xf32, #tpu.memory_space<vmem>>, vector<16xf32>,
    %swap3A_41 = arith.constant 1 : i32
    %swap3A_42 = arith.index_cast %swap3A_41 : i32 to index
    %swap3A_43 = arith.constant 32 : index
    %swap3A_44 = tpu.vector_load %arg15[%swap3A_42, %swap3A_43] {strides = array<i32>} : memref<8x128xf32, #tpu.memory_space<vmem>>, vector<16xf32>,
    tpu.vector_store %arg15[%swap3A_42, %swap3A_43], %broadcast_in_dim3A_1 {strides = array<i32>} : memref<8x128xf32, #tpu.memory_space<vmem>>, vector<16xf32>,
    %swap3A_45 = arith.constant 1 : i32
    %swap3A_46 = arith.index_cast %swap3A_45 : i32 to index
    %swap3A_47 = arith.constant 48 : index
    %swap3A_48 = tpu.vector_load %arg15[%swap3A_46, %swap3A_47] {strides = array<i32>} : memref<8x128xf32, #tpu.memory_space<vmem>>, vector<16xf32>,
    tpu.vector_store %arg15[%swap3A_46, %swap3A_47], %broadcast_in_dim3A_1 {strides = array<i32>} : memref<8x128xf32, #tpu.memory_space<vmem>>, vector<16xf32>,
    %swap3A_49 = arith.constant 1 : i32
    %swap3A_50 = arith.index_cast %swap3A_49 : i32 to index
    %swap3A_51 = arith.constant 64 : index
    %swap3A_52 = tpu.vector_load %arg15[%swap3A_50, %swap3A_51] {strides = array<i32>} : memref<8x128xf32, #tpu.memory_space<vmem>>, vector<16xf32>,
    tpu.vector_store %arg15[%swap3A_50, %swap3A_51], %broadcast_in_dim3A_1 {strides = array<i32>} : memref<8x128xf32, #tpu.memory_space<vmem>>, vector<16xf32>,
    %swap3A_53 = arith.constant 1 : i32
    %swap3A_54 = arith.index_cast %swap3A_53 : i32 to index
    %swap3A_55 = arith.constant 80 : index
    %swap3A_56 = tpu.vector_load %arg15[%swap3A_54, %swap3A_55] {strides = array<i32>} : memref<8x128xf32, #tpu.memory_space<vmem>>, vector<16xf32>,
    tpu.vector_store %arg15[%swap3A_54, %swap3A_55], %broadcast_in_dim3A_1 {strides = array<i32>} : memref<8x128xf32, #tpu.memory_space<vmem>>, vector<16xf32>,
    %swap3A_57 = arith.constant 1 : i32
    %swap3A_58 = arith.index_cast %swap3A_57 : i32 to index
    %swap3A_59 = arith.constant 96 : index
    %swap3A_60 = tpu.vector_load %arg15[%swap3A_58, %swap3A_59] {strides = array<i32>} : memref<8x128xf32, #tpu.memory_space<vmem>>, vector<16xf32>,
    tpu.vector_store %arg15[%swap3A_58, %swap3A_59], %broadcast_in_dim3A_1 {strides = array<i32>} : memref<8x128xf32, #tpu.memory_space<vmem>>, vector<16xf32>,
    %swap3A_61 = arith.constant 1 : i32
    %swap3A_62 = arith.index_cast %swap3A_61 : i32 to index
    %swap3A_63 = arith.constant 112 : index
    %swap3A_64 = tpu.vector_load %arg15[%swap3A_62, %swap3A_63] {strides = array<i32>} : memref<8x128xf32, #tpu.memory_space<vmem>>, vector<16xf32>,
    tpu.vector_store %arg15[%swap3A_62, %swap3A_63], %broadcast_in_dim3A_1 {strides = array<i32>} : memref<8x128xf32, #tpu.memory_space<vmem>>, vector<16xf32>,
    %swap3A_65 = arith.constant 2 : i32
    %swap3A_66 = arith.index_cast %swap3A_65 : i32 to index
    %swap3A_67 = arith.constant 0 : index
    %swap3A_68 = tpu.vector_load %arg15[%swap3A_66, %swap3A_67] {strides = array<i32>} : memref<8x128xf32, #tpu.memory_space<vmem>>, vector<16xf32>,
    tpu.vector_store %arg15[%swap3A_66, %swap3A_67], %broadcast_in_dim3A_1 {strides = array<i32>} : memref<8x128xf32, #tpu.memory_space<vmem>>, vector<16xf32>,
    %swap3A_69 = arith.constant 2 : i32
    %swap3A_70 = arith.index_cast %swap3A_69 : i32 to index
    %swap3A_71 = arith.constant 16 : index
    %swap3A_72 = tpu.vector_load %arg15[%swap3A_70, %swap3A_71] {strides = array<i32>} : memref<8x128xf32, #tpu.memory_space<vmem>>, vector<16xf32>,
    tpu.vector_store %arg15[%swap3A_70, %swap3A_71], %broadcast_in_dim3A_1 {strides = array<i32>} : memref<8x128xf32, #tpu.memory_space<vmem>>, vector<16xf32>,
    %swap3A_73 = arith.constant 2 : i32
    %swap3A_74 = arith.index_cast %swap3A_73 : i32 to index
    %swap3A_75 = arith.constant 32 : index
    %swap3A_76 = tpu.vector_load %arg15[%swap3A_74, %swap3A_75] {strides = array<i32>} : memref<8x128xf32, #tpu.memory_space<vmem>>, vector<16xf32>,
    tpu.vector_store %arg15[%swap3A_74, %swap3A_75], %broadcast_in_dim3A_1 {strides = array<i32>} : memref<8x128xf32, #tpu.memory_space<vmem>>, vector<16xf32>,
    %swap3A_77 = arith.constant 2 : i32
    %swap3A_78 = arith.index_cast %swap3A_77 : i32 to index
    %swap3A_79 = arith.constant 48 : index
    %swap3A_80 = tpu.vector_load %arg15[%swap3A_78, %swap3A_79] {strides = array<i32>} : memref<8x128xf32, #tpu.memory_space<vmem>>, vector<16xf32>,
    tpu.vector_store %arg15[%swap3A_78, %swap3A_79], %broadcast_in_dim3A_1 {strides = array<i32>} : memref<8x128xf32, #tpu.memory_space<vmem>>, vector<16xf32>,
    %swap3A_81 = arith.constant 2 : i32
    %swap3A_82 = arith.index_cast %swap3A_81 : i32 to index
    %swap3A_83 = arith.constant 64 : index
    %swap3A_84 = tpu.vector_load %arg15[%swap3A_82, %swap3A_83] {strides = array<i32>} : memref<8x128xf32, #tpu.memory_space<vmem>>, vector<16xf32>,
    tpu.vector_store %arg15[%swap3A_82, %swap3A_83], %broadcast_in_dim3A_1 {strides = array<i32>} : memref<8x128xf32, #tpu.memory_space<vmem>>, vector<16xf32>,
    %swap3A_85 = arith.constant 2 : i32
    %swap3A_86 = arith.index_cast %swap3A_85 : i32 to index
    %swap3A_87 = arith.constant 80 : index
    %swap3A_88 = tpu.vector_load %arg15[%swap3A_86, %swap3A_87] {strides = array<i32>} : memref<8x128xf32, #tpu.memory_space<vmem>>, vector<16xf32>,
    tpu.vector_store %arg15[%swap3A_86, %swap3A_87], %broadcast_in_dim3A_1 {strides = array<i32>} : memref<8x128xf32, #tpu.memory_space<vmem>>, vector<16xf32>,
    %swap3A_89 = arith.constant 2 : i32
    %swap3A_90 = arith.index_cast %swap3A_89 : i32 to index
    %swap3A_91 = arith.constant 96 : index
    %swap3A_92 = tpu.vector_load %arg15[%swap3A_90, %swap3A_91] {strides = array<i32>} : memref<8x128xf32, #tpu.memory_space<vmem>>, vector<16xf32>,
    tpu.vector_store %arg15[%swap3A_90, %swap3A_91], %broadcast_in_dim3A_1 {strides = array<i32>} : memref<8x128xf32, #tpu.memory_space<vmem>>, vector<16xf32>,
    %swap3A_93 = arith.constant 2 : i32
    %swap3A_94 = arith.index_cast %swap3A_93 : i32 to index
    %swap3A_95 = arith.constant 112 : index
    %swap3A_96 = tpu.vector_load %arg15[%swap3A_94, %swap3A_95] {strides = array<i32>} : memref<8x128xf32, #tpu.memory_space<vmem>>, vector<16xf32>,
    tpu.vector_store %arg15[%swap3A_94, %swap3A_95], %broadcast_in_dim3A_1 {strides = array<i32>} : memref<8x128xf32, #tpu.memory_space<vmem>>, vector<16xf32>,
    %swap3A_97 = arith.constant 3 : i32
    %swap3A_98 = arith.index_cast %swap3A_97 : i32 to index
    %swap3A_99 = arith.constant 0 : index
    %swap3A_100 = tpu.vector_load %arg15[%swap3A_98, %swap3A_99] {strides = array<i32>} : memref<8x128xf32, #tpu.memory_space<vmem>>, vector<16xf32>,
    tpu.vector_store %arg15[%swap3A_98, %swap3A_99], %broadcast_in_dim3A_1 {strides = array<i32>} : memref<8x128xf32, #tpu.memory_space<vmem>>, vector<16xf32>,
    %swap3A_101 = arith.constant 3 : i32
    %swap3A_102 = arith.index_cast %swap3A_101 : i32 to index
    %swap3A_103 = arith.constant 16 : index
    %swap3A_104 = tpu.vector_load %arg15[%swap3A_102, %swap3A_103] {strides = array<i32>} : memref<8x128xf32, #tpu.memory_space<vmem>>, vector<16xf32>,
    tpu.vector_store %arg15[%swap3A_102, %swap3A_103], %broadcast_in_dim3A_1 {strides = array<i32>} : memref<8x128xf32, #tpu.memory_space<vmem>>, vector<16xf32>,
    %swap3A_105 = arith.constant 3 : i32
    %swap3A_106 = arith.index_cast %swap3A_105 : i32 to index
    %swap3A_107 = arith.constant 32 : index
    %swap3A_108 = tpu.vector_load %arg15[%swap3A_106, %swap3A_107] {strides = array<i32>} : memref<8x128xf32, #tpu.memory_space<vmem>>, vector<16xf32>,
    tpu.vector_store %arg15[%swap3A_106, %swap3A_107], %broadcast_in_dim3A_1 {strides = array<i32>} : memref<8x128xf32, #tpu.memory_space<vmem>>, vector<16xf32>,
    %swap3A_109 = arith.constant 3 : i32
    %swap3A_110 = arith.index_cast %swap3A_109 : i32 to index
    %swap3A_111 = arith.constant 48 : index
    %swap3A_112 = tpu.vector_load %arg15[%swap3A_110, %swap3A_111] {strides = array<i32>} : memref<8x128xf32, #tpu.memory_space<vmem>>, vector<16xf32>,
    tpu.vector_store %arg15[%swap3A_110, %swap3A_111], %broadcast_in_dim3A_1 {strides = array<i32>} : memref<8x128xf32, #tpu.memory_space<vmem>>, vector<16xf32>,
    %swap3A_113 = arith.constant 3 : i32
    %swap3A_114 = arith.index_cast %swap3A_113 : i32 to index
    %swap3A_115 = arith.constant 64 : index
    %swap3A_116 = tpu.vector_load %arg15[%swap3A_114, %swap3A_115] {strides = array<i32>} : memref<8x128xf32, #tpu.memory_space<vmem>>, vector<16xf32>,
    tpu.vector_store %arg15[%swap3A_114, %swap3A_115], %broadcast_in_dim3A_1 {strides = array<i32>} : memref<8x128xf32, #tpu.memory_space<vmem>>, vector<16xf32>,
    %swap3A_117 = arith.constant 3 : i32
    %swap3A_118 = arith.index_cast %swap3A_117 : i32 to index
    %swap3A_119 = arith.constant 80 : index
    %swap3A_120 = tpu.vector_load %arg15[%swap3A_118, %swap3A_119] {strides = array<i32>} : memref<8x128xf32, #tpu.memory_space<vmem>>, vector<16xf32>,
    tpu.vector_store %arg15[%swap3A_118, %swap3A_119], %broadcast_in_dim3A_1 {strides = array<i32>} : memref<8x128xf32, #tpu.memory_space<vmem>>, vector<16xf32>,
    %swap3A_121 = arith.constant 3 : i32
    %swap3A_122 = arith.index_cast %swap3A_121 : i32 to index
    %swap3A_123 = arith.constant 96 : index
    %swap3A_124 = tpu.vector_load %arg15[%swap3A_122, %swap3A_123] {strides = array<i32>} : memref<8x128xf32, #tpu.memory_space<vmem>>, vector<16xf32>,
    tpu.vector_store %arg15[%swap3A_122, %swap3A_123], %broadcast_in_dim3A_1 {strides = array<i32>} : memref<8x128xf32, #tpu.memory_space<vmem>>, vector<16xf32>,
    %swap3A_125 = arith.constant 3 : i32
    %swap3A_126 = arith.index_cast %swap3A_125 : i32 to index
    %swap3A_127 = arith.constant 112 : index
    %swap3A_128 = tpu.vector_load %arg15[%swap3A_126, %swap3A_127] {strides = array<i32>} : memref<8x128xf32, #tpu.memory_space<vmem>>, vector<16xf32>,
    tpu.vector_store %arg15[%swap3A_126, %swap3A_127], %broadcast_in_dim3A_1 {strides = array<i32>} : memref<8x128xf32, #tpu.memory_space<vmem>>, vector<16xf32>,
    %swap3A_129 = arith.constant 4 : i32
    %swap3A_130 = arith.index_cast %swap3A_129 : i32 to index
    %swap3A_131 = arith.constant 0 : index
    %swap3A_132 = tpu.vector_load %arg15[%swap3A_130, %swap3A_131] {strides = array<i32>} : memref<8x128xf32, #tpu.memory_space<vmem>>, vector<16xf32>,
    tpu.vector_store %arg15[%swap3A_130, %swap3A_131], %broadcast_in_dim3A_1 {strides = array<i32>} : memref<8x128xf32, #tpu.memory_space<vmem>>, vector<16xf32>,
    %swap3A_133 = arith.constant 4 : i32
    %swap3A_134 = arith.index_cast %swap3A_133 : i32 to index
    %swap3A_135 = arith.constant 16 : index
    %swap3A_136 = tpu.vector_load %arg15[%swap3A_134, %swap3A_135] {strides = array<i32>} : memref<8x128xf32, #tpu.memory_space<vmem>>, vector<16xf32>,
    tpu.vector_store %arg15[%swap3A_134, %swap3A_135], %broadcast_in_dim3A_1 {strides = array<i32>} : memref<8x128xf32, #tpu.memory_space<vmem>>, vector<16xf32>,
    %swap3A_137 = arith.constant 4 : i32
    %swap3A_138 = arith.index_cast %swap3A_137 : i32 to index
    %swap3A_139 = arith.constant 32 : index
    %swap3A_140 = tpu.vector_load %arg15[%swap3A_138, %swap3A_139] {strides = array<i32>} : memref<8x128xf32, #tpu.memory_space<vmem>>, vector<16xf32>,
    tpu.vector_store %arg15[%swap3A_138, %swap3A_139], %broadcast_in_dim3A_1 {strides = array<i32>} : memref<8x128xf32, #tpu.memory_space<vmem>>, vector<16xf32>,
    %swap3A_141 = arith.constant 4 : i32
    %swap3A_142 = arith.index_cast %swap3A_141 : i32 to index
    %swap3A_143 = arith.constant 48 : index
    %swap3A_144 = tpu.vector_load %arg15[%swap3A_142, %swap3A_143] {strides = array<i32>} : memref<8x128xf32, #tpu.memory_space<vmem>>, vector<16xf32>,
    tpu.vector_store %arg15[%swap3A_142, %swap3A_143], %broadcast_in_dim3A_1 {strides = array<i32>} : memref<8x128xf32, #tpu.memory_space<vmem>>, vector<16xf32>,
    %swap3A_145 = arith.constant 4 : i32
    %swap3A_146 = arith.index_cast %swap3A_145 : i32 to index
    %swap3A_147 = arith.constant 64 : index
    %swap3A_148 = tpu.vector_load %arg15[%swap3A_146, %swap3A_147] {strides = array<i32>} : memref<8x128xf32, #tpu.memory_space<vmem>>, vector<16xf32>,
    tpu.vector_store %arg15[%swap3A_146, %swap3A_147], %broadcast_in_dim3A_1 {strides = array<i32>} : memref<8x128xf32, #tpu.memory_space<vmem>>, vector<16xf32>,
    %swap3A_149 = arith.constant 4 : i32
    %swap3A_150 = arith.index_cast %swap3A_149 : i32 to index
    %swap3A_151 = arith.constant 80 : index
    %swap3A_152 = tpu.vector_load %arg15[%swap3A_150, %swap3A_151] {strides = array<i32>} : memref<8x128xf32, #tpu.memory_space<vmem>>, vector<16xf32>,
    tpu.vector_store %arg15[%swap3A_150, %swap3A_151], %broadcast_in_dim3A_1 {strides = array<i32>} : memref<8x128xf32, #tpu.memory_space<vmem>>, vector<16xf32>,
    %swap3A_153 = arith.constant 4 : i32
    %swap3A_154 = arith.index_cast %swap3A_153 : i32 to index
    %swap3A_155 = arith.constant 96 : index
    %swap3A_156 = tpu.vector_load %arg15[%swap3A_154, %swap3A_155] {strides = array<i32>} : memref<8x128xf32, #tpu.memory_space<vmem>>, vector<16xf32>,
    tpu.vector_store %arg15[%swap3A_154, %swap3A_155], %broadcast_in_dim3A_1 {strides = array<i32>} : memref<8x128xf32, #tpu.memory_space<vmem>>, vector<16xf32>,
    %swap3A_157 = arith.constant 4 : i32
    %swap3A_158 = arith.index_cast %swap3A_157 : i32 to index
    %swap3A_159 = arith.constant 112 : index
    %swap3A_160 = tpu.vector_load %arg15[%swap3A_158, %swap3A_159] {strides = array<i32>} : memref<8x128xf32, #tpu.memory_space<vmem>>, vector<16xf32>,
    tpu.vector_store %arg15[%swap3A_158, %swap3A_159], %broadcast_in_dim3A_1 {strides = array<i32>} : memref<8x128xf32, #tpu.memory_space<vmem>>, vector<16xf32>,
    %swap3A_161 = arith.constant 5 : i32
    %swap3A_162 = arith.index_cast %swap3A_161 : i32 to index
    %swap3A_163 = arith.constant 0 : index
    %swap3A_164 = tpu.vector_load %arg15[%swap3A_162, %swap3A_163] {strides = array<i32>} : memref<8x128xf32, #tpu.memory_space<vmem>>, vector<16xf32>,
    tpu.vector_store %arg15[%swap3A_162, %swap3A_163], %broadcast_in_dim3A_1 {strides = array<i32>} : memref<8x128xf32, #tpu.memory_space<vmem>>, vector<16xf32>,
    %swap3A_165 = arith.constant 5 : i32
    %swap3A_166 = arith.index_cast %swap3A_165 : i32 to index
    %swap3A_167 = arith.constant 16 : index
    %swap3A_168 = tpu.vector_load %arg15[%swap3A_166, %swap3A_167] {strides = array<i32>} : memref<8x128xf32, #tpu.memory_space<vmem>>, vector<16xf32>,
    tpu.vector_store %arg15[%swap3A_166, %swap3A_167], %broadcast_in_dim3A_1 {strides = array<i32>} : memref<8x128xf32, #tpu.memory_space<vmem>>, vector<16xf32>,
    %swap3A_169 = arith.constant 5 : i32
    %swap3A_170 = arith.index_cast %swap3A_169 : i32 to index
    %swap3A_171 = arith.constant 32 : index
    %swap3A_172 = tpu.vector_load %arg15[%swap3A_170, %swap3A_171] {strides = array<i32>} : memref<8x128xf32, #tpu.memory_space<vmem>>, vector<16xf32>,
    tpu.vector_store %arg15[%swap3A_170, %swap3A_171], %broadcast_in_dim3A_1 {strides = array<i32>} : memref<8x128xf32, #tpu.memory_space<vmem>>, vector<16xf32>,
    %swap3A_173 = arith.constant 5 : i32
    %swap3A_174 = arith.index_cast %swap3A_173 : i32 to index
    %swap3A_175 = arith.constant 48 : index
    %swap3A_176 = tpu.vector_load %arg15[%swap3A_174, %swap3A_175] {strides = array<i32>} : memref<8x128xf32, #tpu.memory_space<vmem>>, vector<16xf32>,
    tpu.vector_store %arg15[%swap3A_174, %swap3A_175], %broadcast_in_dim3A_1 {strides = array<i32>} : memref<8x128xf32, #tpu.memory_space<vmem>>, vector<16xf32>,
    %swap3A_177 = arith.constant 5 : i32
    %swap3A_178 = arith.index_cast %swap3A_177 : i32 to index
    %swap3A_179 = arith.constant 64 : index
    %swap3A_180 = tpu.vector_load %arg15[%swap3A_178, %swap3A_179] {strides = array<i32>} : memref<8x128xf32, #tpu.memory_space<vmem>>, vector<16xf32>,
    tpu.vector_store %arg15[%swap3A_178, %swap3A_179], %broadcast_in_dim3A_1 {strides = array<i32>} : memref<8x128xf32, #tpu.memory_space<vmem>>, vector<16xf32>,
    %swap3A_181 = arith.constant 5 : i32
    %swap3A_182 = arith.index_cast %swap3A_181 : i32 to index
    %swap3A_183 = arith.constant 80 : index
    %swap3A_184 = tpu.vector_load %arg15[%swap3A_182, %swap3A_183] {strides = array<i32>} : memref<8x128xf32, #tpu.memory_space<vmem>>, vector<16xf32>,
    tpu.vector_store %arg15[%swap3A_182, %swap3A_183], %broadcast_in_dim3A_1 {strides = array<i32>} : memref<8x128xf32, #tpu.memory_space<vmem>>, vector<16xf32>,
    %swap3A_185 = arith.constant 5 : i32
    %swap3A_186 = arith.index_cast %swap3A_185 : i32 to index
    %swap3A_187 = arith.constant 96 : index
    %swap3A_188 = tpu.vector_load %arg15[%swap3A_186, %swap3A_187] {strides = array<i32>} : memref<8x128xf32, #tpu.memory_space<vmem>>, vector<16xf32>,
    tpu.vector_store %arg15[%swap3A_186, %swap3A_187], %broadcast_in_dim3A_1 {strides = array<i32>} : memref<8x128xf32, #tpu.memory_space<vmem>>, vector<16xf32>,
    %swap3A_189 = arith.constant 5 : i32
    %swap3A_190 = arith.index_cast %swap3A_189 : i32 to index
    %swap3A_191 = arith.constant 112 : index
    %swap3A_192 = tpu.vector_load %arg15[%swap3A_190, %swap3A_191] {strides = array<i32>} : memref<8x128xf32, #tpu.memory_space<vmem>>, vector<16xf32>,
    tpu.vector_store %arg15[%swap3A_190, %swap3A_191], %broadcast_in_dim3A_1 {strides = array<i32>} : memref<8x128xf32, #tpu.memory_space<vmem>>, vector<16xf32>,
    %swap3A_193 = arith.constant 6 : i32
    %swap3A_194 = arith.index_cast %swap3A_193 : i32 to index
    %swap3A_195 = arith.constant 0 : index
    %swap3A_196 = tpu.vector_load %arg15[%swap3A_194, %swap3A_195] {strides = array<i32>} : memref<8x128xf32, #tpu.memory_space<vmem>>, vector<16xf32>,
    tpu.vector_store %arg15[%swap3A_194, %swap3A_195], %broadcast_in_dim3A_1 {strides = array<i32>} : memref<8x128xf32, #tpu.memory_space<vmem>>, vector<16xf32>,
    %swap3A_197 = arith.constant 6 : i32
    %swap3A_198 = arith.index_cast %swap3A_197 : i32 to index
    %swap3A_199 = arith.constant 16 : index
    %swap3A_200 = tpu.vector_load %arg15[%swap3A_198, %swap3A_199] {strides = array<i32>} : memref<8x128xf32, #tpu.memory_space<vmem>>, vector<16xf32>,
    tpu.vector_store %arg15[%swap3A_198, %swap3A_199], %broadcast_in_dim3A_1 {strides = array<i32>} : memref<8x128xf32, #tpu.memory_space<vmem>>, vector<16xf32>,
    %swap3A_201 = arith.constant 6 : i32
    %swap3A_202 = arith.index_cast %swap3A_201 : i32 to index
    %swap3A_203 = arith.constant 32 : index
    %swap3A_204 = tpu.vector_load %arg15[%swap3A_202, %swap3A_203] {strides = array<i32>} : memref<8x128xf32, #tpu.memory_space<vmem>>, vector<16xf32>,
    tpu.vector_store %arg15[%swap3A_202, %swap3A_203], %broadcast_in_dim3A_1 {strides = array<i32>} : memref<8x128xf32, #tpu.memory_space<vmem>>, vector<16xf32>,
    %swap3A_205 = arith.constant 6 : i32
    %swap3A_206 = arith.index_cast %swap3A_205 : i32 to index
    %swap3A_207 = arith.constant 48 : index
    %swap3A_208 = tpu.vector_load %arg15[%swap3A_206, %swap3A_207] {strides = array<i32>} : memref<8x128xf32, #tpu.memory_space<vmem>>, vector<16xf32>,
    tpu.vector_store %arg15[%swap3A_206, %swap3A_207], %broadcast_in_dim3A_1 {strides = array<i32>} : memref<8x128xf32, #tpu.memory_space<vmem>>, vector<16xf32>,
    %swap3A_209 = arith.constant 6 : i32
    %swap3A_210 = arith.index_cast %swap3A_209 : i32 to index
    %swap3A_211 = arith.constant 64 : index
    %swap3A_212 = tpu.vector_load %arg15[%swap3A_210, %swap3A_211] {strides = array<i32>} : memref<8x128xf32, #tpu.memory_space<vmem>>, vector<16xf32>,
    tpu.vector_store %arg15[%swap3A_210, %swap3A_211], %broadcast_in_dim3A_1 {strides = array<i32>} : memref<8x128xf32, #tpu.memory_space<vmem>>, vector<16xf32>,
    %swap3A_213 = arith.constant 6 : i32
    %swap3A_214 = arith.index_cast %swap3A_213 : i32 to index
    %swap3A_215 = arith.constant 80 : index
    %swap3A_216 = tpu.vector_load %arg15[%swap3A_214, %swap3A_215] {strides = array<i32>} : memref<8x128xf32, #tpu.memory_space<vmem>>, vector<16xf32>,
    tpu.vector_store %arg15[%swap3A_214, %swap3A_215], %broadcast_in_dim3A_1 {strides = array<i32>} : memref<8x128xf32, #tpu.memory_space<vmem>>, vector<16xf32>,
    %swap3A_217 = arith.constant 6 : i32
    %swap3A_218 = arith.index_cast %swap3A_217 : i32 to index
    %swap3A_219 = arith.constant 96 : index
    %swap3A_220 = tpu.vector_load %arg15[%swap3A_218, %swap3A_219] {strides = array<i32>} : memref<8x128xf32, #tpu.memory_space<vmem>>, vector<16xf32>,
    tpu.vector_store %arg15[%swap3A_218, %swap3A_219], %broadcast_in_dim3A_1 {strides = array<i32>} : memref<8x128xf32, #tpu.memory_space<vmem>>, vector<16xf32>,
    %swap3A_221 = arith.constant 6 : i32
    %swap3A_222 = arith.index_cast %swap3A_221 : i32 to index
    %swap3A_223 = arith.constant 112 : index
    %swap3A_224 = tpu.vector_load %arg15[%swap3A_222, %swap3A_223] {strides = array<i32>} : memref<8x128xf32, #tpu.memory_space<vmem>>, vector<16xf32>,
    tpu.vector_store %arg15[%swap3A_222, %swap3A_223], %broadcast_in_dim3A_1 {strides = array<i32>} : memref<8x128xf32, #tpu.memory_space<vmem>>, vector<16xf32>,
    %swap3A_225 = arith.constant 7 : i32
    %swap3A_226 = arith.index_cast %swap3A_225 : i32 to index
    %swap3A_227 = arith.constant 0 : index
    %swap3A_228 = tpu.vector_load %arg15[%swap3A_226, %swap3A_227] {strides = array<i32>} : memref<8x128xf32, #tpu.memory_space<vmem>>, vector<16xf32>,
    tpu.vector_store %arg15[%swap3A_226, %swap3A_227], %broadcast_in_dim3A_1 {strides = array<i32>} : memref<8x128xf32, #tpu.memory_space<vmem>>, vector<16xf32>,
    %swap3A_229 = arith.constant 7 : i32
    %swap3A_230 = arith.index_cast %swap3A_229 : i32 to index
    %swap3A_231 = arith.constant 16 : index
    %swap3A_232 = tpu.vector_load %arg15[%swap3A_230, %swap3A_231] {strides = array<i32>} : memref<8x128xf32, #tpu.memory_space<vmem>>, vector<16xf32>,
    tpu.vector_store %arg15[%swap3A_230, %swap3A_231], %broadcast_in_dim3A_1 {strides = array<i32>} : memref<8x128xf32, #tpu.memory_space<vmem>>, vector<16xf32>,
    %swap3A_233 = arith.constant 7 : i32
    %swap3A_234 = arith.index_cast %swap3A_233 : i32 to index
    %swap3A_235 = arith.constant 32 : index
    %swap3A_236 = tpu.vector_load %arg15[%swap3A_234, %swap3A_235] {strides = array<i32>} : memref<8x128xf32, #tpu.memory_space<vmem>>, vector<16xf32>,
    tpu.vector_store %arg15[%swap3A_234, %swap3A_235], %broadcast_in_dim3A_1 {strides = array<i32>} : memref<8x128xf32, #tpu.memory_space<vmem>>, vector<16xf32>,
    %swap3A_237 = arith.constant 7 : i32
    %swap3A_238 = arith.index_cast %swap3A_237 : i32 to index
    %swap3A_239 = arith.constant 48 : index
    %swap3A_240 = tpu.vector_load %arg15[%swap3A_238, %swap3A_239] {strides = array<i32>} : memref<8x128xf32, #tpu.memory_space<vmem>>, vector<16xf32>,
    tpu.vector_store %arg15[%swap3A_238, %swap3A_239], %broadcast_in_dim3A_1 {strides = array<i32>} : memref<8x128xf32, #tpu.memory_space<vmem>>, vector<16xf32>,
    %swap3A_241 = arith.constant 7 : i32
    %swap3A_242 = arith.index_cast %swap3A_241 : i32 to index
    %swap3A_243 = arith.constant 64 : index
    %swap3A_244 = tpu.vector_load %arg15[%swap3A_242, %swap3A_243] {strides = array<i32>} : memref<8x128xf32, #tpu.memory_space<vmem>>, vector<16xf32>,
    tpu.vector_store %arg15[%swap3A_242, %swap3A_243], %broadcast_in_dim3A_1 {strides = array<i32>} : memref<8x128xf32, #tpu.memory_space<vmem>>, vector<16xf32>,
    %swap3A_245 = arith.constant 7 : i32
    %swap3A_246 = arith.index_cast %swap3A_245 : i32 to index
    %swap3A_247 = arith.constant 80 : index
    %swap3A_248 = tpu.vector_load %arg15[%swap3A_246, %swap3A_247] {strides = array<i32>} : memref<8x128xf32, #tpu.memory_space<vmem>>, vector<16xf32>,
    tpu.vector_store %arg15[%swap3A_246, %swap3A_247], %broadcast_in_dim3A_1 {strides = array<i32>} : memref<8x128xf32, #tpu.memory_space<vmem>>, vector<16xf32>,
    %swap3A_249 = arith.constant 7 : i32
    %swap3A_250 = arith.index_cast %swap3A_249 : i32 to index
    %swap3A_251 = arith.constant 96 : index
    %swap3A_252 = tpu.vector_load %arg15[%swap3A_250, %swap3A_251] {strides = array<i32>} : memref<8x128xf32, #tpu.memory_space<vmem>>, vector<16xf32>,
    tpu.vector_store %arg15[%swap3A_250, %swap3A_251], %broadcast_in_dim3A_1 {strides = array<i32>} : memref<8x128xf32, #tpu.memory_space<vmem>>, vector<16xf32>,
    %swap3A_253 = arith.constant 7 : i32
    %swap3A_254 = arith.index_cast %swap3A_253 : i32 to index
    %swap3A_255 = arith.constant 112 : index
    %swap3A_256 = tpu.vector_load %arg15[%swap3A_254, %swap3A_255] {strides = array<i32>} : memref<8x128xf32, #tpu.memory_space<vmem>>, vector<16xf32>,
    tpu.vector_store %arg15[%swap3A_254, %swap3A_255], %broadcast_in_dim3A_1 {strides = array<i32>} : memref<8x128xf32, #tpu.memory_space<vmem>>, vector<16xf32>,
    %add3A_257 = arith.constant 0 : i32
    %add3A_258 = vector.broadcast %add3A_257 : i32 to vector<16xi32>
    %add3A_259 = arith.addi %iota3A, %add3A_258 : vector<16xi32>
    %swap3A_260 = arith.constant 0 : i32
    %swap3A_261 = arith.index_cast %swap3A_260 : i32 to index
    %swap3A_262 = arith.constant 0 : index
    %swap3A_263 = tpu.vector_load %arg16[%swap3A_261, %swap3A_262] {strides = array<i32>} : memref<4x32xi32, #tpu.memory_space<vmem>>, vector<16xi32>,
    tpu.vector_store %arg16[%swap3A_261, %swap3A_262], %add3A_259 {strides = array<i32>} : memref<4x32xi32, #tpu.memory_space<vmem>>, vector<16xi32>,
    %add3A_264 = arith.constant 16 : i32
    %add3A_265 = vector.broadcast %add3A_264 : i32 to vector<16xi32>
    %add3A_266 = arith.addi %iota3A, %add3A_265 : vector<16xi32>
    %swap3A_267 = arith.constant 0 : i32
    %swap3A_268 = arith.index_cast %swap3A_267 : i32 to index
    %swap3A_269 = arith.constant 16 : index
    %swap3A_270 = tpu.vector_load %arg16[%swap3A_268, %swap3A_269] {strides = array<i32>} : memref<4x32xi32, #tpu.memory_space<vmem>>, vector<16xi32>,
    tpu.vector_store %arg16[%swap3A_268, %swap3A_269], %add3A_266 {strides = array<i32>} : memref<4x32xi32, #tpu.memory_space<vmem>>, vector<16xi32>,
    %add3A_271 = arith.constant 32 : i32
    %add3A_272 = vector.broadcast %add3A_271 : i32 to vector<16xi32>
    %add3A_273 = arith.addi %iota3A, %add3A_272 : vector<16xi32>
    %swap3A_274 = arith.constant 1 : i32
    %swap3A_275 = arith.index_cast %swap3A_274 : i32 to index
    %swap3A_276 = arith.constant 0 : index
    %swap3A_277 = tpu.vector_load %arg16[%swap3A_275, %swap3A_276] {strides = array<i32>} : memref<4x32xi32, #tpu.memory_space<vmem>>, vector<16xi32>,
    tpu.vector_store %arg16[%swap3A_275, %swap3A_276], %add3A_273 {strides = array<i32>} : memref<4x32xi32, #tpu.memory_space<vmem>>, vector<16xi32>,
    %add3A_278 = arith.constant 48 : i32
    %add3A_279 = vector.broadcast %add3A_278 : i32 to vector<16xi32>
    %add3A_280 = arith.addi %iota3A, %add3A_279 : vector<16xi32>
    %swap3A_281 = arith.constant 1 : i32
    %swap3A_282 = arith.index_cast %swap3A_281 : i32 to index
    %swap3A_283 = arith.constant 16 : index
    %swap3A_284 = tpu.vector_load %arg16[%swap3A_282, %swap3A_283] {strides = array<i32>} : memref<4x32xi32, #tpu.memory_space<vmem>>, vector<16xi32>,
    tpu.vector_store %arg16[%swap3A_282, %swap3A_283], %add3A_280 {strides = array<i32>} : memref<4x32xi32, #tpu.memory_space<vmem>>, vector<16xi32>,
    %add3A_285 = arith.constant 64 : i32
    %add3A_286 = vector.broadcast %add3A_285 : i32 to vector<16xi32>
    %add3A_287 = arith.addi %iota3A, %add3A_286 : vector<16xi32>
    %swap3A_288 = arith.constant 2 : i32
    %swap3A_289 = arith.index_cast %swap3A_288 : i32 to index
    %swap3A_290 = arith.constant 0 : index
    %swap3A_291 = tpu.vector_load %arg16[%swap3A_289, %swap3A_290] {strides = array<i32>} : memref<4x32xi32, #tpu.memory_space<vmem>>, vector<16xi32>,
    tpu.vector_store %arg16[%swap3A_289, %swap3A_290], %add3A_287 {strides = array<i32>} : memref<4x32xi32, #tpu.memory_space<vmem>>, vector<16xi32>,
    %add3A_292 = arith.constant 80 : i32
    %add3A_293 = vector.broadcast %add3A_292 : i32 to vector<16xi32>
    %add3A_294 = arith.addi %iota3A, %add3A_293 : vector<16xi32>
    %swap3A_295 = arith.constant 2 : i32
    %swap3A_296 = arith.index_cast %swap3A_295 : i32 to index
    %swap3A_297 = arith.constant 16 : index
    %swap3A_298 = tpu.vector_load %arg16[%swap3A_296, %swap3A_297] {strides = array<i32>} : memref<4x32xi32, #tpu.memory_space<vmem>>, vector<16xi32>,
    tpu.vector_store %arg16[%swap3A_296, %swap3A_297], %add3A_294 {strides = array<i32>} : memref<4x32xi32, #tpu.memory_space<vmem>>, vector<16xi32>,
    %add3A_299 = arith.constant 96 : i32
    %add3A_300 = vector.broadcast %add3A_299 : i32 to vector<16xi32>
    %add3A_301 = arith.addi %iota3A, %add3A_300 : vector<16xi32>
    %swap3A_302 = arith.constant 3 : i32
    %swap3A_303 = arith.index_cast %swap3A_302 : i32 to index
    %swap3A_304 = arith.constant 0 : index
    %swap3A_305 = tpu.vector_load %arg16[%swap3A_303, %swap3A_304] {strides = array<i32>} : memref<4x32xi32, #tpu.memory_space<vmem>>, vector<16xi32>,
    tpu.vector_store %arg16[%swap3A_303, %swap3A_304], %add3A_301 {strides = array<i32>} : memref<4x32xi32, #tpu.memory_space<vmem>>, vector<16xi32>,
    %add3A_306 = arith.constant 112 : i32
    %add3A_307 = vector.broadcast %add3A_306 : i32 to vector<16xi32>
    %add3A_308 = arith.addi %iota3A, %add3A_307 : vector<16xi32>
    %swap3A_309 = arith.constant 3 : i32
    %swap3A_310 = arith.index_cast %swap3A_309 : i32 to index
    %swap3A_311 = arith.constant 16 : index
    %swap3A_312 = tpu.vector_load %arg16[%swap3A_310, %swap3A_311] {strides = array<i32>} : memref<4x32xi32, #tpu.memory_space<vmem>>, vector<16xi32>,
    tpu.vector_store %arg16[%swap3A_310, %swap3A_311], %add3A_308 {strides = array<i32>} : memref<4x32xi32, #tpu.memory_space<vmem>>, vector<16xi32>,
    %mul3A_313 = arith.constant 8 : i32
    %mul3A_314 = arith.muli %arg1, %mul3A_313 : i32
    "tpu.region"() ({
      %run_scoped3A_663 = tpu.sem_alloc : memref<!tpu.dma_semaphore, #tpu.memory_space<semaphore_mem>>
      %dma_start3A_664 = arith.constant 0 : i32
      %dma_start3A_665 = tpu.memref_slice %arg17[%mul3A_314, %dma_start3A_664] : memref<128x128xf32, #tpu.memory_space<vmem_shared>> -> memref<8x128xf32, #tpu.memory_space<vmem_shared>>
      %dma_start3A_666 = arith.constant 0 : i32
      %dma_start3A_667 = tpu.memref_slice %arg17[%mul3A_314, %dma_start3A_666] : memref<128x128xf32, #tpu.memory_space<vmem_shared>> -> memref<8x128xf32, #tpu.memory_space<vmem_shared>>
      tpu.enqueue_dma source(%arg15 : memref<8x128xf32, #tpu.memory_space<vmem>>) target(%dma_start3A_667 : memref<8x128xf32, #tpu.memory_space<vmem_shared>>) target_semaphore(%run_scoped3A_663 : memref<!tpu.dma_semaphore, #tpu.memory_space<semaphore_mem>>)
      %dma_wait3A_668 = arith.constant 0 : i32
      %dma_wait3A_669 = tpu.memref_slice %arg17[%mul3A_314, %dma_wait3A_668] : memref<128x128xf32, #tpu.memory_space<vmem_shared>> -> memref<8x128xf32, #tpu.memory_space<vmem_shared>>
      %dma_wait3A_670 = arith.constant 0 : i32
      %dma_wait3A_671 = tpu.memref_slice %arg17[%mul3A_314, %dma_wait3A_670] : memref<128x128xf32, #tpu.memory_space<vmem_shared>> -> memref<8x128xf32, #tpu.memory_space<vmem_shared>>
      tpu.wait_dma2 semaphore(%run_scoped3A_663 : memref<!tpu.dma_semaphore, #tpu.memory_space<semaphore_mem>>) src(%arg15 : memref<8x128xf32, #tpu.memory_space<vmem>>) dst(%dma_wait3A_671 : memref<8x128xf32, #tpu.memory_space<vmem_shared>>)
      tpu.yield
    }) : () -> ()
    %barrier3A = arith.constant 0 : index
    tpu.barrier barrier_id(%barrier3A)
    %dma_start3A = arith.constant 0 : i32
    %dma_start3A_315 = tpu.memref_slice %arg10[%dma_start3A] : memref<100096xf32, #tpu.memory_space<vmem>> -> memref<99968xf32, #tpu.memory_space<vmem>>
    %dma_start3A_316 = arith.constant 0 : i32
    %dma_start3A_317 = tpu.memref_slice %arg2[%add3A, %dma_start3A_316] : memref<64x100000xf32, #tpu.memory_space<hbm>> -> memref<1x99968xf32, #tpu.memory_space<hbm>>
    %dma_start3A_318 = tpu.memref_squeeze %dma_start3A_317 : memref<1x99968xf32, #tpu.memory_space<hbm>> -> memref<99968xf32, #tpu.memory_space<hbm>>
    %dma_start3A_319 = arith.constant 0 : i32
    %dma_start3A_320 = tpu.memref_slice %arg10[%dma_start3A_319] : memref<100096xf32, #tpu.memory_space<vmem>> -> memref<99968xf32, #tpu.memory_space<vmem>>
    %dma_start3A_321 = arith.constant 0 : i32
    %dma_start3A_322 = tpu.memref_slice %arg2[%add3A, %dma_start3A_321] : memref<64x100000xf32, #tpu.memory_space<hbm>> -> memref<1x99968xf32, #tpu.memory_space<hbm>>
    %dma_start3A_323 = tpu.memref_squeeze %dma_start3A_322 : memref<1x99968xf32, #tpu.memory_space<hbm>> -> memref<99968xf32, #tpu.memory_space<hbm>>
    tpu.enqueue_dma source(%dma_start3A_323 : memref<99968xf32, #tpu.memory_space<hbm>>) target(%dma_start3A_320 : memref<99968xf32, #tpu.memory_space<vmem>>) target_semaphore(%arg18 : memref<!tpu.dma_semaphore, #tpu.memory_space<semaphore_mem>>)
    %dma_start3A_324 = arith.constant 99968 : i32
    %dma_start3A_325 = tpu.memref_slice %arg10[%dma_start3A_324] : memref<100096xf32, #tpu.memory_space<vmem>> -> memref<128xf32, #tpu.memory_space<vmem>>
    %dma_start3A_326 = arith.constant 0 : i32
    %dma_start3A_327 = tpu.memref_slice %arg4[%add3A, %dma_start3A_326] : memref<64x128xf32, #tpu.memory_space<hbm>> -> memref<1x128xf32, #tpu.memory_space<hbm>>
    %dma_start3A_328 = tpu.memref_squeeze %dma_start3A_327 : memref<1x128xf32, #tpu.memory_space<hbm>> -> memref<128xf32, #tpu.memory_space<hbm>>
    %dma_start3A_329 = arith.constant 99968 : i32
    %dma_start3A_330 = tpu.memref_slice %arg10[%dma_start3A_329] : memref<100096xf32, #tpu.memory_space<vmem>> -> memref<128xf32, #tpu.memory_space<vmem>>
    %dma_start3A_331 = arith.constant 0 : i32
    %dma_start3A_332 = tpu.memref_slice %arg4[%add3A, %dma_start3A_331] : memref<64x128xf32, #tpu.memory_space<hbm>> -> memref<1x128xf32, #tpu.memory_space<hbm>>
    %dma_start3A_333 = tpu.memref_squeeze %dma_start3A_332 : memref<1x128xf32, #tpu.memory_space<hbm>> -> memref<128xf32, #tpu.memory_space<hbm>>
    tpu.enqueue_dma source(%dma_start3A_333 : memref<128xf32, #tpu.memory_space<hbm>>) target(%dma_start3A_330 : memref<128xf32, #tpu.memory_space<vmem>>) target_semaphore(%arg19 : memref<!tpu.dma_semaphore, #tpu.memory_space<semaphore_mem>>)
    %dma_start3A_334 = arith.constant 0 : i32
    %dma_start3A_335 = tpu.memref_slice %arg6[%dma_start3A_334] : memref<16384xi32, #tpu.memory_space<hbm>> -> memref<4096xi32, #tpu.memory_space<hbm>>
    %dma_start3A_336 = arith.constant 0 : i32
    %dma_start3A_337 = tpu.memref_slice %arg6[%dma_start3A_336] : memref<16384xi32, #tpu.memory_space<hbm>> -> memref<4096xi32, #tpu.memory_space<hbm>>
    tpu.enqueue_dma source(%dma_start3A_337 : memref<4096xi32, #tpu.memory_space<hbm>>) target(%arg12 : memref<4096xi32, #tpu.memory_space<vmem>>) target_semaphore(%arg20 : memref<!tpu.dma_semaphore, #tpu.memory_space<semaphore_mem>>)
    %dma_wait3A = arith.constant 0 : i32
    %dma_wait3A_338 = tpu.memref_slice %arg10[%dma_wait3A] : memref<100096xf32, #tpu.memory_space<vmem>> -> memref<99968xf32, #tpu.memory_space<vmem>>
    %dma_wait3A_339 = arith.constant 0 : i32
    %dma_wait3A_340 = tpu.memref_slice %arg2[%add3A, %dma_wait3A_339] : memref<64x100000xf32, #tpu.memory_space<hbm>> -> memref<1x99968xf32, #tpu.memory_space<hbm>>
    %dma_wait3A_341 = tpu.memref_squeeze %dma_wait3A_340 : memref<1x99968xf32, #tpu.memory_space<hbm>> -> memref<99968xf32, #tpu.memory_space<hbm>>
    %dma_wait3A_342 = arith.constant 0 : i32
    %dma_wait3A_343 = tpu.memref_slice %arg10[%dma_wait3A_342] : memref<100096xf32, #tpu.memory_space<vmem>> -> memref<99968xf32, #tpu.memory_space<vmem>>
    %dma_wait3A_344 = arith.constant 0 : i32
    %dma_wait3A_345 = tpu.memref_slice %arg2[%add3A, %dma_wait3A_344] : memref<64x100000xf32, #tpu.memory_space<hbm>> -> memref<1x99968xf32, #tpu.memory_space<hbm>>
    %dma_wait3A_346 = tpu.memref_squeeze %dma_wait3A_345 : memref<1x99968xf32, #tpu.memory_space<hbm>> -> memref<99968xf32, #tpu.memory_space<hbm>>
    tpu.wait_dma2 semaphore(%arg18 : memref<!tpu.dma_semaphore, #tpu.memory_space<semaphore_mem>>) src(%dma_wait3A_346 : memref<99968xf32, #tpu.memory_space<hbm>>) dst(%dma_wait3A_343 : memref<99968xf32, #tpu.memory_space<vmem>>)
    %dma_wait3A_347 = arith.constant 99968 : i32
    %dma_wait3A_348 = tpu.memref_slice %arg10[%dma_wait3A_347] : memref<100096xf32, #tpu.memory_space<vmem>> -> memref<128xf32, #tpu.memory_space<vmem>>
    %dma_wait3A_349 = arith.constant 0 : i32
    %dma_wait3A_350 = tpu.memref_slice %arg4[%add3A, %dma_wait3A_349] : memref<64x128xf32, #tpu.memory_space<hbm>> -> memref<1x128xf32, #tpu.memory_space<hbm>>
    %dma_wait3A_351 = tpu.memref_squeeze %dma_wait3A_350 : memref<1x128xf32, #tpu.memory_space<hbm>> -> memref<128xf32, #tpu.memory_space<hbm>>
    %dma_wait3A_352 = arith.constant 99968 : i32
    %dma_wait3A_353 = tpu.memref_slice %arg10[%dma_wait3A_352] : memref<100096xf32, #tpu.memory_space<vmem>> -> memref<128xf32, #tpu.memory_space<vmem>>
    %dma_wait3A_354 = arith.constant 0 : i32
    %dma_wait3A_355 = tpu.memref_slice %arg4[%add3A, %dma_wait3A_354] : memref<64x128xf32, #tpu.memory_space<hbm>> -> memref<1x128xf32, #tpu.memory_space<hbm>>
    %dma_wait3A_356 = tpu.memref_squeeze %dma_wait3A_355 : memref<1x128xf32, #tpu.memory_space<hbm>> -> memref<128xf32, #tpu.memory_space<hbm>>
    tpu.wait_dma2 semaphore(%arg19 : memref<!tpu.dma_semaphore, #tpu.memory_space<semaphore_mem>>) src(%dma_wait3A_356 : memref<128xf32, #tpu.memory_space<hbm>>) dst(%dma_wait3A_353 : memref<128xf32, #tpu.memory_space<vmem>>)
    %broadcast_in_dim3A_357 = vector.broadcast %add3A : i32 to vector<16xi32>
    %gather3A = tpu.vector_load_idx %arg14[%broadcast_in_dim3A_357] : memref<64xf32, #tpu.memory_space<vmem>>[vector<16xi32>], vector<16xf32>,
    %dma_start3A_358 = arith.constant 4096 : i32
    %dma_start3A_359 = tpu.memref_slice %arg6[%dma_start3A_358] : memref<16384xi32, #tpu.memory_space<hbm>> -> memref<4096xi32, #tpu.memory_space<hbm>>
    %dma_start3A_360 = arith.constant 4096 : i32
    %dma_start3A_361 = tpu.memref_slice %arg6[%dma_start3A_360] : memref<16384xi32, #tpu.memory_space<hbm>> -> memref<4096xi32, #tpu.memory_space<hbm>>
    tpu.enqueue_dma source(%dma_start3A_361 : memref<4096xi32, #tpu.memory_space<hbm>>) target(%arg13 : memref<4096xi32, #tpu.memory_space<vmem>>) target_semaphore(%arg21 : memref<!tpu.dma_semaphore, #tpu.memory_space<semaphore_mem>>)
    %dma_wait3A_362 = arith.constant 0 : i32
    %dma_wait3A_363 = tpu.memref_slice %arg6[%dma_wait3A_362] : memref<16384xi32, #tpu.memory_space<hbm>> -> memref<4096xi32, #tpu.memory_space<hbm>>
    %dma_wait3A_364 = arith.constant 0 : i32
    %dma_wait3A_365 = tpu.memref_slice %arg6[%dma_wait3A_364] : memref<16384xi32, #tpu.memory_space<hbm>> -> memref<4096xi32, #tpu.memory_space<hbm>>
    tpu.wait_dma2 semaphore(%arg20 : memref<!tpu.dma_semaphore, #tpu.memory_space<semaphore_mem>>) src(%dma_wait3A_365 : memref<4096xi32, #tpu.memory_space<hbm>>) dst(%arg12 : memref<4096xi32, #tpu.memory_space<vmem>>)
    %parallel_loop3A = arith.constant 0 : i32
    %parallel_loop3A_366 = arith.constant 256 : i32
    %parallel_loop3A_367 = arith.constant 1 : i32
    scf.for %parallel_loop3A_663 = %parallel_loop3A to %parallel_loop3A_366 step %parallel_loop3A_367  : i32 {
      %parallel_loop3A_664 = arith.constant 16 : i32
      %parallel_loop3A_665 = arith.muli %parallel_loop3A_663, %parallel_loop3A_664 : i32
      %parallel_loop3A_666 = arith.index_cast %parallel_loop3A_665 : i32 to index
      %parallel_loop3A_667 = tpu.vector_load %arg12[%parallel_loop3A_666] {strides = array<i32>} : memref<4096xi32, #tpu.memory_space<vmem>>, vector<16xi32>,
      %parallel_loop3A_668 = arith.constant 3 : i32
      %parallel_loop3A_669 = arith.shrui %parallel_loop3A_663, %parallel_loop3A_668 : i32
      %parallel_loop3A_670 = arith.constant 0 : i32
      %parallel_loop3A_671 = arith.addi %parallel_loop3A_670, %parallel_loop3A_669 : i32
      %parallel_loop3A_672 = arith.constant 7 : i32
      %parallel_loop3A_673 = arith.andi %parallel_loop3A_663, %parallel_loop3A_672 : i32
      %parallel_loop3A_674 = arith.constant 16 : i32
      %parallel_loop3A_675 = arith.muli %parallel_loop3A_673, %parallel_loop3A_674 : i32
      %parallel_loop3A_676 = tpu.vector_load_idx %arg10[%parallel_loop3A_667] : memref<100096xf32, #tpu.memory_space<vmem>>[vector<16xi32>], vector<16xf32>,
      %parallel_loop3A_677 = arith.mulf %parallel_loop3A_676, %gather3A : vector<16xf32>
      %parallel_loop3A_678 = arith.index_cast %parallel_loop3A_671 : i32 to index
      %parallel_loop3A_679 = arith.index_cast %parallel_loop3A_675 : i32 to index
      %parallel_loop3A_680 = tpu.vector_load %arg11[%parallel_loop3A_678, %parallel_loop3A_679] {strides = array<i32>} : memref<128x128xf32, #tpu.memory_space<vmem>>, vector<16xf32>,
      tpu.vector_store %arg11[%parallel_loop3A_678, %parallel_loop3A_679], %parallel_loop3A_677 {strides = array<i32>} : memref<128x128xf32, #tpu.memory_space<vmem>>, vector<16xf32>,
    } {sc.loop_unroll_factor = 4 : i64, sc.parallel_access}
    %dma_start3A_368 = arith.constant 8192 : i32
    %dma_start3A_369 = tpu.memref_slice %arg6[%dma_start3A_368] : memref<16384xi32, #tpu.memory_space<hbm>> -> memref<4096xi32, #tpu.memory_space<hbm>>
    %dma_start3A_370 = arith.constant 8192 : i32
    %dma_start3A_371 = tpu.memref_slice %arg6[%dma_start3A_370] : memref<16384xi32, #tpu.memory_space<hbm>> -> memref<4096xi32, #tpu.memory_space<hbm>>
    tpu.enqueue_dma source(%dma_start3A_371 : memref<4096xi32, #tpu.memory_space<hbm>>) target(%arg12 : memref<4096xi32, #tpu.memory_space<vmem>>) target_semaphore(%arg20 : memref<!tpu.dma_semaphore, #tpu.memory_space<semaphore_mem>>)
    %dma_wait3A_372 = arith.constant 0 : i32
    %dma_wait3A_373 = tpu.memref_slice %arg6[%dma_wait3A_372] : memref<16384xi32, #tpu.memory_space<hbm>> -> memref<4096xi32, #tpu.memory_space<hbm>>
    %dma_wait3A_374 = arith.constant 0 : i32
    %dma_wait3A_375 = tpu.memref_slice %arg6[%dma_wait3A_374] : memref<16384xi32, #tpu.memory_space<hbm>> -> memref<4096xi32, #tpu.memory_space<hbm>>
    tpu.wait_dma2 semaphore(%arg21 : memref<!tpu.dma_semaphore, #tpu.memory_space<semaphore_mem>>) src(%dma_wait3A_375 : memref<4096xi32, #tpu.memory_space<hbm>>) dst(%arg13 : memref<4096xi32, #tpu.memory_space<vmem>>)
    %parallel_loop3A_376 = arith.constant 0 : i32
    %parallel_loop3A_377 = arith.constant 256 : i32
    %parallel_loop3A_378 = arith.constant 1 : i32
    scf.for %parallel_loop3A_663 = %parallel_loop3A_376 to %parallel_loop3A_377 step %parallel_loop3A_378  : i32 {
      %parallel_loop3A_664 = arith.constant 16 : i32
      %parallel_loop3A_665 = arith.muli %parallel_loop3A_663, %parallel_loop3A_664 : i32
      %parallel_loop3A_666 = arith.index_cast %parallel_loop3A_665 : i32 to index
      %parallel_loop3A_667 = tpu.vector_load %arg13[%parallel_loop3A_666] {strides = array<i32>} : memref<4096xi32, #tpu.memory_space<vmem>>, vector<16xi32>,
      %parallel_loop3A_668 = arith.constant 3 : i32
      %parallel_loop3A_669 = arith.shrui %parallel_loop3A_663, %parallel_loop3A_668 : i32
      %parallel_loop3A_670 = arith.constant 32 : i32
      %parallel_loop3A_671 = arith.addi %parallel_loop3A_670, %parallel_loop3A_669 : i32
      %parallel_loop3A_672 = arith.constant 7 : i32
      %parallel_loop3A_673 = arith.andi %parallel_loop3A_663, %parallel_loop3A_672 : i32
      %parallel_loop3A_674 = arith.constant 16 : i32
      %parallel_loop3A_675 = arith.muli %parallel_loop3A_673, %parallel_loop3A_674 : i32
      %parallel_loop3A_676 = tpu.vector_load_idx %arg10[%parallel_loop3A_667] : memref<100096xf32, #tpu.memory_space<vmem>>[vector<16xi32>], vector<16xf32>,
      %parallel_loop3A_677 = arith.mulf %parallel_loop3A_676, %gather3A : vector<16xf32>
      %parallel_loop3A_678 = arith.index_cast %parallel_loop3A_671 : i32 to index
      %parallel_loop3A_679 = arith.index_cast %parallel_loop3A_675 : i32 to index
      %parallel_loop3A_680 = tpu.vector_load %arg11[%parallel_loop3A_678, %parallel_loop3A_679] {strides = array<i32>} : memref<128x128xf32, #tpu.memory_space<vmem>>, vector<16xf32>,
      tpu.vector_store %arg11[%parallel_loop3A_678, %parallel_loop3A_679], %parallel_loop3A_677 {strides = array<i32>} : memref<128x128xf32, #tpu.memory_space<vmem>>, vector<16xf32>,
    } {sc.loop_unroll_factor = 4 : i64, sc.parallel_access}
    %dma_start3A_379 = arith.constant 12288 : i32
    %dma_start3A_380 = tpu.memref_slice %arg6[%dma_start3A_379] : memref<16384xi32, #tpu.memory_space<hbm>> -> memref<4096xi32, #tpu.memory_space<hbm>>
    %dma_start3A_381 = arith.constant 12288 : i32
    %dma_start3A_382 = tpu.memref_slice %arg6[%dma_start3A_381] : memref<16384xi32, #tpu.memory_space<hbm>> -> memref<4096xi32, #tpu.memory_space<hbm>>
    tpu.enqueue_dma source(%dma_start3A_382 : memref<4096xi32, #tpu.memory_space<hbm>>) target(%arg13 : memref<4096xi32, #tpu.memory_space<vmem>>) target_semaphore(%arg21 : memref<!tpu.dma_semaphore, #tpu.memory_space<semaphore_mem>>)
    %dma_wait3A_383 = arith.constant 0 : i32
    %dma_wait3A_384 = tpu.memref_slice %arg6[%dma_wait3A_383] : memref<16384xi32, #tpu.memory_space<hbm>> -> memref<4096xi32, #tpu.memory_space<hbm>>
    %dma_wait3A_385 = arith.constant 0 : i32
    %dma_wait3A_386 = tpu.memref_slice %arg6[%dma_wait3A_385] : memref<16384xi32, #tpu.memory_space<hbm>> -> memref<4096xi32, #tpu.memory_space<hbm>>
    tpu.wait_dma2 semaphore(%arg20 : memref<!tpu.dma_semaphore, #tpu.memory_space<semaphore_mem>>) src(%dma_wait3A_386 : memref<4096xi32, #tpu.memory_space<hbm>>) dst(%arg12 : memref<4096xi32, #tpu.memory_space<vmem>>)
    %parallel_loop3A_387 = arith.constant 0 : i32
    %parallel_loop3A_388 = arith.constant 256 : i32
    %parallel_loop3A_389 = arith.constant 1 : i32
    scf.for %parallel_loop3A_663 = %parallel_loop3A_387 to %parallel_loop3A_388 step %parallel_loop3A_389  : i32 {
      %parallel_loop3A_664 = arith.constant 16 : i32
      %parallel_loop3A_665 = arith.muli %parallel_loop3A_663, %parallel_loop3A_664 : i32
      %parallel_loop3A_666 = arith.index_cast %parallel_loop3A_665 : i32 to index
      %parallel_loop3A_667 = tpu.vector_load %arg12[%parallel_loop3A_666] {strides = array<i32>} : memref<4096xi32, #tpu.memory_space<vmem>>, vector<16xi32>,
      %parallel_loop3A_668 = arith.constant 3 : i32
      %parallel_loop3A_669 = arith.shrui %parallel_loop3A_663, %parallel_loop3A_668 : i32
      %parallel_loop3A_670 = arith.constant 64 : i32
      %parallel_loop3A_671 = arith.addi %parallel_loop3A_670, %parallel_loop3A_669 : i32
      %parallel_loop3A_672 = arith.constant 7 : i32
      %parallel_loop3A_673 = arith.andi %parallel_loop3A_663, %parallel_loop3A_672 : i32
      %parallel_loop3A_674 = arith.constant 16 : i32
      %parallel_loop3A_675 = arith.muli %parallel_loop3A_673, %parallel_loop3A_674 : i32
      %parallel_loop3A_676 = tpu.vector_load_idx %arg10[%parallel_loop3A_667] : memref<100096xf32, #tpu.memory_space<vmem>>[vector<16xi32>], vector<16xf32>,
      %parallel_loop3A_677 = arith.mulf %parallel_loop3A_676, %gather3A : vector<16xf32>
      %parallel_loop3A_678 = arith.index_cast %parallel_loop3A_671 : i32 to index
      %parallel_loop3A_679 = arith.index_cast %parallel_loop3A_675 : i32 to index
      %parallel_loop3A_680 = tpu.vector_load %arg11[%parallel_loop3A_678, %parallel_loop3A_679] {strides = array<i32>} : memref<128x128xf32, #tpu.memory_space<vmem>>, vector<16xf32>,
      tpu.vector_store %arg11[%parallel_loop3A_678, %parallel_loop3A_679], %parallel_loop3A_677 {strides = array<i32>} : memref<128x128xf32, #tpu.memory_space<vmem>>, vector<16xf32>,
    } {sc.loop_unroll_factor = 4 : i64, sc.parallel_access}
    %dma_wait3A_390 = arith.constant 0 : i32
    %dma_wait3A_391 = tpu.memref_slice %arg6[%dma_wait3A_390] : memref<16384xi32, #tpu.memory_space<hbm>> -> memref<4096xi32, #tpu.memory_space<hbm>>
    %dma_wait3A_392 = arith.constant 0 : i32
    %dma_wait3A_393 = tpu.memref_slice %arg6[%dma_wait3A_392] : memref<16384xi32, #tpu.memory_space<hbm>> -> memref<4096xi32, #tpu.memory_space<hbm>>
    tpu.wait_dma2 semaphore(%arg21 : memref<!tpu.dma_semaphore, #tpu.memory_space<semaphore_mem>>) src(%dma_wait3A_393 : memref<4096xi32, #tpu.memory_space<hbm>>) dst(%arg13 : memref<4096xi32, #tpu.memory_space<vmem>>)
    %parallel_loop3A_394 = arith.constant 0 : i32
    %parallel_loop3A_395 = arith.constant 256 : i32
    %parallel_loop3A_396 = arith.constant 1 : i32
    scf.for %parallel_loop3A_663 = %parallel_loop3A_394 to %parallel_loop3A_395 step %parallel_loop3A_396  : i32 {
      %parallel_loop3A_664 = arith.constant 16 : i32
      %parallel_loop3A_665 = arith.muli %parallel_loop3A_663, %parallel_loop3A_664 : i32
      %parallel_loop3A_666 = arith.index_cast %parallel_loop3A_665 : i32 to index
      %parallel_loop3A_667 = tpu.vector_load %arg13[%parallel_loop3A_666] {strides = array<i32>} : memref<4096xi32, #tpu.memory_space<vmem>>, vector<16xi32>,
      %parallel_loop3A_668 = arith.constant 3 : i32
      %parallel_loop3A_669 = arith.shrui %parallel_loop3A_663, %parallel_loop3A_668 : i32
      %parallel_loop3A_670 = arith.constant 96 : i32
      %parallel_loop3A_671 = arith.addi %parallel_loop3A_670, %parallel_loop3A_669 : i32
      %parallel_loop3A_672 = arith.constant 7 : i32
      %parallel_loop3A_673 = arith.andi %parallel_loop3A_663, %parallel_loop3A_672 : i32
      %parallel_loop3A_674 = arith.constant 16 : i32
      %parallel_loop3A_675 = arith.muli %parallel_loop3A_673, %parallel_loop3A_674 : i32
      %parallel_loop3A_676 = tpu.vector_load_idx %arg10[%parallel_loop3A_667] : memref<100096xf32, #tpu.memory_space<vmem>>[vector<16xi32>], vector<16xf32>,
      %parallel_loop3A_677 = arith.mulf %parallel_loop3A_676, %gather3A : vector<16xf32>
      %parallel_loop3A_678 = arith.index_cast %parallel_loop3A_671 : i32 to index
      %parallel_loop3A_679 = arith.index_cast %parallel_loop3A_675 : i32 to index
      %parallel_loop3A_680 = tpu.vector_load %arg11[%parallel_loop3A_678, %parallel_loop3A_679] {strides = array<i32>} : memref<128x128xf32, #tpu.memory_space<vmem>>, vector<16xf32>,
      tpu.vector_store %arg11[%parallel_loop3A_678, %parallel_loop3A_679], %parallel_loop3A_677 {strides = array<i32>} : memref<128x128xf32, #tpu.memory_space<vmem>>, vector<16xf32>,
    } {sc.loop_unroll_factor = 4 : i64, sc.parallel_access}
    %dma_start3A_397 = arith.constant 0 : i32
    %dma_start3A_398 = tpu.memref_slice %arg10[%dma_start3A_397] : memref<100096xf32, #tpu.memory_space<vmem>> -> memref<99968xf32, #tpu.memory_space<vmem>>
    %dma_start3A_399 = arith.constant 0 : i32
    %dma_start3A_400 = tpu.memref_slice %arg3[%add3A, %dma_start3A_399] : memref<64x100000xf32, #tpu.memory_space<hbm>> -> memref<1x99968xf32, #tpu.memory_space<hbm>>
    %dma_start3A_401 = tpu.memref_squeeze %dma_start3A_400 : memref<1x99968xf32, #tpu.memory_space<hbm>> -> memref<99968xf32, #tpu.memory_space<hbm>>
    %dma_start3A_402 = arith.constant 0 : i32
    %dma_start3A_403 = tpu.memref_slice %arg10[%dma_start3A_402] : memref<100096xf32, #tpu.memory_space<vmem>> -> memref<99968xf32, #tpu.memory_space<vmem>>
    %dma_start3A_404 = arith.constant 0 : i32
    %dma_start3A_405 = tpu.memref_slice %arg3[%add3A, %dma_start3A_404] : memref<64x100000xf32, #tpu.memory_space<hbm>> -> memref<1x99968xf32, #tpu.memory_space<hbm>>
    %dma_start3A_406 = tpu.memref_squeeze %dma_start3A_405 : memref<1x99968xf32, #tpu.memory_space<hbm>> -> memref<99968xf32, #tpu.memory_space<hbm>>
    tpu.enqueue_dma source(%dma_start3A_406 : memref<99968xf32, #tpu.memory_space<hbm>>) target(%dma_start3A_403 : memref<99968xf32, #tpu.memory_space<vmem>>) target_semaphore(%arg18 : memref<!tpu.dma_semaphore, #tpu.memory_space<semaphore_mem>>)
    %dma_start3A_407 = arith.constant 99968 : i32
    %dma_start3A_408 = tpu.memref_slice %arg10[%dma_start3A_407] : memref<100096xf32, #tpu.memory_space<vmem>> -> memref<128xf32, #tpu.memory_space<vmem>>
    %dma_start3A_409 = arith.constant 0 : i32
    %dma_start3A_410 = tpu.memref_slice %arg5[%add3A, %dma_start3A_409] : memref<64x128xf32, #tpu.memory_space<hbm>> -> memref<1x128xf32, #tpu.memory_space<hbm>>
    %dma_start3A_411 = tpu.memref_squeeze %dma_start3A_410 : memref<1x128xf32, #tpu.memory_space<hbm>> -> memref<128xf32, #tpu.memory_space<hbm>>
    %dma_start3A_412 = arith.constant 99968 : i32
    %dma_start3A_413 = tpu.memref_slice %arg10[%dma_start3A_412] : memref<100096xf32, #tpu.memory_space<vmem>> -> memref<128xf32, #tpu.memory_space<vmem>>
    %dma_start3A_414 = arith.constant 0 : i32
    %dma_start3A_415 = tpu.memref_slice %arg5[%add3A, %dma_start3A_414] : memref<64x128xf32, #tpu.memory_space<hbm>> -> memref<1x128xf32, #tpu.memory_space<hbm>>
    %dma_start3A_416 = tpu.memref_squeeze %dma_start3A_415 : memref<1x128xf32, #tpu.memory_space<hbm>> -> memref<128xf32, #tpu.memory_space<hbm>>
    tpu.enqueue_dma source(%dma_start3A_416 : memref<128xf32, #tpu.memory_space<hbm>>) target(%dma_start3A_413 : memref<128xf32, #tpu.memory_space<vmem>>) target_semaphore(%arg19 : memref<!tpu.dma_semaphore, #tpu.memory_space<semaphore_mem>>)
    %dma_start3A_417 = arith.constant 0 : i32
    %dma_start3A_418 = tpu.memref_slice %arg7[%dma_start3A_417] : memref<16384xi32, #tpu.memory_space<hbm>> -> memref<4096xi32, #tpu.memory_space<hbm>>
    %dma_start3A_419 = arith.constant 0 : i32
    %dma_start3A_420 = tpu.memref_slice %arg7[%dma_start3A_419] : memref<16384xi32, #tpu.memory_space<hbm>> -> memref<4096xi32, #tpu.memory_space<hbm>>
    tpu.enqueue_dma source(%dma_start3A_420 : memref<4096xi32, #tpu.memory_space<hbm>>) target(%arg12 : memref<4096xi32, #tpu.memory_space<vmem>>) target_semaphore(%arg20 : memref<!tpu.dma_semaphore, #tpu.memory_space<semaphore_mem>>)
    %dma_wait3A_421 = arith.constant 0 : i32
    %dma_wait3A_422 = tpu.memref_slice %arg10[%dma_wait3A_421] : memref<100096xf32, #tpu.memory_space<vmem>> -> memref<99968xf32, #tpu.memory_space<vmem>>
    %dma_wait3A_423 = arith.constant 0 : i32
    %dma_wait3A_424 = tpu.memref_slice %arg3[%add3A, %dma_wait3A_423] : memref<64x100000xf32, #tpu.memory_space<hbm>> -> memref<1x99968xf32, #tpu.memory_space<hbm>>
    %dma_wait3A_425 = tpu.memref_squeeze %dma_wait3A_424 : memref<1x99968xf32, #tpu.memory_space<hbm>> -> memref<99968xf32, #tpu.memory_space<hbm>>
    %dma_wait3A_426 = arith.constant 0 : i32
    %dma_wait3A_427 = tpu.memref_slice %arg10[%dma_wait3A_426] : memref<100096xf32, #tpu.memory_space<vmem>> -> memref<99968xf32, #tpu.memory_space<vmem>>
    %dma_wait3A_428 = arith.constant 0 : i32
    %dma_wait3A_429 = tpu.memref_slice %arg3[%add3A, %dma_wait3A_428] : memref<64x100000xf32, #tpu.memory_space<hbm>> -> memref<1x99968xf32, #tpu.memory_space<hbm>>
    %dma_wait3A_430 = tpu.memref_squeeze %dma_wait3A_429 : memref<1x99968xf32, #tpu.memory_space<hbm>> -> memref<99968xf32, #tpu.memory_space<hbm>>
    tpu.wait_dma2 semaphore(%arg18 : memref<!tpu.dma_semaphore, #tpu.memory_space<semaphore_mem>>) src(%dma_wait3A_430 : memref<99968xf32, #tpu.memory_space<hbm>>) dst(%dma_wait3A_427 : memref<99968xf32, #tpu.memory_space<vmem>>)
    %dma_wait3A_431 = arith.constant 99968 : i32
    %dma_wait3A_432 = tpu.memref_slice %arg10[%dma_wait3A_431] : memref<100096xf32, #tpu.memory_space<vmem>> -> memref<128xf32, #tpu.memory_space<vmem>>
    %dma_wait3A_433 = arith.constant 0 : i32
    %dma_wait3A_434 = tpu.memref_slice %arg5[%add3A, %dma_wait3A_433] : memref<64x128xf32, #tpu.memory_space<hbm>> -> memref<1x128xf32, #tpu.memory_space<hbm>>
    %dma_wait3A_435 = tpu.memref_squeeze %dma_wait3A_434 : memref<1x128xf32, #tpu.memory_space<hbm>> -> memref<128xf32, #tpu.memory_space<hbm>>
    %dma_wait3A_436 = arith.constant 99968 : i32
    %dma_wait3A_437 = tpu.memref_slice %arg10[%dma_wait3A_436] : memref<100096xf32, #tpu.memory_space<vmem>> -> memref<128xf32, #tpu.memory_space<vmem>>
    %dma_wait3A_438 = arith.constant 0 : i32
    %dma_wait3A_439 = tpu.memref_slice %arg5[%add3A, %dma_wait3A_438] : memref<64x128xf32, #tpu.memory_space<hbm>> -> memref<1x128xf32, #tpu.memory_space<hbm>>
    %dma_wait3A_440 = tpu.memref_squeeze %dma_wait3A_439 : memref<1x128xf32, #tpu.memory_space<hbm>> -> memref<128xf32, #tpu.memory_space<hbm>>
    tpu.wait_dma2 semaphore(%arg19 : memref<!tpu.dma_semaphore, #tpu.memory_space<semaphore_mem>>) src(%dma_wait3A_440 : memref<128xf32, #tpu.memory_space<hbm>>) dst(%dma_wait3A_437 : memref<128xf32, #tpu.memory_space<vmem>>)
    %dma_start3A_441 = arith.constant 4096 : i32
    %dma_start3A_442 = tpu.memref_slice %arg7[%dma_start3A_441] : memref<16384xi32, #tpu.memory_space<hbm>> -> memref<4096xi32, #tpu.memory_space<hbm>>
    %dma_start3A_443 = arith.constant 4096 : i32
    %dma_start3A_444 = tpu.memref_slice %arg7[%dma_start3A_443] : memref<16384xi32, #tpu.memory_space<hbm>> -> memref<4096xi32, #tpu.memory_space<hbm>>
    tpu.enqueue_dma source(%dma_start3A_444 : memref<4096xi32, #tpu.memory_space<hbm>>) target(%arg13 : memref<4096xi32, #tpu.memory_space<vmem>>) target_semaphore(%arg21 : memref<!tpu.dma_semaphore, #tpu.memory_space<semaphore_mem>>)
    %dma_wait3A_445 = arith.constant 0 : i32
    %dma_wait3A_446 = tpu.memref_slice %arg7[%dma_wait3A_445] : memref<16384xi32, #tpu.memory_space<hbm>> -> memref<4096xi32, #tpu.memory_space<hbm>>
    %dma_wait3A_447 = arith.constant 0 : i32
    %dma_wait3A_448 = tpu.memref_slice %arg7[%dma_wait3A_447] : memref<16384xi32, #tpu.memory_space<hbm>> -> memref<4096xi32, #tpu.memory_space<hbm>>
    tpu.wait_dma2 semaphore(%arg20 : memref<!tpu.dma_semaphore, #tpu.memory_space<semaphore_mem>>) src(%dma_wait3A_448 : memref<4096xi32, #tpu.memory_space<hbm>>) dst(%arg12 : memref<4096xi32, #tpu.memory_space<vmem>>)
    %parallel_loop3A_449 = arith.constant 0 : i32
    %parallel_loop3A_450 = arith.constant 256 : i32
    %parallel_loop3A_451 = arith.constant 1 : i32
    scf.for %parallel_loop3A_663 = %parallel_loop3A_449 to %parallel_loop3A_450 step %parallel_loop3A_451  : i32 {
      %parallel_loop3A_664 = arith.constant 16 : i32
      %parallel_loop3A_665 = arith.muli %parallel_loop3A_663, %parallel_loop3A_664 : i32
      %parallel_loop3A_666 = arith.index_cast %parallel_loop3A_665 : i32 to index
      %parallel_loop3A_667 = tpu.vector_load %arg12[%parallel_loop3A_666] {strides = array<i32>} : memref<4096xi32, #tpu.memory_space<vmem>>, vector<16xi32>,
      %parallel_loop3A_668 = arith.constant 3 : i32
      %parallel_loop3A_669 = arith.shrui %parallel_loop3A_663, %parallel_loop3A_668 : i32
      %parallel_loop3A_670 = arith.constant 0 : i32
      %parallel_loop3A_671 = arith.addi %parallel_loop3A_670, %parallel_loop3A_669 : i32
      %parallel_loop3A_672 = arith.constant 7 : i32
      %parallel_loop3A_673 = arith.andi %parallel_loop3A_663, %parallel_loop3A_672 : i32
      %parallel_loop3A_674 = arith.constant 16 : i32
      %parallel_loop3A_675 = arith.muli %parallel_loop3A_673, %parallel_loop3A_674 : i32
      %parallel_loop3A_676 = arith.index_cast %parallel_loop3A_671 : i32 to index
      %parallel_loop3A_677 = arith.index_cast %parallel_loop3A_675 : i32 to index
      %parallel_loop3A_678 = tpu.vector_load %arg11[%parallel_loop3A_676, %parallel_loop3A_677] {strides = array<i32>} : memref<128x128xf32, #tpu.memory_space<vmem>>, vector<16xf32>,
      %parallel_loop3A_679 = tpu.vector_load_idx %arg10[%parallel_loop3A_667] : memref<100096xf32, #tpu.memory_space<vmem>>[vector<16xi32>], vector<16xf32>,
      %parallel_loop3A_680 = arith.mulf %parallel_loop3A_678, %parallel_loop3A_679 : vector<16xf32>
      %parallel_loop3A_681 = arith.index_cast %parallel_loop3A_671 : i32 to index
      %parallel_loop3A_682 = arith.index_cast %parallel_loop3A_675 : i32 to index
      %parallel_loop3A_683 = tpu.vector_load %arg11[%parallel_loop3A_681, %parallel_loop3A_682] {strides = array<i32>} : memref<128x128xf32, #tpu.memory_space<vmem>>, vector<16xf32>,
      tpu.vector_store %arg11[%parallel_loop3A_681, %parallel_loop3A_682], %parallel_loop3A_680 {strides = array<i32>} : memref<128x128xf32, #tpu.memory_space<vmem>>, vector<16xf32>,
    } {sc.loop_unroll_factor = 4 : i64, sc.parallel_access}
    %run_scoped3A = arith.constant 0 : i32
    "tpu.region"() ({
      %run_scoped3A_663 = tpu.sem_alloc : memref<!tpu.dma_semaphore, #tpu.memory_space<semaphore_mem>>
      %dma_start3A_664 = arith.constant 0 : i32
      %dma_start3A_665 = arith.constant 0 : i32
      %dma_start3A_666 = tpu.memref_slice %arg11[%dma_start3A_664, %dma_start3A_665] : memref<128x128xf32, #tpu.memory_space<vmem>> -> memref<32x128xf32, #tpu.memory_space<vmem>>
      %dma_start3A_667 = arith.constant 0 : i32
      %dma_start3A_668 = tpu.memref_slice %arg16[%run_scoped3A, %dma_start3A_667] : memref<4x32xi32, #tpu.memory_space<vmem>> -> memref<1x32xi32, #tpu.memory_space<vmem>>
      %dma_start3A_669 = tpu.memref_squeeze %dma_start3A_668 : memref<1x32xi32, #tpu.memory_space<vmem>> -> memref<32xi32, #tpu.memory_space<vmem>>
      %dma_start3A_670 = arith.constant 0 : i32
      %dma_start3A_671 = arith.constant 0 : i32
      %dma_start3A_672 = tpu.memref_slice %arg17[%dma_start3A_670, %dma_start3A_671] : memref<128x128xf32, #tpu.memory_space<vmem_shared>> -> memref<128x128xf32, #tpu.memory_space<vmem_shared>>
      tpu.enqueue_indirect_dma source(%dma_start3A_666 : memref<32x128xf32, #tpu.memory_space<vmem>>) target(%dma_start3A_672 : memref<128x128xf32, #tpu.memory_space<vmem_shared>>) offsets(%dma_start3A_669 : memref<32xi32, #tpu.memory_space<vmem>>) semaphore(%run_scoped3A_663 : memref<!tpu.dma_semaphore, #tpu.memory_space<semaphore_mem>>) {add = true}
      %dma_wait3A_673 = arith.constant 0 : i32
      %dma_wait3A_674 = arith.constant 0 : i32
      %dma_wait3A_675 = tpu.memref_slice %arg11[%dma_wait3A_673, %dma_wait3A_674] : memref<128x128xf32, #tpu.memory_space<vmem>> -> memref<32x128xf32, #tpu.memory_space<vmem>>
      %dma_wait3A_676 = arith.constant 0 : i32
      %dma_wait3A_677 = tpu.memref_slice %arg16[%run_scoped3A, %dma_wait3A_676] : memref<4x32xi32, #tpu.memory_space<vmem>> -> memref<1x32xi32, #tpu.memory_space<vmem>>
      %dma_wait3A_678 = tpu.memref_squeeze %dma_wait3A_677 : memref<1x32xi32, #tpu.memory_space<vmem>> -> memref<32xi32, #tpu.memory_space<vmem>>
      %dma_wait3A_679 = arith.constant 0 : i32
      %dma_wait3A_680 = arith.constant 0 : i32
      %dma_wait3A_681 = tpu.memref_slice %arg17[%dma_wait3A_679, %dma_wait3A_680] : memref<128x128xf32, #tpu.memory_space<vmem_shared>> -> memref<128x128xf32, #tpu.memory_space<vmem_shared>>
      tpu.wait_indirect_dma semaphore(%run_scoped3A_663 : memref<!tpu.dma_semaphore, #tpu.memory_space<semaphore_mem>>) src(%dma_wait3A_675 : memref<32x128xf32, #tpu.memory_space<vmem>>) dst(%dma_wait3A_681 : memref<128x128xf32, #tpu.memory_space<vmem_shared>>)
      tpu.yield
    }) : () -> ()
    %dma_start3A_452 = arith.constant 8192 : i32
    %dma_start3A_453 = tpu.memref_slice %arg7[%dma_start3A_452] : memref<16384xi32, #tpu.memory_space<hbm>> -> memref<4096xi32, #tpu.memory_space<hbm>>
    %dma_start3A_454 = arith.constant 8192 : i32
    %dma_start3A_455 = tpu.memref_slice %arg7[%dma_start3A_454] : memref<16384xi32, #tpu.memory_space<hbm>> -> memref<4096xi32, #tpu.memory_space<hbm>>
    tpu.enqueue_dma source(%dma_start3A_455 : memref<4096xi32, #tpu.memory_space<hbm>>) target(%arg12 : memref<4096xi32, #tpu.memory_space<vmem>>) target_semaphore(%arg20 : memref<!tpu.dma_semaphore, #tpu.memory_space<semaphore_mem>>)
    %dma_wait3A_456 = arith.constant 0 : i32
    %dma_wait3A_457 = tpu.memref_slice %arg7[%dma_wait3A_456] : memref<16384xi32, #tpu.memory_space<hbm>> -> memref<4096xi32, #tpu.memory_space<hbm>>
    %dma_wait3A_458 = arith.constant 0 : i32
    %dma_wait3A_459 = tpu.memref_slice %arg7[%dma_wait3A_458] : memref<16384xi32, #tpu.memory_space<hbm>> -> memref<4096xi32, #tpu.memory_space<hbm>>
    tpu.wait_dma2 semaphore(%arg21 : memref<!tpu.dma_semaphore, #tpu.memory_space<semaphore_mem>>) src(%dma_wait3A_459 : memref<4096xi32, #tpu.memory_space<hbm>>) dst(%arg13 : memref<4096xi32, #tpu.memory_space<vmem>>)
    %parallel_loop3A_460 = arith.constant 0 : i32
    %parallel_loop3A_461 = arith.constant 256 : i32
    %parallel_loop3A_462 = arith.constant 1 : i32
    scf.for %parallel_loop3A_663 = %parallel_loop3A_460 to %parallel_loop3A_461 step %parallel_loop3A_462  : i32 {
      %parallel_loop3A_664 = arith.constant 16 : i32
      %parallel_loop3A_665 = arith.muli %parallel_loop3A_663, %parallel_loop3A_664 : i32
      %parallel_loop3A_666 = arith.index_cast %parallel_loop3A_665 : i32 to index
      %parallel_loop3A_667 = tpu.vector_load %arg13[%parallel_loop3A_666] {strides = array<i32>} : memref<4096xi32, #tpu.memory_space<vmem>>, vector<16xi32>,
      %parallel_loop3A_668 = arith.constant 3 : i32
      %parallel_loop3A_669 = arith.shrui %parallel_loop3A_663, %parallel_loop3A_668 : i32
      %parallel_loop3A_670 = arith.constant 32 : i32
      %parallel_loop3A_671 = arith.addi %parallel_loop3A_670, %parallel_loop3A_669 : i32
      %parallel_loop3A_672 = arith.constant 7 : i32
      %parallel_loop3A_673 = arith.andi %parallel_loop3A_663, %parallel_loop3A_672 : i32
      %parallel_loop3A_674 = arith.constant 16 : i32
      %parallel_loop3A_675 = arith.muli %parallel_loop3A_673, %parallel_loop3A_674 : i32
      %parallel_loop3A_676 = arith.index_cast %parallel_loop3A_671 : i32 to index
      %parallel_loop3A_677 = arith.index_cast %parallel_loop3A_675 : i32 to index
      %parallel_loop3A_678 = tpu.vector_load %arg11[%parallel_loop3A_676, %parallel_loop3A_677] {strides = array<i32>} : memref<128x128xf32, #tpu.memory_space<vmem>>, vector<16xf32>,
      %parallel_loop3A_679 = tpu.vector_load_idx %arg10[%parallel_loop3A_667] : memref<100096xf32, #tpu.memory_space<vmem>>[vector<16xi32>], vector<16xf32>,
      %parallel_loop3A_680 = arith.mulf %parallel_loop3A_678, %parallel_loop3A_679 : vector<16xf32>
      %parallel_loop3A_681 = arith.index_cast %parallel_loop3A_671 : i32 to index
      %parallel_loop3A_682 = arith.index_cast %parallel_loop3A_675 : i32 to index
      %parallel_loop3A_683 = tpu.vector_load %arg11[%parallel_loop3A_681, %parallel_loop3A_682] {strides = array<i32>} : memref<128x128xf32, #tpu.memory_space<vmem>>, vector<16xf32>,
      tpu.vector_store %arg11[%parallel_loop3A_681, %parallel_loop3A_682], %parallel_loop3A_680 {strides = array<i32>} : memref<128x128xf32, #tpu.memory_space<vmem>>, vector<16xf32>,
    } {sc.loop_unroll_factor = 4 : i64, sc.parallel_access}
    %run_scoped3A_463 = arith.constant 1 : i32
    "tpu.region"() ({
      %run_scoped3A_663 = tpu.sem_alloc : memref<!tpu.dma_semaphore, #tpu.memory_space<semaphore_mem>>
      %dma_start3A_664 = arith.constant 32 : i32
      %dma_start3A_665 = arith.constant 0 : i32
      %dma_start3A_666 = tpu.memref_slice %arg11[%dma_start3A_664, %dma_start3A_665] : memref<128x128xf32, #tpu.memory_space<vmem>> -> memref<32x128xf32, #tpu.memory_space<vmem>>
      %dma_start3A_667 = arith.constant 0 : i32
      %dma_start3A_668 = tpu.memref_slice %arg16[%run_scoped3A_463, %dma_start3A_667] : memref<4x32xi32, #tpu.memory_space<vmem>> -> memref<1x32xi32, #tpu.memory_space<vmem>>
      %dma_start3A_669 = tpu.memref_squeeze %dma_start3A_668 : memref<1x32xi32, #tpu.memory_space<vmem>> -> memref<32xi32, #tpu.memory_space<vmem>>
      %dma_start3A_670 = arith.constant 0 : i32
      %dma_start3A_671 = arith.constant 0 : i32
      %dma_start3A_672 = tpu.memref_slice %arg17[%dma_start3A_670, %dma_start3A_671] : memref<128x128xf32, #tpu.memory_space<vmem_shared>> -> memref<128x128xf32, #tpu.memory_space<vmem_shared>>
      tpu.enqueue_indirect_dma source(%dma_start3A_666 : memref<32x128xf32, #tpu.memory_space<vmem>>) target(%dma_start3A_672 : memref<128x128xf32, #tpu.memory_space<vmem_shared>>) offsets(%dma_start3A_669 : memref<32xi32, #tpu.memory_space<vmem>>) semaphore(%run_scoped3A_663 : memref<!tpu.dma_semaphore, #tpu.memory_space<semaphore_mem>>) {add = true}
      %dma_wait3A_673 = arith.constant 32 : i32
      %dma_wait3A_674 = arith.constant 0 : i32
      %dma_wait3A_675 = tpu.memref_slice %arg11[%dma_wait3A_673, %dma_wait3A_674] : memref<128x128xf32, #tpu.memory_space<vmem>> -> memref<32x128xf32, #tpu.memory_space<vmem>>
      %dma_wait3A_676 = arith.constant 0 : i32
      %dma_wait3A_677 = tpu.memref_slice %arg16[%run_scoped3A_463, %dma_wait3A_676] : memref<4x32xi32, #tpu.memory_space<vmem>> -> memref<1x32xi32, #tpu.memory_space<vmem>>
      %dma_wait3A_678 = tpu.memref_squeeze %dma_wait3A_677 : memref<1x32xi32, #tpu.memory_space<vmem>> -> memref<32xi32, #tpu.memory_space<vmem>>
      %dma_wait3A_679 = arith.constant 0 : i32
      %dma_wait3A_680 = arith.constant 0 : i32
      %dma_wait3A_681 = tpu.memref_slice %arg17[%dma_wait3A_679, %dma_wait3A_680] : memref<128x128xf32, #tpu.memory_space<vmem_shared>> -> memref<128x128xf32, #tpu.memory_space<vmem_shared>>
      tpu.wait_indirect_dma semaphore(%run_scoped3A_663 : memref<!tpu.dma_semaphore, #tpu.memory_space<semaphore_mem>>) src(%dma_wait3A_675 : memref<32x128xf32, #tpu.memory_space<vmem>>) dst(%dma_wait3A_681 : memref<128x128xf32, #tpu.memory_space<vmem_shared>>)
      tpu.yield
    }) : () -> ()
    %dma_start3A_464 = arith.constant 12288 : i32
    %dma_start3A_465 = tpu.memref_slice %arg7[%dma_start3A_464] : memref<16384xi32, #tpu.memory_space<hbm>> -> memref<4096xi32, #tpu.memory_space<hbm>>
    %dma_start3A_466 = arith.constant 12288 : i32
    %dma_start3A_467 = tpu.memref_slice %arg7[%dma_start3A_466] : memref<16384xi32, #tpu.memory_space<hbm>> -> memref<4096xi32, #tpu.memory_space<hbm>>
    tpu.enqueue_dma source(%dma_start3A_467 : memref<4096xi32, #tpu.memory_space<hbm>>) target(%arg13 : memref<4096xi32, #tpu.memory_space<vmem>>) target_semaphore(%arg21 : memref<!tpu.dma_semaphore, #tpu.memory_space<semaphore_mem>>)
    %dma_wait3A_468 = arith.constant 0 : i32
    %dma_wait3A_469 = tpu.memref_slice %arg7[%dma_wait3A_468] : memref<16384xi32, #tpu.memory_space<hbm>> -> memref<4096xi32, #tpu.memory_space<hbm>>
    %dma_wait3A_470 = arith.constant 0 : i32
    %dma_wait3A_471 = tpu.memref_slice %arg7[%dma_wait3A_470] : memref<16384xi32, #tpu.memory_space<hbm>> -> memref<4096xi32, #tpu.memory_space<hbm>>
    tpu.wait_dma2 semaphore(%arg20 : memref<!tpu.dma_semaphore, #tpu.memory_space<semaphore_mem>>) src(%dma_wait3A_471 : memref<4096xi32, #tpu.memory_space<hbm>>) dst(%arg12 : memref<4096xi32, #tpu.memory_space<vmem>>)
    %parallel_loop3A_472 = arith.constant 0 : i32
    %parallel_loop3A_473 = arith.constant 256 : i32
    %parallel_loop3A_474 = arith.constant 1 : i32
    scf.for %parallel_loop3A_663 = %parallel_loop3A_472 to %parallel_loop3A_473 step %parallel_loop3A_474  : i32 {
      %parallel_loop3A_664 = arith.constant 16 : i32
      %parallel_loop3A_665 = arith.muli %parallel_loop3A_663, %parallel_loop3A_664 : i32
      %parallel_loop3A_666 = arith.index_cast %parallel_loop3A_665 : i32 to index
      %parallel_loop3A_667 = tpu.vector_load %arg12[%parallel_loop3A_666] {strides = array<i32>} : memref<4096xi32, #tpu.memory_space<vmem>>, vector<16xi32>,
      %parallel_loop3A_668 = arith.constant 3 : i32
      %parallel_loop3A_669 = arith.shrui %parallel_loop3A_663, %parallel_loop3A_668 : i32
      %parallel_loop3A_670 = arith.constant 64 : i32
      %parallel_loop3A_671 = arith.addi %parallel_loop3A_670, %parallel_loop3A_669 : i32
      %parallel_loop3A_672 = arith.constant 7 : i32
      %parallel_loop3A_673 = arith.andi %parallel_loop3A_663, %parallel_loop3A_672 : i32
      %parallel_loop3A_674 = arith.constant 16 : i32
      %parallel_loop3A_675 = arith.muli %parallel_loop3A_673, %parallel_loop3A_674 : i32
      %parallel_loop3A_676 = arith.index_cast %parallel_loop3A_671 : i32 to index
      %parallel_loop3A_677 = arith.index_cast %parallel_loop3A_675 : i32 to index
      %parallel_loop3A_678 = tpu.vector_load %arg11[%parallel_loop3A_676, %parallel_loop3A_677] {strides = array<i32>} : memref<128x128xf32, #tpu.memory_space<vmem>>, vector<16xf32>,
      %parallel_loop3A_679 = tpu.vector_load_idx %arg10[%parallel_loop3A_667] : memref<100096xf32, #tpu.memory_space<vmem>>[vector<16xi32>], vector<16xf32>,
      %parallel_loop3A_680 = arith.mulf %parallel_loop3A_678, %parallel_loop3A_679 : vector<16xf32>
      %parallel_loop3A_681 = arith.index_cast %parallel_loop3A_671 : i32 to index
      %parallel_loop3A_682 = arith.index_cast %parallel_loop3A_675 : i32 to index
      %parallel_loop3A_683 = tpu.vector_load %arg11[%parallel_loop3A_681, %parallel_loop3A_682] {strides = array<i32>} : memref<128x128xf32, #tpu.memory_space<vmem>>, vector<16xf32>,
      tpu.vector_store %arg11[%parallel_loop3A_681, %parallel_loop3A_682], %parallel_loop3A_680 {strides = array<i32>} : memref<128x128xf32, #tpu.memory_space<vmem>>, vector<16xf32>,
    } {sc.loop_unroll_factor = 4 : i64, sc.parallel_access}
    %run_scoped3A_475 = arith.constant 2 : i32
    "tpu.region"() ({
      %run_scoped3A_663 = tpu.sem_alloc : memref<!tpu.dma_semaphore, #tpu.memory_space<semaphore_mem>>
      %dma_start3A_664 = arith.constant 64 : i32
      %dma_start3A_665 = arith.constant 0 : i32
      %dma_start3A_666 = tpu.memref_slice %arg11[%dma_start3A_664, %dma_start3A_665] : memref<128x128xf32, #tpu.memory_space<vmem>> -> memref<32x128xf32, #tpu.memory_space<vmem>>
      %dma_start3A_667 = arith.constant 0 : i32
      %dma_start3A_668 = tpu.memref_slice %arg16[%run_scoped3A_475, %dma_start3A_667] : memref<4x32xi32, #tpu.memory_space<vmem>> -> memref<1x32xi32, #tpu.memory_space<vmem>>
      %dma_start3A_669 = tpu.memref_squeeze %dma_start3A_668 : memref<1x32xi32, #tpu.memory_space<vmem>> -> memref<32xi32, #tpu.memory_space<vmem>>
      %dma_start3A_670 = arith.constant 0 : i32
      %dma_start3A_671 = arith.constant 0 : i32
      %dma_start3A_672 = tpu.memref_slice %arg17[%dma_start3A_670, %dma_start3A_671] : memref<128x128xf32, #tpu.memory_space<vmem_shared>> -> memref<128x128xf32, #tpu.memory_space<vmem_shared>>
      tpu.enqueue_indirect_dma source(%dma_start3A_666 : memref<32x128xf32, #tpu.memory_space<vmem>>) target(%dma_start3A_672 : memref<128x128xf32, #tpu.memory_space<vmem_shared>>) offsets(%dma_start3A_669 : memref<32xi32, #tpu.memory_space<vmem>>) semaphore(%run_scoped3A_663 : memref<!tpu.dma_semaphore, #tpu.memory_space<semaphore_mem>>) {add = true}
      %dma_wait3A_673 = arith.constant 64 : i32
      %dma_wait3A_674 = arith.constant 0 : i32
      %dma_wait3A_675 = tpu.memref_slice %arg11[%dma_wait3A_673, %dma_wait3A_674] : memref<128x128xf32, #tpu.memory_space<vmem>> -> memref<32x128xf32, #tpu.memory_space<vmem>>
      %dma_wait3A_676 = arith.constant 0 : i32
      %dma_wait3A_677 = tpu.memref_slice %arg16[%run_scoped3A_475, %dma_wait3A_676] : memref<4x32xi32, #tpu.memory_space<vmem>> -> memref<1x32xi32, #tpu.memory_space<vmem>>
      %dma_wait3A_678 = tpu.memref_squeeze %dma_wait3A_677 : memref<1x32xi32, #tpu.memory_space<vmem>> -> memref<32xi32, #tpu.memory_space<vmem>>
      %dma_wait3A_679 = arith.constant 0 : i32
      %dma_wait3A_680 = arith.constant 0 : i32
      %dma_wait3A_681 = tpu.memref_slice %arg17[%dma_wait3A_679, %dma_wait3A_680] : memref<128x128xf32, #tpu.memory_space<vmem_shared>> -> memref<128x128xf32, #tpu.memory_space<vmem_shared>>
      tpu.wait_indirect_dma semaphore(%run_scoped3A_663 : memref<!tpu.dma_semaphore, #tpu.memory_space<semaphore_mem>>) src(%dma_wait3A_675 : memref<32x128xf32, #tpu.memory_space<vmem>>) dst(%dma_wait3A_681 : memref<128x128xf32, #tpu.memory_space<vmem_shared>>)
      tpu.yield
    }) : () -> ()
    %dma_wait3A_476 = arith.constant 0 : i32
    %dma_wait3A_477 = tpu.memref_slice %arg7[%dma_wait3A_476] : memref<16384xi32, #tpu.memory_space<hbm>> -> memref<4096xi32, #tpu.memory_space<hbm>>
    %dma_wait3A_478 = arith.constant 0 : i32
    %dma_wait3A_479 = tpu.memref_slice %arg7[%dma_wait3A_478] : memref<16384xi32, #tpu.memory_space<hbm>> -> memref<4096xi32, #tpu.memory_space<hbm>>
    tpu.wait_dma2 semaphore(%arg21 : memref<!tpu.dma_semaphore, #tpu.memory_space<semaphore_mem>>) src(%dma_wait3A_479 : memref<4096xi32, #tpu.memory_space<hbm>>) dst(%arg13 : memref<4096xi32, #tpu.memory_space<vmem>>)
    %parallel_loop3A_480 = arith.constant 0 : i32
    %parallel_loop3A_481 = arith.constant 256 : i32
    %parallel_loop3A_482 = arith.constant 1 : i32
    scf.for %parallel_loop3A_663 = %parallel_loop3A_480 to %parallel_loop3A_481 step %parallel_loop3A_482  : i32 {
      %parallel_loop3A_664 = arith.constant 16 : i32
      %parallel_loop3A_665 = arith.muli %parallel_loop3A_663, %parallel_loop3A_664 : i32
      %parallel_loop3A_666 = arith.index_cast %parallel_loop3A_665 : i32 to index
      %parallel_loop3A_667 = tpu.vector_load %arg13[%parallel_loop3A_666] {strides = array<i32>} : memref<4096xi32, #tpu.memory_space<vmem>>, vector<16xi32>,
      %parallel_loop3A_668 = arith.constant 3 : i32
      %parallel_loop3A_669 = arith.shrui %parallel_loop3A_663, %parallel_loop3A_668 : i32
      %parallel_loop3A_670 = arith.constant 96 : i32
      %parallel_loop3A_671 = arith.addi %parallel_loop3A_670, %parallel_loop3A_669 : i32
      %parallel_loop3A_672 = arith.constant 7 : i32
      %parallel_loop3A_673 = arith.andi %parallel_loop3A_663, %parallel_loop3A_672 : i32
      %parallel_loop3A_674 = arith.constant 16 : i32
      %parallel_loop3A_675 = arith.muli %parallel_loop3A_673, %parallel_loop3A_674 : i32
      %parallel_loop3A_676 = arith.index_cast %parallel_loop3A_671 : i32 to index
      %parallel_loop3A_677 = arith.index_cast %parallel_loop3A_675 : i32 to index
      %parallel_loop3A_678 = tpu.vector_load %arg11[%parallel_loop3A_676, %parallel_loop3A_677] {strides = array<i32>} : memref<128x128xf32, #tpu.memory_space<vmem>>, vector<16xf32>,
      %parallel_loop3A_679 = tpu.vector_load_idx %arg10[%parallel_loop3A_667] : memref<100096xf32, #tpu.memory_space<vmem>>[vector<16xi32>], vector<16xf32>,
      %parallel_loop3A_680 = arith.mulf %parallel_loop3A_678, %parallel_loop3A_679 : vector<16xf32>
      %parallel_loop3A_681 = arith.index_cast %parallel_loop3A_671 : i32 to index
      %parallel_loop3A_682 = arith.index_cast %parallel_loop3A_675 : i32 to index
      %parallel_loop3A_683 = tpu.vector_load %arg11[%parallel_loop3A_681, %parallel_loop3A_682] {strides = array<i32>} : memref<128x128xf32, #tpu.memory_space<vmem>>, vector<16xf32>,
      tpu.vector_store %arg11[%parallel_loop3A_681, %parallel_loop3A_682], %parallel_loop3A_680 {strides = array<i32>} : memref<128x128xf32, #tpu.memory_space<vmem>>, vector<16xf32>,
    } {sc.loop_unroll_factor = 4 : i64, sc.parallel_access}
    %run_scoped3A_483 = arith.constant 3 : i32
    "tpu.region"() ({
      %run_scoped3A_663 = tpu.sem_alloc : memref<!tpu.dma_semaphore, #tpu.memory_space<semaphore_mem>>
      %dma_start3A_664 = arith.constant 96 : i32
      %dma_start3A_665 = arith.constant 0 : i32
      %dma_start3A_666 = tpu.memref_slice %arg11[%dma_start3A_664, %dma_start3A_665] : memref<128x128xf32, #tpu.memory_space<vmem>> -> memref<32x128xf32, #tpu.memory_space<vmem>>
      %dma_start3A_667 = arith.constant 0 : i32
      %dma_start3A_668 = tpu.memref_slice %arg16[%run_scoped3A_483, %dma_start3A_667] : memref<4x32xi32, #tpu.memory_space<vmem>> -> memref<1x32xi32, #tpu.memory_space<vmem>>
      %dma_start3A_669 = tpu.memref_squeeze %dma_start3A_668 : memref<1x32xi32, #tpu.memory_space<vmem>> -> memref<32xi32, #tpu.memory_space<vmem>>
      %dma_start3A_670 = arith.constant 0 : i32
      %dma_start3A_671 = arith.constant 0 : i32
      %dma_start3A_672 = tpu.memref_slice %arg17[%dma_start3A_670, %dma_start3A_671] : memref<128x128xf32, #tpu.memory_space<vmem_shared>> -> memref<128x128xf32, #tpu.memory_space<vmem_shared>>
      tpu.enqueue_indirect_dma source(%dma_start3A_666 : memref<32x128xf32, #tpu.memory_space<vmem>>) target(%dma_start3A_672 : memref<128x128xf32, #tpu.memory_space<vmem_shared>>) offsets(%dma_start3A_669 : memref<32xi32, #tpu.memory_space<vmem>>) semaphore(%run_scoped3A_663 : memref<!tpu.dma_semaphore, #tpu.memory_space<semaphore_mem>>) {add = true}
      %dma_wait3A_673 = arith.constant 96 : i32
      %dma_wait3A_674 = arith.constant 0 : i32
      %dma_wait3A_675 = tpu.memref_slice %arg11[%dma_wait3A_673, %dma_wait3A_674] : memref<128x128xf32, #tpu.memory_space<vmem>> -> memref<32x128xf32, #tpu.memory_space<vmem>>
      %dma_wait3A_676 = arith.constant 0 : i32
      %dma_wait3A_677 = tpu.memref_slice %arg16[%run_scoped3A_483, %dma_wait3A_676] : memref<4x32xi32, #tpu.memory_space<vmem>> -> memref<1x32xi32, #tpu.memory_space<vmem>>
      %dma_wait3A_678 = tpu.memref_squeeze %dma_wait3A_677 : memref<1x32xi32, #tpu.memory_space<vmem>> -> memref<32xi32, #tpu.memory_space<vmem>>
      %dma_wait3A_679 = arith.constant 0 : i32
      %dma_wait3A_680 = arith.constant 0 : i32
      %dma_wait3A_681 = tpu.memref_slice %arg17[%dma_wait3A_679, %dma_wait3A_680] : memref<128x128xf32, #tpu.memory_space<vmem_shared>> -> memref<128x128xf32, #tpu.memory_space<vmem_shared>>
      tpu.wait_indirect_dma semaphore(%run_scoped3A_663 : memref<!tpu.dma_semaphore, #tpu.memory_space<semaphore_mem>>) src(%dma_wait3A_675 : memref<32x128xf32, #tpu.memory_space<vmem>>) dst(%dma_wait3A_681 : memref<128x128xf32, #tpu.memory_space<vmem_shared>>)
      tpu.yield
    }) : () -> ()
    %add3A_484 = arith.constant 32 : i32
    %add3A_485 = arith.addi %add3A, %add3A_484 : i32
    %dma_start3A_486 = arith.constant 0 : i32
    %dma_start3A_487 = tpu.memref_slice %arg10[%dma_start3A_486] : memref<100096xf32, #tpu.memory_space<vmem>> -> memref<99968xf32, #tpu.memory_space<vmem>>
    %dma_start3A_488 = arith.constant 0 : i32
    %dma_start3A_489 = tpu.memref_slice %arg2[%add3A_485, %dma_start3A_488] : memref<64x100000xf32, #tpu.memory_space<hbm>> -> memref<1x99968xf32, #tpu.memory_space<hbm>>
    %dma_start3A_490 = tpu.memref_squeeze %dma_start3A_489 : memref<1x99968xf32, #tpu.memory_space<hbm>> -> memref<99968xf32, #tpu.memory_space<hbm>>
    %dma_start3A_491 = arith.constant 0 : i32
    %dma_start3A_492 = tpu.memref_slice %arg10[%dma_start3A_491] : memref<100096xf32, #tpu.memory_space<vmem>> -> memref<99968xf32, #tpu.memory_space<vmem>>
    %dma_start3A_493 = arith.constant 0 : i32
    %dma_start3A_494 = tpu.memref_slice %arg2[%add3A_485, %dma_start3A_493] : memref<64x100000xf32, #tpu.memory_space<hbm>> -> memref<1x99968xf32, #tpu.memory_space<hbm>>
    %dma_start3A_495 = tpu.memref_squeeze %dma_start3A_494 : memref<1x99968xf32, #tpu.memory_space<hbm>> -> memref<99968xf32, #tpu.memory_space<hbm>>
    tpu.enqueue_dma source(%dma_start3A_495 : memref<99968xf32, #tpu.memory_space<hbm>>) target(%dma_start3A_492 : memref<99968xf32, #tpu.memory_space<vmem>>) target_semaphore(%arg18 : memref<!tpu.dma_semaphore, #tpu.memory_space<semaphore_mem>>)
    %dma_start3A_496 = arith.constant 99968 : i32
    %dma_start3A_497 = tpu.memref_slice %arg10[%dma_start3A_496] : memref<100096xf32, #tpu.memory_space<vmem>> -> memref<128xf32, #tpu.memory_space<vmem>>
    %dma_start3A_498 = arith.constant 0 : i32
    %dma_start3A_499 = tpu.memref_slice %arg4[%add3A_485, %dma_start3A_498] : memref<64x128xf32, #tpu.memory_space<hbm>> -> memref<1x128xf32, #tpu.memory_space<hbm>>
    %dma_start3A_500 = tpu.memref_squeeze %dma_start3A_499 : memref<1x128xf32, #tpu.memory_space<hbm>> -> memref<128xf32, #tpu.memory_space<hbm>>
    %dma_start3A_501 = arith.constant 99968 : i32
    %dma_start3A_502 = tpu.memref_slice %arg10[%dma_start3A_501] : memref<100096xf32, #tpu.memory_space<vmem>> -> memref<128xf32, #tpu.memory_space<vmem>>
    %dma_start3A_503 = arith.constant 0 : i32
    %dma_start3A_504 = tpu.memref_slice %arg4[%add3A_485, %dma_start3A_503] : memref<64x128xf32, #tpu.memory_space<hbm>> -> memref<1x128xf32, #tpu.memory_space<hbm>>
    %dma_start3A_505 = tpu.memref_squeeze %dma_start3A_504 : memref<1x128xf32, #tpu.memory_space<hbm>> -> memref<128xf32, #tpu.memory_space<hbm>>
    tpu.enqueue_dma source(%dma_start3A_505 : memref<128xf32, #tpu.memory_space<hbm>>) target(%dma_start3A_502 : memref<128xf32, #tpu.memory_space<vmem>>) target_semaphore(%arg19 : memref<!tpu.dma_semaphore, #tpu.memory_space<semaphore_mem>>)
    %dma_start3A_506 = arith.constant 0 : i32
    %dma_start3A_507 = tpu.memref_slice %arg6[%dma_start3A_506] : memref<16384xi32, #tpu.memory_space<hbm>> -> memref<4096xi32, #tpu.memory_space<hbm>>
    %dma_start3A_508 = arith.constant 0 : i32
    %dma_start3A_509 = tpu.memref_slice %arg6[%dma_start3A_508] : memref<16384xi32, #tpu.memory_space<hbm>> -> memref<4096xi32, #tpu.memory_space<hbm>>
    tpu.enqueue_dma source(%dma_start3A_509 : memref<4096xi32, #tpu.memory_space<hbm>>) target(%arg12 : memref<4096xi32, #tpu.memory_space<vmem>>) target_semaphore(%arg20 : memref<!tpu.dma_semaphore, #tpu.memory_space<semaphore_mem>>)
    %dma_wait3A_510 = arith.constant 0 : i32
    %dma_wait3A_511 = tpu.memref_slice %arg10[%dma_wait3A_510] : memref<100096xf32, #tpu.memory_space<vmem>> -> memref<99968xf32, #tpu.memory_space<vmem>>
    %dma_wait3A_512 = arith.constant 0 : i32
    %dma_wait3A_513 = tpu.memref_slice %arg2[%add3A_485, %dma_wait3A_512] : memref<64x100000xf32, #tpu.memory_space<hbm>> -> memref<1x99968xf32, #tpu.memory_space<hbm>>
    %dma_wait3A_514 = tpu.memref_squeeze %dma_wait3A_513 : memref<1x99968xf32, #tpu.memory_space<hbm>> -> memref<99968xf32, #tpu.memory_space<hbm>>
    %dma_wait3A_515 = arith.constant 0 : i32
    %dma_wait3A_516 = tpu.memref_slice %arg10[%dma_wait3A_515] : memref<100096xf32, #tpu.memory_space<vmem>> -> memref<99968xf32, #tpu.memory_space<vmem>>
    %dma_wait3A_517 = arith.constant 0 : i32
    %dma_wait3A_518 = tpu.memref_slice %arg2[%add3A_485, %dma_wait3A_517] : memref<64x100000xf32, #tpu.memory_space<hbm>> -> memref<1x99968xf32, #tpu.memory_space<hbm>>
    %dma_wait3A_519 = tpu.memref_squeeze %dma_wait3A_518 : memref<1x99968xf32, #tpu.memory_space<hbm>> -> memref<99968xf32, #tpu.memory_space<hbm>>
    tpu.wait_dma2 semaphore(%arg18 : memref<!tpu.dma_semaphore, #tpu.memory_space<semaphore_mem>>) src(%dma_wait3A_519 : memref<99968xf32, #tpu.memory_space<hbm>>) dst(%dma_wait3A_516 : memref<99968xf32, #tpu.memory_space<vmem>>)
    %dma_wait3A_520 = arith.constant 99968 : i32
    %dma_wait3A_521 = tpu.memref_slice %arg10[%dma_wait3A_520] : memref<100096xf32, #tpu.memory_space<vmem>> -> memref<128xf32, #tpu.memory_space<vmem>>
    %dma_wait3A_522 = arith.constant 0 : i32
    %dma_wait3A_523 = tpu.memref_slice %arg4[%add3A_485, %dma_wait3A_522] : memref<64x128xf32, #tpu.memory_space<hbm>> -> memref<1x128xf32, #tpu.memory_space<hbm>>
    %dma_wait3A_524 = tpu.memref_squeeze %dma_wait3A_523 : memref<1x128xf32, #tpu.memory_space<hbm>> -> memref<128xf32, #tpu.memory_space<hbm>>
    %dma_wait3A_525 = arith.constant 99968 : i32
    %dma_wait3A_526 = tpu.memref_slice %arg10[%dma_wait3A_525] : memref<100096xf32, #tpu.memory_space<vmem>> -> memref<128xf32, #tpu.memory_space<vmem>>
    %dma_wait3A_527 = arith.constant 0 : i32
    %dma_wait3A_528 = tpu.memref_slice %arg4[%add3A_485, %dma_wait3A_527] : memref<64x128xf32, #tpu.memory_space<hbm>> -> memref<1x128xf32, #tpu.memory_space<hbm>>
    %dma_wait3A_529 = tpu.memref_squeeze %dma_wait3A_528 : memref<1x128xf32, #tpu.memory_space<hbm>> -> memref<128xf32, #tpu.memory_space<hbm>>
    tpu.wait_dma2 semaphore(%arg19 : memref<!tpu.dma_semaphore, #tpu.memory_space<semaphore_mem>>) src(%dma_wait3A_529 : memref<128xf32, #tpu.memory_space<hbm>>) dst(%dma_wait3A_526 : memref<128xf32, #tpu.memory_space<vmem>>)
    %broadcast_in_dim3A_530 = vector.broadcast %add3A_485 : i32 to vector<16xi32>
    %gather3A_531 = tpu.vector_load_idx %arg14[%broadcast_in_dim3A_530] : memref<64xf32, #tpu.memory_space<vmem>>[vector<16xi32>], vector<16xf32>,
    %dma_start3A_532 = arith.constant 4096 : i32
    %dma_start3A_533 = tpu.memref_slice %arg6[%dma_start3A_532] : memref<16384xi32, #tpu.memory_space<hbm>> -> memref<4096xi32, #tpu.memory_space<hbm>>
    %dma_start3A_534 = arith.constant 4096 : i32
    %dma_start3A_535 = tpu.memref_slice %arg6[%dma_start3A_534] : memref<16384xi32, #tpu.memory_space<hbm>> -> memref<4096xi32, #tpu.memory_space<hbm>>
    tpu.enqueue_dma source(%dma_start3A_535 : memref<4096xi32, #tpu.memory_space<hbm>>) target(%arg13 : memref<4096xi32, #tpu.memory_space<vmem>>) target_semaphore(%arg21 : memref<!tpu.dma_semaphore, #tpu.memory_space<semaphore_mem>>)
    %dma_wait3A_536 = arith.constant 0 : i32
    %dma_wait3A_537 = tpu.memref_slice %arg6[%dma_wait3A_536] : memref<16384xi32, #tpu.memory_space<hbm>> -> memref<4096xi32, #tpu.memory_space<hbm>>
    %dma_wait3A_538 = arith.constant 0 : i32
    %dma_wait3A_539 = tpu.memref_slice %arg6[%dma_wait3A_538] : memref<16384xi32, #tpu.memory_space<hbm>> -> memref<4096xi32, #tpu.memory_space<hbm>>
    tpu.wait_dma2 semaphore(%arg20 : memref<!tpu.dma_semaphore, #tpu.memory_space<semaphore_mem>>) src(%dma_wait3A_539 : memref<4096xi32, #tpu.memory_space<hbm>>) dst(%arg12 : memref<4096xi32, #tpu.memory_space<vmem>>)
    %parallel_loop3A_540 = arith.constant 0 : i32
    %parallel_loop3A_541 = arith.constant 256 : i32
    %parallel_loop3A_542 = arith.constant 1 : i32
    scf.for %parallel_loop3A_663 = %parallel_loop3A_540 to %parallel_loop3A_541 step %parallel_loop3A_542  : i32 {
      %parallel_loop3A_664 = arith.constant 16 : i32
      %parallel_loop3A_665 = arith.muli %parallel_loop3A_663, %parallel_loop3A_664 : i32
      %parallel_loop3A_666 = arith.index_cast %parallel_loop3A_665 : i32 to index
      %parallel_loop3A_667 = tpu.vector_load %arg12[%parallel_loop3A_666] {strides = array<i32>} : memref<4096xi32, #tpu.memory_space<vmem>>, vector<16xi32>,
      %parallel_loop3A_668 = arith.constant 3 : i32
      %parallel_loop3A_669 = arith.shrui %parallel_loop3A_663, %parallel_loop3A_668 : i32
      %parallel_loop3A_670 = arith.constant 0 : i32
      %parallel_loop3A_671 = arith.addi %parallel_loop3A_670, %parallel_loop3A_669 : i32
      %parallel_loop3A_672 = arith.constant 7 : i32
      %parallel_loop3A_673 = arith.andi %parallel_loop3A_663, %parallel_loop3A_672 : i32
      %parallel_loop3A_674 = arith.constant 16 : i32
      %parallel_loop3A_675 = arith.muli %parallel_loop3A_673, %parallel_loop3A_674 : i32
      %parallel_loop3A_676 = tpu.vector_load_idx %arg10[%parallel_loop3A_667] : memref<100096xf32, #tpu.memory_space<vmem>>[vector<16xi32>], vector<16xf32>,
      %parallel_loop3A_677 = arith.mulf %parallel_loop3A_676, %gather3A_531 : vector<16xf32>
      %parallel_loop3A_678 = arith.index_cast %parallel_loop3A_671 : i32 to index
      %parallel_loop3A_679 = arith.index_cast %parallel_loop3A_675 : i32 to index
      %parallel_loop3A_680 = tpu.vector_load %arg11[%parallel_loop3A_678, %parallel_loop3A_679] {strides = array<i32>} : memref<128x128xf32, #tpu.memory_space<vmem>>, vector<16xf32>,
      tpu.vector_store %arg11[%parallel_loop3A_678, %parallel_loop3A_679], %parallel_loop3A_677 {strides = array<i32>} : memref<128x128xf32, #tpu.memory_space<vmem>>, vector<16xf32>,
    } {sc.loop_unroll_factor = 4 : i64, sc.parallel_access}
    %dma_start3A_543 = arith.constant 8192 : i32
    %dma_start3A_544 = tpu.memref_slice %arg6[%dma_start3A_543] : memref<16384xi32, #tpu.memory_space<hbm>> -> memref<4096xi32, #tpu.memory_space<hbm>>
    %dma_start3A_545 = arith.constant 8192 : i32
    %dma_start3A_546 = tpu.memref_slice %arg6[%dma_start3A_545] : memref<16384xi32, #tpu.memory_space<hbm>> -> memref<4096xi32, #tpu.memory_space<hbm>>
    tpu.enqueue_dma source(%dma_start3A_546 : memref<4096xi32, #tpu.memory_space<hbm>>) target(%arg12 : memref<4096xi32, #tpu.memory_space<vmem>>) target_semaphore(%arg20 : memref<!tpu.dma_semaphore, #tpu.memory_space<semaphore_mem>>)
    %dma_wait3A_547 = arith.constant 0 : i32
    %dma_wait3A_548 = tpu.memref_slice %arg6[%dma_wait3A_547] : memref<16384xi32, #tpu.memory_space<hbm>> -> memref<4096xi32, #tpu.memory_space<hbm>>
    %dma_wait3A_549 = arith.constant 0 : i32
    %dma_wait3A_550 = tpu.memref_slice %arg6[%dma_wait3A_549] : memref<16384xi32, #tpu.memory_space<hbm>> -> memref<4096xi32, #tpu.memory_space<hbm>>
    tpu.wait_dma2 semaphore(%arg21 : memref<!tpu.dma_semaphore, #tpu.memory_space<semaphore_mem>>) src(%dma_wait3A_550 : memref<4096xi32, #tpu.memory_space<hbm>>) dst(%arg13 : memref<4096xi32, #tpu.memory_space<vmem>>)
    %parallel_loop3A_551 = arith.constant 0 : i32
    %parallel_loop3A_552 = arith.constant 256 : i32
    %parallel_loop3A_553 = arith.constant 1 : i32
    scf.for %parallel_loop3A_663 = %parallel_loop3A_551 to %parallel_loop3A_552 step %parallel_loop3A_553  : i32 {
      %parallel_loop3A_664 = arith.constant 16 : i32
      %parallel_loop3A_665 = arith.muli %parallel_loop3A_663, %parallel_loop3A_664 : i32
      %parallel_loop3A_666 = arith.index_cast %parallel_loop3A_665 : i32 to index
      %parallel_loop3A_667 = tpu.vector_load %arg13[%parallel_loop3A_666] {strides = array<i32>} : memref<4096xi32, #tpu.memory_space<vmem>>, vector<16xi32>,
      %parallel_loop3A_668 = arith.constant 3 : i32
      %parallel_loop3A_669 = arith.shrui %parallel_loop3A_663, %parallel_loop3A_668 : i32
      %parallel_loop3A_670 = arith.constant 32 : i32
      %parallel_loop3A_671 = arith.addi %parallel_loop3A_670, %parallel_loop3A_669 : i32
      %parallel_loop3A_672 = arith.constant 7 : i32
      %parallel_loop3A_673 = arith.andi %parallel_loop3A_663, %parallel_loop3A_672 : i32
      %parallel_loop3A_674 = arith.constant 16 : i32
      %parallel_loop3A_675 = arith.muli %parallel_loop3A_673, %parallel_loop3A_674 : i32
      %parallel_loop3A_676 = tpu.vector_load_idx %arg10[%parallel_loop3A_667] : memref<100096xf32, #tpu.memory_space<vmem>>[vector<16xi32>], vector<16xf32>,
      %parallel_loop3A_677 = arith.mulf %parallel_loop3A_676, %gather3A_531 : vector<16xf32>
      %parallel_loop3A_678 = arith.index_cast %parallel_loop3A_671 : i32 to index
      %parallel_loop3A_679 = arith.index_cast %parallel_loop3A_675 : i32 to index
      %parallel_loop3A_680 = tpu.vector_load %arg11[%parallel_loop3A_678, %parallel_loop3A_679] {strides = array<i32>} : memref<128x128xf32, #tpu.memory_space<vmem>>, vector<16xf32>,
      tpu.vector_store %arg11[%parallel_loop3A_678, %parallel_loop3A_679], %parallel_loop3A_677 {strides = array<i32>} : memref<128x128xf32, #tpu.memory_space<vmem>>, vector<16xf32>,
    } {sc.loop_unroll_factor = 4 : i64, sc.parallel_access}
    %dma_start3A_554 = arith.constant 12288 : i32
    %dma_start3A_555 = tpu.memref_slice %arg6[%dma_start3A_554] : memref<16384xi32, #tpu.memory_space<hbm>> -> memref<4096xi32, #tpu.memory_space<hbm>>
    %dma_start3A_556 = arith.constant 12288 : i32
    %dma_start3A_557 = tpu.memref_slice %arg6[%dma_start3A_556] : memref<16384xi32, #tpu.memory_space<hbm>> -> memref<4096xi32, #tpu.memory_space<hbm>>
    tpu.enqueue_dma source(%dma_start3A_557 : memref<4096xi32, #tpu.memory_space<hbm>>) target(%arg13 : memref<4096xi32, #tpu.memory_space<vmem>>) target_semaphore(%arg21 : memref<!tpu.dma_semaphore, #tpu.memory_space<semaphore_mem>>)
    %dma_wait3A_558 = arith.constant 0 : i32
    %dma_wait3A_559 = tpu.memref_slice %arg6[%dma_wait3A_558] : memref<16384xi32, #tpu.memory_space<hbm>> -> memref<4096xi32, #tpu.memory_space<hbm>>
    %dma_wait3A_560 = arith.constant 0 : i32
    %dma_wait3A_561 = tpu.memref_slice %arg6[%dma_wait3A_560] : memref<16384xi32, #tpu.memory_space<hbm>> -> memref<4096xi32, #tpu.memory_space<hbm>>
    tpu.wait_dma2 semaphore(%arg20 : memref<!tpu.dma_semaphore, #tpu.memory_space<semaphore_mem>>) src(%dma_wait3A_561 : memref<4096xi32, #tpu.memory_space<hbm>>) dst(%arg12 : memref<4096xi32, #tpu.memory_space<vmem>>)
    %parallel_loop3A_562 = arith.constant 0 : i32
    %parallel_loop3A_563 = arith.constant 256 : i32
    %parallel_loop3A_564 = arith.constant 1 : i32
    scf.for %parallel_loop3A_663 = %parallel_loop3A_562 to %parallel_loop3A_563 step %parallel_loop3A_564  : i32 {
      %parallel_loop3A_664 = arith.constant 16 : i32
      %parallel_loop3A_665 = arith.muli %parallel_loop3A_663, %parallel_loop3A_664 : i32
      %parallel_loop3A_666 = arith.index_cast %parallel_loop3A_665 : i32 to index
      %parallel_loop3A_667 = tpu.vector_load %arg12[%parallel_loop3A_666] {strides = array<i32>} : memref<4096xi32, #tpu.memory_space<vmem>>, vector<16xi32>,
      %parallel_loop3A_668 = arith.constant 3 : i32
      %parallel_loop3A_669 = arith.shrui %parallel_loop3A_663, %parallel_loop3A_668 : i32
      %parallel_loop3A_670 = arith.constant 64 : i32
      %parallel_loop3A_671 = arith.addi %parallel_loop3A_670, %parallel_loop3A_669 : i32
      %parallel_loop3A_672 = arith.constant 7 : i32
      %parallel_loop3A_673 = arith.andi %parallel_loop3A_663, %parallel_loop3A_672 : i32
      %parallel_loop3A_674 = arith.constant 16 : i32
      %parallel_loop3A_675 = arith.muli %parallel_loop3A_673, %parallel_loop3A_674 : i32
      %parallel_loop3A_676 = tpu.vector_load_idx %arg10[%parallel_loop3A_667] : memref<100096xf32, #tpu.memory_space<vmem>>[vector<16xi32>], vector<16xf32>,
      %parallel_loop3A_677 = arith.mulf %parallel_loop3A_676, %gather3A_531 : vector<16xf32>
      %parallel_loop3A_678 = arith.index_cast %parallel_loop3A_671 : i32 to index
      %parallel_loop3A_679 = arith.index_cast %parallel_loop3A_675 : i32 to index
      %parallel_loop3A_680 = tpu.vector_load %arg11[%parallel_loop3A_678, %parallel_loop3A_679] {strides = array<i32>} : memref<128x128xf32, #tpu.memory_space<vmem>>, vector<16xf32>,
      tpu.vector_store %arg11[%parallel_loop3A_678, %parallel_loop3A_679], %parallel_loop3A_677 {strides = array<i32>} : memref<128x128xf32, #tpu.memory_space<vmem>>, vector<16xf32>,
    } {sc.loop_unroll_factor = 4 : i64, sc.parallel_access}
    %dma_wait3A_565 = arith.constant 0 : i32
    %dma_wait3A_566 = tpu.memref_slice %arg6[%dma_wait3A_565] : memref<16384xi32, #tpu.memory_space<hbm>> -> memref<4096xi32, #tpu.memory_space<hbm>>
    %dma_wait3A_567 = arith.constant 0 : i32
    %dma_wait3A_568 = tpu.memref_slice %arg6[%dma_wait3A_567] : memref<16384xi32, #tpu.memory_space<hbm>> -> memref<4096xi32, #tpu.memory_space<hbm>>
    tpu.wait_dma2 semaphore(%arg21 : memref<!tpu.dma_semaphore, #tpu.memory_space<semaphore_mem>>) src(%dma_wait3A_568 : memref<4096xi32, #tpu.memory_space<hbm>>) dst(%arg13 : memref<4096xi32, #tpu.memory_space<vmem>>)
    %parallel_loop3A_569 = arith.constant 0 : i32
    %parallel_loop3A_570 = arith.constant 256 : i32
    %parallel_loop3A_571 = arith.constant 1 : i32
    scf.for %parallel_loop3A_663 = %parallel_loop3A_569 to %parallel_loop3A_570 step %parallel_loop3A_571  : i32 {
      %parallel_loop3A_664 = arith.constant 16 : i32
      %parallel_loop3A_665 = arith.muli %parallel_loop3A_663, %parallel_loop3A_664 : i32
      %parallel_loop3A_666 = arith.index_cast %parallel_loop3A_665 : i32 to index
      %parallel_loop3A_667 = tpu.vector_load %arg13[%parallel_loop3A_666] {strides = array<i32>} : memref<4096xi32, #tpu.memory_space<vmem>>, vector<16xi32>,
      %parallel_loop3A_668 = arith.constant 3 : i32
      %parallel_loop3A_669 = arith.shrui %parallel_loop3A_663, %parallel_loop3A_668 : i32
      %parallel_loop3A_670 = arith.constant 96 : i32
      %parallel_loop3A_671 = arith.addi %parallel_loop3A_670, %parallel_loop3A_669 : i32
      %parallel_loop3A_672 = arith.constant 7 : i32
      %parallel_loop3A_673 = arith.andi %parallel_loop3A_663, %parallel_loop3A_672 : i32
      %parallel_loop3A_674 = arith.constant 16 : i32
      %parallel_loop3A_675 = arith.muli %parallel_loop3A_673, %parallel_loop3A_674 : i32
      %parallel_loop3A_676 = tpu.vector_load_idx %arg10[%parallel_loop3A_667] : memref<100096xf32, #tpu.memory_space<vmem>>[vector<16xi32>], vector<16xf32>,
      %parallel_loop3A_677 = arith.mulf %parallel_loop3A_676, %gather3A_531 : vector<16xf32>
      %parallel_loop3A_678 = arith.index_cast %parallel_loop3A_671 : i32 to index
      %parallel_loop3A_679 = arith.index_cast %parallel_loop3A_675 : i32 to index
      %parallel_loop3A_680 = tpu.vector_load %arg11[%parallel_loop3A_678, %parallel_loop3A_679] {strides = array<i32>} : memref<128x128xf32, #tpu.memory_space<vmem>>, vector<16xf32>,
      tpu.vector_store %arg11[%parallel_loop3A_678, %parallel_loop3A_679], %parallel_loop3A_677 {strides = array<i32>} : memref<128x128xf32, #tpu.memory_space<vmem>>, vector<16xf32>,
    } {sc.loop_unroll_factor = 4 : i64, sc.parallel_access}
    %dma_start3A_572 = arith.constant 0 : i32
    %dma_start3A_573 = tpu.memref_slice %arg10[%dma_start3A_572] : memref<100096xf32, #tpu.memory_space<vmem>> -> memref<99968xf32, #tpu.memory_space<vmem>>
    %dma_start3A_574 = arith.constant 0 : i32
    %dma_start3A_575 = tpu.memref_slice %arg3[%add3A_485, %dma_start3A_574] : memref<64x100000xf32, #tpu.memory_space<hbm>> -> memref<1x99968xf32, #tpu.memory_space<hbm>>
    %dma_start3A_576 = tpu.memref_squeeze %dma_start3A_575 : memref<1x99968xf32, #tpu.memory_space<hbm>> -> memref<99968xf32, #tpu.memory_space<hbm>>
    %dma_start3A_577 = arith.constant 0 : i32
    %dma_start3A_578 = tpu.memref_slice %arg10[%dma_start3A_577] : memref<100096xf32, #tpu.memory_space<vmem>> -> memref<99968xf32, #tpu.memory_space<vmem>>
    %dma_start3A_579 = arith.constant 0 : i32
    %dma_start3A_580 = tpu.memref_slice %arg3[%add3A_485, %dma_start3A_579] : memref<64x100000xf32, #tpu.memory_space<hbm>> -> memref<1x99968xf32, #tpu.memory_space<hbm>>
    %dma_start3A_581 = tpu.memref_squeeze %dma_start3A_580 : memref<1x99968xf32, #tpu.memory_space<hbm>> -> memref<99968xf32, #tpu.memory_space<hbm>>
    tpu.enqueue_dma source(%dma_start3A_581 : memref<99968xf32, #tpu.memory_space<hbm>>) target(%dma_start3A_578 : memref<99968xf32, #tpu.memory_space<vmem>>) target_semaphore(%arg18 : memref<!tpu.dma_semaphore, #tpu.memory_space<semaphore_mem>>)
    %dma_start3A_582 = arith.constant 99968 : i32
    %dma_start3A_583 = tpu.memref_slice %arg10[%dma_start3A_582] : memref<100096xf32, #tpu.memory_space<vmem>> -> memref<128xf32, #tpu.memory_space<vmem>>
    %dma_start3A_584 = arith.constant 0 : i32
    %dma_start3A_585 = tpu.memref_slice %arg5[%add3A_485, %dma_start3A_584] : memref<64x128xf32, #tpu.memory_space<hbm>> -> memref<1x128xf32, #tpu.memory_space<hbm>>
    %dma_start3A_586 = tpu.memref_squeeze %dma_start3A_585 : memref<1x128xf32, #tpu.memory_space<hbm>> -> memref<128xf32, #tpu.memory_space<hbm>>
    %dma_start3A_587 = arith.constant 99968 : i32
    %dma_start3A_588 = tpu.memref_slice %arg10[%dma_start3A_587] : memref<100096xf32, #tpu.memory_space<vmem>> -> memref<128xf32, #tpu.memory_space<vmem>>
    %dma_start3A_589 = arith.constant 0 : i32
    %dma_start3A_590 = tpu.memref_slice %arg5[%add3A_485, %dma_start3A_589] : memref<64x128xf32, #tpu.memory_space<hbm>> -> memref<1x128xf32, #tpu.memory_space<hbm>>
    %dma_start3A_591 = tpu.memref_squeeze %dma_start3A_590 : memref<1x128xf32, #tpu.memory_space<hbm>> -> memref<128xf32, #tpu.memory_space<hbm>>
    tpu.enqueue_dma source(%dma_start3A_591 : memref<128xf32, #tpu.memory_space<hbm>>) target(%dma_start3A_588 : memref<128xf32, #tpu.memory_space<vmem>>) target_semaphore(%arg19 : memref<!tpu.dma_semaphore, #tpu.memory_space<semaphore_mem>>)
    %dma_start3A_592 = arith.constant 0 : i32
    %dma_start3A_593 = tpu.memref_slice %arg7[%dma_start3A_592] : memref<16384xi32, #tpu.memory_space<hbm>> -> memref<4096xi32, #tpu.memory_space<hbm>>
    %dma_start3A_594 = arith.constant 0 : i32
    %dma_start3A_595 = tpu.memref_slice %arg7[%dma_start3A_594] : memref<16384xi32, #tpu.memory_space<hbm>> -> memref<4096xi32, #tpu.memory_space<hbm>>
    tpu.enqueue_dma source(%dma_start3A_595 : memref<4096xi32, #tpu.memory_space<hbm>>) target(%arg12 : memref<4096xi32, #tpu.memory_space<vmem>>) target_semaphore(%arg20 : memref<!tpu.dma_semaphore, #tpu.memory_space<semaphore_mem>>)
    %dma_wait3A_596 = arith.constant 0 : i32
    %dma_wait3A_597 = tpu.memref_slice %arg10[%dma_wait3A_596] : memref<100096xf32, #tpu.memory_space<vmem>> -> memref<99968xf32, #tpu.memory_space<vmem>>
    %dma_wait3A_598 = arith.constant 0 : i32
    %dma_wait3A_599 = tpu.memref_slice %arg3[%add3A_485, %dma_wait3A_598] : memref<64x100000xf32, #tpu.memory_space<hbm>> -> memref<1x99968xf32, #tpu.memory_space<hbm>>
    %dma_wait3A_600 = tpu.memref_squeeze %dma_wait3A_599 : memref<1x99968xf32, #tpu.memory_space<hbm>> -> memref<99968xf32, #tpu.memory_space<hbm>>
    %dma_wait3A_601 = arith.constant 0 : i32
    %dma_wait3A_602 = tpu.memref_slice %arg10[%dma_wait3A_601] : memref<100096xf32, #tpu.memory_space<vmem>> -> memref<99968xf32, #tpu.memory_space<vmem>>
    %dma_wait3A_603 = arith.constant 0 : i32
    %dma_wait3A_604 = tpu.memref_slice %arg3[%add3A_485, %dma_wait3A_603] : memref<64x100000xf32, #tpu.memory_space<hbm>> -> memref<1x99968xf32, #tpu.memory_space<hbm>>
    %dma_wait3A_605 = tpu.memref_squeeze %dma_wait3A_604 : memref<1x99968xf32, #tpu.memory_space<hbm>> -> memref<99968xf32, #tpu.memory_space<hbm>>
    tpu.wait_dma2 semaphore(%arg18 : memref<!tpu.dma_semaphore, #tpu.memory_space<semaphore_mem>>) src(%dma_wait3A_605 : memref<99968xf32, #tpu.memory_space<hbm>>) dst(%dma_wait3A_602 : memref<99968xf32, #tpu.memory_space<vmem>>)
    %dma_wait3A_606 = arith.constant 99968 : i32
    %dma_wait3A_607 = tpu.memref_slice %arg10[%dma_wait3A_606] : memref<100096xf32, #tpu.memory_space<vmem>> -> memref<128xf32, #tpu.memory_space<vmem>>
    %dma_wait3A_608 = arith.constant 0 : i32
    %dma_wait3A_609 = tpu.memref_slice %arg5[%add3A_485, %dma_wait3A_608] : memref<64x128xf32, #tpu.memory_space<hbm>> -> memref<1x128xf32, #tpu.memory_space<hbm>>
    %dma_wait3A_610 = tpu.memref_squeeze %dma_wait3A_609 : memref<1x128xf32, #tpu.memory_space<hbm>> -> memref<128xf32, #tpu.memory_space<hbm>>
    %dma_wait3A_611 = arith.constant 99968 : i32
    %dma_wait3A_612 = tpu.memref_slice %arg10[%dma_wait3A_611] : memref<100096xf32, #tpu.memory_space<vmem>> -> memref<128xf32, #tpu.memory_space<vmem>>
    %dma_wait3A_613 = arith.constant 0 : i32
    %dma_wait3A_614 = tpu.memref_slice %arg5[%add3A_485, %dma_wait3A_613] : memref<64x128xf32, #tpu.memory_space<hbm>> -> memref<1x128xf32, #tpu.memory_space<hbm>>
    %dma_wait3A_615 = tpu.memref_squeeze %dma_wait3A_614 : memref<1x128xf32, #tpu.memory_space<hbm>> -> memref<128xf32, #tpu.memory_space<hbm>>
    tpu.wait_dma2 semaphore(%arg19 : memref<!tpu.dma_semaphore, #tpu.memory_space<semaphore_mem>>) src(%dma_wait3A_615 : memref<128xf32, #tpu.memory_space<hbm>>) dst(%dma_wait3A_612 : memref<128xf32, #tpu.memory_space<vmem>>)
    %dma_start3A_616 = arith.constant 4096 : i32
    %dma_start3A_617 = tpu.memref_slice %arg7[%dma_start3A_616] : memref<16384xi32, #tpu.memory_space<hbm>> -> memref<4096xi32, #tpu.memory_space<hbm>>
    %dma_start3A_618 = arith.constant 4096 : i32
    %dma_start3A_619 = tpu.memref_slice %arg7[%dma_start3A_618] : memref<16384xi32, #tpu.memory_space<hbm>> -> memref<4096xi32, #tpu.memory_space<hbm>>
    tpu.enqueue_dma source(%dma_start3A_619 : memref<4096xi32, #tpu.memory_space<hbm>>) target(%arg13 : memref<4096xi32, #tpu.memory_space<vmem>>) target_semaphore(%arg21 : memref<!tpu.dma_semaphore, #tpu.memory_space<semaphore_mem>>)
    %dma_wait3A_620 = arith.constant 0 : i32
    %dma_wait3A_621 = tpu.memref_slice %arg7[%dma_wait3A_620] : memref<16384xi32, #tpu.memory_space<hbm>> -> memref<4096xi32, #tpu.memory_space<hbm>>
    %dma_wait3A_622 = arith.constant 0 : i32
    %dma_wait3A_623 = tpu.memref_slice %arg7[%dma_wait3A_622] : memref<16384xi32, #tpu.memory_space<hbm>> -> memref<4096xi32, #tpu.memory_space<hbm>>
    tpu.wait_dma2 semaphore(%arg20 : memref<!tpu.dma_semaphore, #tpu.memory_space<semaphore_mem>>) src(%dma_wait3A_623 : memref<4096xi32, #tpu.memory_space<hbm>>) dst(%arg12 : memref<4096xi32, #tpu.memory_space<vmem>>)
    %parallel_loop3A_624 = arith.constant 0 : i32
    %parallel_loop3A_625 = arith.constant 256 : i32
    %parallel_loop3A_626 = arith.constant 1 : i32
    scf.for %parallel_loop3A_663 = %parallel_loop3A_624 to %parallel_loop3A_625 step %parallel_loop3A_626  : i32 {
      %parallel_loop3A_664 = arith.constant 16 : i32
      %parallel_loop3A_665 = arith.muli %parallel_loop3A_663, %parallel_loop3A_664 : i32
      %parallel_loop3A_666 = arith.index_cast %parallel_loop3A_665 : i32 to index
      %parallel_loop3A_667 = tpu.vector_load %arg12[%parallel_loop3A_666] {strides = array<i32>} : memref<4096xi32, #tpu.memory_space<vmem>>, vector<16xi32>,
      %parallel_loop3A_668 = arith.constant 3 : i32
      %parallel_loop3A_669 = arith.shrui %parallel_loop3A_663, %parallel_loop3A_668 : i32
      %parallel_loop3A_670 = arith.constant 0 : i32
      %parallel_loop3A_671 = arith.addi %parallel_loop3A_670, %parallel_loop3A_669 : i32
      %parallel_loop3A_672 = arith.constant 7 : i32
      %parallel_loop3A_673 = arith.andi %parallel_loop3A_663, %parallel_loop3A_672 : i32
      %parallel_loop3A_674 = arith.constant 16 : i32
      %parallel_loop3A_675 = arith.muli %parallel_loop3A_673, %parallel_loop3A_674 : i32
      %parallel_loop3A_676 = arith.index_cast %parallel_loop3A_671 : i32 to index
      %parallel_loop3A_677 = arith.index_cast %parallel_loop3A_675 : i32 to index
      %parallel_loop3A_678 = tpu.vector_load %arg11[%parallel_loop3A_676, %parallel_loop3A_677] {strides = array<i32>} : memref<128x128xf32, #tpu.memory_space<vmem>>, vector<16xf32>,
      %parallel_loop3A_679 = tpu.vector_load_idx %arg10[%parallel_loop3A_667] : memref<100096xf32, #tpu.memory_space<vmem>>[vector<16xi32>], vector<16xf32>,
      %parallel_loop3A_680 = arith.mulf %parallel_loop3A_678, %parallel_loop3A_679 : vector<16xf32>
      %parallel_loop3A_681 = arith.index_cast %parallel_loop3A_671 : i32 to index
      %parallel_loop3A_682 = arith.index_cast %parallel_loop3A_675 : i32 to index
      %parallel_loop3A_683 = tpu.vector_load %arg11[%parallel_loop3A_681, %parallel_loop3A_682] {strides = array<i32>} : memref<128x128xf32, #tpu.memory_space<vmem>>, vector<16xf32>,
      tpu.vector_store %arg11[%parallel_loop3A_681, %parallel_loop3A_682], %parallel_loop3A_680 {strides = array<i32>} : memref<128x128xf32, #tpu.memory_space<vmem>>, vector<16xf32>,
    } {sc.loop_unroll_factor = 4 : i64, sc.parallel_access}
    %run_scoped3A_627 = arith.constant 0 : i32
    "tpu.region"() ({
      %run_scoped3A_663 = tpu.sem_alloc : memref<!tpu.dma_semaphore, #tpu.memory_space<semaphore_mem>>
      %dma_start3A_664 = arith.constant 0 : i32
      %dma_start3A_665 = arith.constant 0 : i32
      %dma_start3A_666 = tpu.memref_slice %arg11[%dma_start3A_664, %dma_start3A_665] : memref<128x128xf32, #tpu.memory_space<vmem>> -> memref<32x128xf32, #tpu.memory_space<vmem>>
      %dma_start3A_667 = arith.constant 0 : i32
      %dma_start3A_668 = tpu.memref_slice %arg16[%run_scoped3A_627, %dma_start3A_667] : memref<4x32xi32, #tpu.memory_space<vmem>> -> memref<1x32xi32, #tpu.memory_space<vmem>>
      %dma_start3A_669 = tpu.memref_squeeze %dma_start3A_668 : memref<1x32xi32, #tpu.memory_space<vmem>> -> memref<32xi32, #tpu.memory_space<vmem>>
      %dma_start3A_670 = arith.constant 0 : i32
      %dma_start3A_671 = arith.constant 0 : i32
      %dma_start3A_672 = tpu.memref_slice %arg17[%dma_start3A_670, %dma_start3A_671] : memref<128x128xf32, #tpu.memory_space<vmem_shared>> -> memref<128x128xf32, #tpu.memory_space<vmem_shared>>
      tpu.enqueue_indirect_dma source(%dma_start3A_666 : memref<32x128xf32, #tpu.memory_space<vmem>>) target(%dma_start3A_672 : memref<128x128xf32, #tpu.memory_space<vmem_shared>>) offsets(%dma_start3A_669 : memref<32xi32, #tpu.memory_space<vmem>>) semaphore(%run_scoped3A_663 : memref<!tpu.dma_semaphore, #tpu.memory_space<semaphore_mem>>) {add = true}
      %dma_wait3A_673 = arith.constant 0 : i32
      %dma_wait3A_674 = arith.constant 0 : i32
      %dma_wait3A_675 = tpu.memref_slice %arg11[%dma_wait3A_673, %dma_wait3A_674] : memref<128x128xf32, #tpu.memory_space<vmem>> -> memref<32x128xf32, #tpu.memory_space<vmem>>
      %dma_wait3A_676 = arith.constant 0 : i32
      %dma_wait3A_677 = tpu.memref_slice %arg16[%run_scoped3A_627, %dma_wait3A_676] : memref<4x32xi32, #tpu.memory_space<vmem>> -> memref<1x32xi32, #tpu.memory_space<vmem>>
      %dma_wait3A_678 = tpu.memref_squeeze %dma_wait3A_677 : memref<1x32xi32, #tpu.memory_space<vmem>> -> memref<32xi32, #tpu.memory_space<vmem>>
      %dma_wait3A_679 = arith.constant 0 : i32
      %dma_wait3A_680 = arith.constant 0 : i32
      %dma_wait3A_681 = tpu.memref_slice %arg17[%dma_wait3A_679, %dma_wait3A_680] : memref<128x128xf32, #tpu.memory_space<vmem_shared>> -> memref<128x128xf32, #tpu.memory_space<vmem_shared>>
      tpu.wait_indirect_dma semaphore(%run_scoped3A_663 : memref<!tpu.dma_semaphore, #tpu.memory_space<semaphore_mem>>) src(%dma_wait3A_675 : memref<32x128xf32, #tpu.memory_space<vmem>>) dst(%dma_wait3A_681 : memref<128x128xf32, #tpu.memory_space<vmem_shared>>)
      tpu.yield
    }) : () -> ()
    %dma_start3A_628 = arith.constant 8192 : i32
    %dma_start3A_629 = tpu.memref_slice %arg7[%dma_start3A_628] : memref<16384xi32, #tpu.memory_space<hbm>> -> memref<4096xi32, #tpu.memory_space<hbm>>
    %dma_start3A_630 = arith.constant 8192 : i32
    %dma_start3A_631 = tpu.memref_slice %arg7[%dma_start3A_630] : memref<16384xi32, #tpu.memory_space<hbm>> -> memref<4096xi32, #tpu.memory_space<hbm>>
    tpu.enqueue_dma source(%dma_start3A_631 : memref<4096xi32, #tpu.memory_space<hbm>>) target(%arg12 : memref<4096xi32, #tpu.memory_space<vmem>>) target_semaphore(%arg20 : memref<!tpu.dma_semaphore, #tpu.memory_space<semaphore_mem>>)
    %dma_wait3A_632 = arith.constant 0 : i32
    %dma_wait3A_633 = tpu.memref_slice %arg7[%dma_wait3A_632] : memref<16384xi32, #tpu.memory_space<hbm>> -> memref<4096xi32, #tpu.memory_space<hbm>>
    %dma_wait3A_634 = arith.constant 0 : i32
    %dma_wait3A_635 = tpu.memref_slice %arg7[%dma_wait3A_634] : memref<16384xi32, #tpu.memory_space<hbm>> -> memref<4096xi32, #tpu.memory_space<hbm>>
    tpu.wait_dma2 semaphore(%arg21 : memref<!tpu.dma_semaphore, #tpu.memory_space<semaphore_mem>>) src(%dma_wait3A_635 : memref<4096xi32, #tpu.memory_space<hbm>>) dst(%arg13 : memref<4096xi32, #tpu.memory_space<vmem>>)
    %parallel_loop3A_636 = arith.constant 0 : i32
    %parallel_loop3A_637 = arith.constant 256 : i32
    %parallel_loop3A_638 = arith.constant 1 : i32
    scf.for %parallel_loop3A_663 = %parallel_loop3A_636 to %parallel_loop3A_637 step %parallel_loop3A_638  : i32 {
      %parallel_loop3A_664 = arith.constant 16 : i32
      %parallel_loop3A_665 = arith.muli %parallel_loop3A_663, %parallel_loop3A_664 : i32
      %parallel_loop3A_666 = arith.index_cast %parallel_loop3A_665 : i32 to index
      %parallel_loop3A_667 = tpu.vector_load %arg13[%parallel_loop3A_666] {strides = array<i32>} : memref<4096xi32, #tpu.memory_space<vmem>>, vector<16xi32>,
      %parallel_loop3A_668 = arith.constant 3 : i32
      %parallel_loop3A_669 = arith.shrui %parallel_loop3A_663, %parallel_loop3A_668 : i32
      %parallel_loop3A_670 = arith.constant 32 : i32
      %parallel_loop3A_671 = arith.addi %parallel_loop3A_670, %parallel_loop3A_669 : i32
      %parallel_loop3A_672 = arith.constant 7 : i32
      %parallel_loop3A_673 = arith.andi %parallel_loop3A_663, %parallel_loop3A_672 : i32
      %parallel_loop3A_674 = arith.constant 16 : i32
      %parallel_loop3A_675 = arith.muli %parallel_loop3A_673, %parallel_loop3A_674 : i32
      %parallel_loop3A_676 = arith.index_cast %parallel_loop3A_671 : i32 to index
      %parallel_loop3A_677 = arith.index_cast %parallel_loop3A_675 : i32 to index
      %parallel_loop3A_678 = tpu.vector_load %arg11[%parallel_loop3A_676, %parallel_loop3A_677] {strides = array<i32>} : memref<128x128xf32, #tpu.memory_space<vmem>>, vector<16xf32>,
      %parallel_loop3A_679 = tpu.vector_load_idx %arg10[%parallel_loop3A_667] : memref<100096xf32, #tpu.memory_space<vmem>>[vector<16xi32>], vector<16xf32>,
      %parallel_loop3A_680 = arith.mulf %parallel_loop3A_678, %parallel_loop3A_679 : vector<16xf32>
      %parallel_loop3A_681 = arith.index_cast %parallel_loop3A_671 : i32 to index
      %parallel_loop3A_682 = arith.index_cast %parallel_loop3A_675 : i32 to index
      %parallel_loop3A_683 = tpu.vector_load %arg11[%parallel_loop3A_681, %parallel_loop3A_682] {strides = array<i32>} : memref<128x128xf32, #tpu.memory_space<vmem>>, vector<16xf32>,
      tpu.vector_store %arg11[%parallel_loop3A_681, %parallel_loop3A_682], %parallel_loop3A_680 {strides = array<i32>} : memref<128x128xf32, #tpu.memory_space<vmem>>, vector<16xf32>,
    } {sc.loop_unroll_factor = 4 : i64, sc.parallel_access}
    %run_scoped3A_639 = arith.constant 1 : i32
    "tpu.region"() ({
      %run_scoped3A_663 = tpu.sem_alloc : memref<!tpu.dma_semaphore, #tpu.memory_space<semaphore_mem>>
      %dma_start3A_664 = arith.constant 32 : i32
      %dma_start3A_665 = arith.constant 0 : i32
      %dma_start3A_666 = tpu.memref_slice %arg11[%dma_start3A_664, %dma_start3A_665] : memref<128x128xf32, #tpu.memory_space<vmem>> -> memref<32x128xf32, #tpu.memory_space<vmem>>
      %dma_start3A_667 = arith.constant 0 : i32
      %dma_start3A_668 = tpu.memref_slice %arg16[%run_scoped3A_639, %dma_start3A_667] : memref<4x32xi32, #tpu.memory_space<vmem>> -> memref<1x32xi32, #tpu.memory_space<vmem>>
      %dma_start3A_669 = tpu.memref_squeeze %dma_start3A_668 : memref<1x32xi32, #tpu.memory_space<vmem>> -> memref<32xi32, #tpu.memory_space<vmem>>
      %dma_start3A_670 = arith.constant 0 : i32
      %dma_start3A_671 = arith.constant 0 : i32
      %dma_start3A_672 = tpu.memref_slice %arg17[%dma_start3A_670, %dma_start3A_671] : memref<128x128xf32, #tpu.memory_space<vmem_shared>> -> memref<128x128xf32, #tpu.memory_space<vmem_shared>>
      tpu.enqueue_indirect_dma source(%dma_start3A_666 : memref<32x128xf32, #tpu.memory_space<vmem>>) target(%dma_start3A_672 : memref<128x128xf32, #tpu.memory_space<vmem_shared>>) offsets(%dma_start3A_669 : memref<32xi32, #tpu.memory_space<vmem>>) semaphore(%run_scoped3A_663 : memref<!tpu.dma_semaphore, #tpu.memory_space<semaphore_mem>>) {add = true}
      %dma_wait3A_673 = arith.constant 32 : i32
      %dma_wait3A_674 = arith.constant 0 : i32
      %dma_wait3A_675 = tpu.memref_slice %arg11[%dma_wait3A_673, %dma_wait3A_674] : memref<128x128xf32, #tpu.memory_space<vmem>> -> memref<32x128xf32, #tpu.memory_space<vmem>>
      %dma_wait3A_676 = arith.constant 0 : i32
      %dma_wait3A_677 = tpu.memref_slice %arg16[%run_scoped3A_639, %dma_wait3A_676] : memref<4x32xi32, #tpu.memory_space<vmem>> -> memref<1x32xi32, #tpu.memory_space<vmem>>
      %dma_wait3A_678 = tpu.memref_squeeze %dma_wait3A_677 : memref<1x32xi32, #tpu.memory_space<vmem>> -> memref<32xi32, #tpu.memory_space<vmem>>
      %dma_wait3A_679 = arith.constant 0 : i32
      %dma_wait3A_680 = arith.constant 0 : i32
      %dma_wait3A_681 = tpu.memref_slice %arg17[%dma_wait3A_679, %dma_wait3A_680] : memref<128x128xf32, #tpu.memory_space<vmem_shared>> -> memref<128x128xf32, #tpu.memory_space<vmem_shared>>
      tpu.wait_indirect_dma semaphore(%run_scoped3A_663 : memref<!tpu.dma_semaphore, #tpu.memory_space<semaphore_mem>>) src(%dma_wait3A_675 : memref<32x128xf32, #tpu.memory_space<vmem>>) dst(%dma_wait3A_681 : memref<128x128xf32, #tpu.memory_space<vmem_shared>>)
      tpu.yield
    }) : () -> ()
    %dma_start3A_640 = arith.constant 12288 : i32
    %dma_start3A_641 = tpu.memref_slice %arg7[%dma_start3A_640] : memref<16384xi32, #tpu.memory_space<hbm>> -> memref<4096xi32, #tpu.memory_space<hbm>>
    %dma_start3A_642 = arith.constant 12288 : i32
    %dma_start3A_643 = tpu.memref_slice %arg7[%dma_start3A_642] : memref<16384xi32, #tpu.memory_space<hbm>> -> memref<4096xi32, #tpu.memory_space<hbm>>
    tpu.enqueue_dma source(%dma_start3A_643 : memref<4096xi32, #tpu.memory_space<hbm>>) target(%arg13 : memref<4096xi32, #tpu.memory_space<vmem>>) target_semaphore(%arg21 : memref<!tpu.dma_semaphore, #tpu.memory_space<semaphore_mem>>)
    %dma_wait3A_644 = arith.constant 0 : i32
    %dma_wait3A_645 = tpu.memref_slice %arg7[%dma_wait3A_644] : memref<16384xi32, #tpu.memory_space<hbm>> -> memref<4096xi32, #tpu.memory_space<hbm>>
    %dma_wait3A_646 = arith.constant 0 : i32
    %dma_wait3A_647 = tpu.memref_slice %arg7[%dma_wait3A_646] : memref<16384xi32, #tpu.memory_space<hbm>> -> memref<4096xi32, #tpu.memory_space<hbm>>
    tpu.wait_dma2 semaphore(%arg20 : memref<!tpu.dma_semaphore, #tpu.memory_space<semaphore_mem>>) src(%dma_wait3A_647 : memref<4096xi32, #tpu.memory_space<hbm>>) dst(%arg12 : memref<4096xi32, #tpu.memory_space<vmem>>)
    %parallel_loop3A_648 = arith.constant 0 : i32
    %parallel_loop3A_649 = arith.constant 256 : i32
    %parallel_loop3A_650 = arith.constant 1 : i32
    scf.for %parallel_loop3A_663 = %parallel_loop3A_648 to %parallel_loop3A_649 step %parallel_loop3A_650  : i32 {
      %parallel_loop3A_664 = arith.constant 16 : i32
      %parallel_loop3A_665 = arith.muli %parallel_loop3A_663, %parallel_loop3A_664 : i32
      %parallel_loop3A_666 = arith.index_cast %parallel_loop3A_665 : i32 to index
      %parallel_loop3A_667 = tpu.vector_load %arg12[%parallel_loop3A_666] {strides = array<i32>} : memref<4096xi32, #tpu.memory_space<vmem>>, vector<16xi32>,
      %parallel_loop3A_668 = arith.constant 3 : i32
      %parallel_loop3A_669 = arith.shrui %parallel_loop3A_663, %parallel_loop3A_668 : i32
      %parallel_loop3A_670 = arith.constant 64 : i32
      %parallel_loop3A_671 = arith.addi %parallel_loop3A_670, %parallel_loop3A_669 : i32
      %parallel_loop3A_672 = arith.constant 7 : i32
      %parallel_loop3A_673 = arith.andi %parallel_loop3A_663, %parallel_loop3A_672 : i32
      %parallel_loop3A_674 = arith.constant 16 : i32
      %parallel_loop3A_675 = arith.muli %parallel_loop3A_673, %parallel_loop3A_674 : i32
      %parallel_loop3A_676 = arith.index_cast %parallel_loop3A_671 : i32 to index
      %parallel_loop3A_677 = arith.index_cast %parallel_loop3A_675 : i32 to index
      %parallel_loop3A_678 = tpu.vector_load %arg11[%parallel_loop3A_676, %parallel_loop3A_677] {strides = array<i32>} : memref<128x128xf32, #tpu.memory_space<vmem>>, vector<16xf32>,
      %parallel_loop3A_679 = tpu.vector_load_idx %arg10[%parallel_loop3A_667] : memref<100096xf32, #tpu.memory_space<vmem>>[vector<16xi32>], vector<16xf32>,
      %parallel_loop3A_680 = arith.mulf %parallel_loop3A_678, %parallel_loop3A_679 : vector<16xf32>
      %parallel_loop3A_681 = arith.index_cast %parallel_loop3A_671 : i32 to index
      %parallel_loop3A_682 = arith.index_cast %parallel_loop3A_675 : i32 to index
      %parallel_loop3A_683 = tpu.vector_load %arg11[%parallel_loop3A_681, %parallel_loop3A_682] {strides = array<i32>} : memref<128x128xf32, #tpu.memory_space<vmem>>, vector<16xf32>,
      tpu.vector_store %arg11[%parallel_loop3A_681, %parallel_loop3A_682], %parallel_loop3A_680 {strides = array<i32>} : memref<128x128xf32, #tpu.memory_space<vmem>>, vector<16xf32>,
    } {sc.loop_unroll_factor = 4 : i64, sc.parallel_access}
    %run_scoped3A_651 = arith.constant 2 : i32
    "tpu.region"() ({
      %run_scoped3A_663 = tpu.sem_alloc : memref<!tpu.dma_semaphore, #tpu.memory_space<semaphore_mem>>
      %dma_start3A_664 = arith.constant 64 : i32
      %dma_start3A_665 = arith.constant 0 : i32
      %dma_start3A_666 = tpu.memref_slice %arg11[%dma_start3A_664, %dma_start3A_665] : memref<128x128xf32, #tpu.memory_space<vmem>> -> memref<32x128xf32, #tpu.memory_space<vmem>>
      %dma_start3A_667 = arith.constant 0 : i32
      %dma_start3A_668 = tpu.memref_slice %arg16[%run_scoped3A_651, %dma_start3A_667] : memref<4x32xi32, #tpu.memory_space<vmem>> -> memref<1x32xi32, #tpu.memory_space<vmem>>
      %dma_start3A_669 = tpu.memref_squeeze %dma_start3A_668 : memref<1x32xi32, #tpu.memory_space<vmem>> -> memref<32xi32, #tpu.memory_space<vmem>>
      %dma_start3A_670 = arith.constant 0 : i32
      %dma_start3A_671 = arith.constant 0 : i32
      %dma_start3A_672 = tpu.memref_slice %arg17[%dma_start3A_670, %dma_start3A_671] : memref<128x128xf32, #tpu.memory_space<vmem_shared>> -> memref<128x128xf32, #tpu.memory_space<vmem_shared>>
      tpu.enqueue_indirect_dma source(%dma_start3A_666 : memref<32x128xf32, #tpu.memory_space<vmem>>) target(%dma_start3A_672 : memref<128x128xf32, #tpu.memory_space<vmem_shared>>) offsets(%dma_start3A_669 : memref<32xi32, #tpu.memory_space<vmem>>) semaphore(%run_scoped3A_663 : memref<!tpu.dma_semaphore, #tpu.memory_space<semaphore_mem>>) {add = true}
      %dma_wait3A_673 = arith.constant 64 : i32
      %dma_wait3A_674 = arith.constant 0 : i32
      %dma_wait3A_675 = tpu.memref_slice %arg11[%dma_wait3A_673, %dma_wait3A_674] : memref<128x128xf32, #tpu.memory_space<vmem>> -> memref<32x128xf32, #tpu.memory_space<vmem>>
      %dma_wait3A_676 = arith.constant 0 : i32
      %dma_wait3A_677 = tpu.memref_slice %arg16[%run_scoped3A_651, %dma_wait3A_676] : memref<4x32xi32, #tpu.memory_space<vmem>> -> memref<1x32xi32, #tpu.memory_space<vmem>>
      %dma_wait3A_678 = tpu.memref_squeeze %dma_wait3A_677 : memref<1x32xi32, #tpu.memory_space<vmem>> -> memref<32xi32, #tpu.memory_space<vmem>>
      %dma_wait3A_679 = arith.constant 0 : i32
      %dma_wait3A_680 = arith.constant 0 : i32
      %dma_wait3A_681 = tpu.memref_slice %arg17[%dma_wait3A_679, %dma_wait3A_680] : memref<128x128xf32, #tpu.memory_space<vmem_shared>> -> memref<128x128xf32, #tpu.memory_space<vmem_shared>>
      tpu.wait_indirect_dma semaphore(%run_scoped3A_663 : memref<!tpu.dma_semaphore, #tpu.memory_space<semaphore_mem>>) src(%dma_wait3A_675 : memref<32x128xf32, #tpu.memory_space<vmem>>) dst(%dma_wait3A_681 : memref<128x128xf32, #tpu.memory_space<vmem_shared>>)
      tpu.yield
    }) : () -> ()
    %dma_wait3A_652 = arith.constant 0 : i32
    %dma_wait3A_653 = tpu.memref_slice %arg7[%dma_wait3A_652] : memref<16384xi32, #tpu.memory_space<hbm>> -> memref<4096xi32, #tpu.memory_space<hbm>>
    %dma_wait3A_654 = arith.constant 0 : i32
    %dma_wait3A_655 = tpu.memref_slice %arg7[%dma_wait3A_654] : memref<16384xi32, #tpu.memory_space<hbm>> -> memref<4096xi32, #tpu.memory_space<hbm>>
    tpu.wait_dma2 semaphore(%arg21 : memref<!tpu.dma_semaphore, #tpu.memory_space<semaphore_mem>>) src(%dma_wait3A_655 : memref<4096xi32, #tpu.memory_space<hbm>>) dst(%arg13 : memref<4096xi32, #tpu.memory_space<vmem>>)
    %parallel_loop3A_656 = arith.constant 0 : i32
    %parallel_loop3A_657 = arith.constant 256 : i32
    %parallel_loop3A_658 = arith.constant 1 : i32
    scf.for %parallel_loop3A_663 = %parallel_loop3A_656 to %parallel_loop3A_657 step %parallel_loop3A_658  : i32 {
      %parallel_loop3A_664 = arith.constant 16 : i32
      %parallel_loop3A_665 = arith.muli %parallel_loop3A_663, %parallel_loop3A_664 : i32
      %parallel_loop3A_666 = arith.index_cast %parallel_loop3A_665 : i32 to index
      %parallel_loop3A_667 = tpu.vector_load %arg13[%parallel_loop3A_666] {strides = array<i32>} : memref<4096xi32, #tpu.memory_space<vmem>>, vector<16xi32>,
      %parallel_loop3A_668 = arith.constant 3 : i32
      %parallel_loop3A_669 = arith.shrui %parallel_loop3A_663, %parallel_loop3A_668 : i32
      %parallel_loop3A_670 = arith.constant 96 : i32
      %parallel_loop3A_671 = arith.addi %parallel_loop3A_670, %parallel_loop3A_669 : i32
      %parallel_loop3A_672 = arith.constant 7 : i32
      %parallel_loop3A_673 = arith.andi %parallel_loop3A_663, %parallel_loop3A_672 : i32
      %parallel_loop3A_674 = arith.constant 16 : i32
      %parallel_loop3A_675 = arith.muli %parallel_loop3A_673, %parallel_loop3A_674 : i32
      %parallel_loop3A_676 = arith.index_cast %parallel_loop3A_671 : i32 to index
      %parallel_loop3A_677 = arith.index_cast %parallel_loop3A_675 : i32 to index
      %parallel_loop3A_678 = tpu.vector_load %arg11[%parallel_loop3A_676, %parallel_loop3A_677] {strides = array<i32>} : memref<128x128xf32, #tpu.memory_space<vmem>>, vector<16xf32>,
      %parallel_loop3A_679 = tpu.vector_load_idx %arg10[%parallel_loop3A_667] : memref<100096xf32, #tpu.memory_space<vmem>>[vector<16xi32>], vector<16xf32>,
      %parallel_loop3A_680 = arith.mulf %parallel_loop3A_678, %parallel_loop3A_679 : vector<16xf32>
      %parallel_loop3A_681 = arith.index_cast %parallel_loop3A_671 : i32 to index
      %parallel_loop3A_682 = arith.index_cast %parallel_loop3A_675 : i32 to index
      %parallel_loop3A_683 = tpu.vector_load %arg11[%parallel_loop3A_681, %parallel_loop3A_682] {strides = array<i32>} : memref<128x128xf32, #tpu.memory_space<vmem>>, vector<16xf32>,
      tpu.vector_store %arg11[%parallel_loop3A_681, %parallel_loop3A_682], %parallel_loop3A_680 {strides = array<i32>} : memref<128x128xf32, #tpu.memory_space<vmem>>, vector<16xf32>,
    } {sc.loop_unroll_factor = 4 : i64, sc.parallel_access}
    %run_scoped3A_659 = arith.constant 3 : i32
    "tpu.region"() ({
      %run_scoped3A_663 = tpu.sem_alloc : memref<!tpu.dma_semaphore, #tpu.memory_space<semaphore_mem>>
      %dma_start3A_664 = arith.constant 96 : i32
      %dma_start3A_665 = arith.constant 0 : i32
      %dma_start3A_666 = tpu.memref_slice %arg11[%dma_start3A_664, %dma_start3A_665] : memref<128x128xf32, #tpu.memory_space<vmem>> -> memref<32x128xf32, #tpu.memory_space<vmem>>
      %dma_start3A_667 = arith.constant 0 : i32
      %dma_start3A_668 = tpu.memref_slice %arg16[%run_scoped3A_659, %dma_start3A_667] : memref<4x32xi32, #tpu.memory_space<vmem>> -> memref<1x32xi32, #tpu.memory_space<vmem>>
      %dma_start3A_669 = tpu.memref_squeeze %dma_start3A_668 : memref<1x32xi32, #tpu.memory_space<vmem>> -> memref<32xi32, #tpu.memory_space<vmem>>
      %dma_start3A_670 = arith.constant 0 : i32
      %dma_start3A_671 = arith.constant 0 : i32
      %dma_start3A_672 = tpu.memref_slice %arg17[%dma_start3A_670, %dma_start3A_671] : memref<128x128xf32, #tpu.memory_space<vmem_shared>> -> memref<128x128xf32, #tpu.memory_space<vmem_shared>>
      tpu.enqueue_indirect_dma source(%dma_start3A_666 : memref<32x128xf32, #tpu.memory_space<vmem>>) target(%dma_start3A_672 : memref<128x128xf32, #tpu.memory_space<vmem_shared>>) offsets(%dma_start3A_669 : memref<32xi32, #tpu.memory_space<vmem>>) semaphore(%run_scoped3A_663 : memref<!tpu.dma_semaphore, #tpu.memory_space<semaphore_mem>>) {add = true}
      %dma_wait3A_673 = arith.constant 96 : i32
      %dma_wait3A_674 = arith.constant 0 : i32
      %dma_wait3A_675 = tpu.memref_slice %arg11[%dma_wait3A_673, %dma_wait3A_674] : memref<128x128xf32, #tpu.memory_space<vmem>> -> memref<32x128xf32, #tpu.memory_space<vmem>>
      %dma_wait3A_676 = arith.constant 0 : i32
      %dma_wait3A_677 = tpu.memref_slice %arg16[%run_scoped3A_659, %dma_wait3A_676] : memref<4x32xi32, #tpu.memory_space<vmem>> -> memref<1x32xi32, #tpu.memory_space<vmem>>
      %dma_wait3A_678 = tpu.memref_squeeze %dma_wait3A_677 : memref<1x32xi32, #tpu.memory_space<vmem>> -> memref<32xi32, #tpu.memory_space<vmem>>
      %dma_wait3A_679 = arith.constant 0 : i32
      %dma_wait3A_680 = arith.constant 0 : i32
      %dma_wait3A_681 = tpu.memref_slice %arg17[%dma_wait3A_679, %dma_wait3A_680] : memref<128x128xf32, #tpu.memory_space<vmem_shared>> -> memref<128x128xf32, #tpu.memory_space<vmem_shared>>
      tpu.wait_indirect_dma semaphore(%run_scoped3A_663 : memref<!tpu.dma_semaphore, #tpu.memory_space<semaphore_mem>>) src(%dma_wait3A_675 : memref<32x128xf32, #tpu.memory_space<vmem>>) dst(%dma_wait3A_681 : memref<128x128xf32, #tpu.memory_space<vmem_shared>>)
      tpu.yield
    }) : () -> ()
    %barrier3A_660 = arith.constant 0 : index
    tpu.barrier barrier_id(%barrier3A_660)
    %eq3A = arith.constant 0 : i32
    %eq3A_661 = arith.cmpi eq, %arg1, %eq3A : i32
    %convert_element_type3A = arith.extui %eq3A_661 : i1 to i32
    %cond3A = arith.constant 0 : i32
    %cond3A_662 = arith.cmpi ne, %convert_element_type3A, %cond3A : i32
    scf.if %cond3A_662 {
      "tpu.region"() ({
        %run_scoped3A_663 = tpu.sem_alloc : memref<!tpu.dma_semaphore, #tpu.memory_space<semaphore_mem>>
        %dma_start3A_664 = arith.constant 0 : i32
        %dma_start3A_665 = arith.constant 0 : i32
        %dma_start3A_666 = tpu.memref_slice %arg9[%arg0, %dma_start3A_664, %dma_start3A_665] : memref<2x128x128xf32, #tpu.memory_space<hbm>> -> memref<1x128x128xf32, #tpu.memory_space<hbm>>
        %dma_start3A_667 = tpu.memref_squeeze %dma_start3A_666 : memref<1x128x128xf32, #tpu.memory_space<hbm>> -> memref<128x128xf32, #tpu.memory_space<hbm>>
        tpu.enqueue_dma source(%arg17 : memref<128x128xf32, #tpu.memory_space<vmem_shared>>) target(%dma_start3A_667 : memref<128x128xf32, #tpu.memory_space<hbm>>) target_semaphore(%run_scoped3A_663 : memref<!tpu.dma_semaphore, #tpu.memory_space<semaphore_mem>>)
        %dma_wait3A_668 = arith.constant 0 : i32
        %dma_wait3A_669 = arith.constant 0 : i32
        %dma_wait3A_670 = tpu.memref_slice %arg9[%arg0, %dma_wait3A_668, %dma_wait3A_669] : memref<2x128x128xf32, #tpu.memory_space<hbm>> -> memref<1x128x128xf32, #tpu.memory_space<hbm>>
        %dma_wait3A_671 = tpu.memref_squeeze %dma_wait3A_670 : memref<1x128x128xf32, #tpu.memory_space<hbm>> -> memref<128x128xf32, #tpu.memory_space<hbm>>
        tpu.wait_dma2 semaphore(%run_scoped3A_663 : memref<!tpu.dma_semaphore, #tpu.memory_space<semaphore_mem>>) src(%arg17 : memref<128x128xf32, #tpu.memory_space<vmem_shared>>) dst(%dma_wait3A_671 : memref<128x128xf32, #tpu.memory_space<hbm>>)
        tpu.yield
      }) : () -> ()
    } else {
    }
    return
  }
}

</mosaic_0001>

<sc_bundles>
// kernel: _run.3.cloned.1.call-start
scs
__scs_entry_jumppad:
0x0: {  	(pc) =	sbr.rel $0x88, $3  }
0x1: {  	(tag) =	ssettag $0x0;
	lr =	simm.s32 $0x1  }
0x2: {  	[smem:$0x3F9B] =	sst lr;
	_ =	strace $0xD0000000  }
0x3: {  	_ = 	snop  }
0x4: {  	_ = 	snop  }
0x5: {  	_ = 	snop  }
0x6: {  	_ = 	snop  }
0x7: {  	_ = 	snop  }
__scs_overlays_trampoline_lowered:
0x8: {  	[smem:$0x3FAA] =	sst s0  }
0x9: {  	[smem:$0x3FAB] =	sst s1  }
0xa: {  	[smem:$0x3FAC] =	sst s2  }
0xb: {  	[smem:$0x3FAD] =	sst s3  }
0xc: {  	[smem:$0x3FAE] =	sst s4  }
0xd: {  	[smem:$0x3FAF] =	sst s5  }
0xe: {  	[smem:$0x3FB0] =	sst s6  }
0xf: {  	[smem:$0x3FB1] =	sst s7  }
0x10: {  	[smem:$0x3FB2] =	sst s8  }
0x11: {  	[smem:$0x3FB3] =	sst s9;
	s0 =	simm.s32 @!p0 $0x0  }
0x12: {  	s1 =	sld [smem:$0x3F99];
	s0 =	simm.s32 @p0 $0x1  }
0x13: {  	[smem:$0x3FB4] =	sst s0;
	s0 =	simm.s32 @!p1 $0x0  }
0x14: {  	s2 =	sld [smem:$0x3F98];
	s0 =	simm.s32 @p1 $0x1  }
0x15: {  	[smem:$0x3FB5] =	sst s0;
	s0 =	simm.s32 @!p2 $0x0  }
0x16: {  	s3 =	sld [smem:$0x3FDB];
	s0 =	simm.s32 @p2 $0x1  }
0x17: {  	s4 =	simm.s32 $0x1BF5;
	[smem:$0x3FB7] =	sst s0  }
0x18: {  	s0 =	sld [smem:$0x3F9A];
	_ =	swait.ge [sflag:s4], $0x0  }
0x19: {  	s7 =	sld [smem:$0x3F9B]  }
0x1a: {  	s8 =	sadd.s32 $0xFFFFE003, lr  }
0x1b: {  	s9 =	sadd.s32 $0xFFFFFEF7, lr;
	s5 =	simm.s32 $0xFFFFFFFF;
	p2 =	slt.u32 s8, $0xFFFFF086  }
0x1c: {  	p1 =	slt.u32 s9, $0xF7A;
	s5 =	simm.s32 @!p2 $0x0  }
0x1d: {  	s5 =	simm.s32 @p1 $0x1;
	p0 =	seq.s32 s7, s2  }
0x1e: {  	s7 =	smul.u32 @!p0 $0xF7A, s2;
	p2 =	seq.s32 @!p0 s5, $0x0  }
0x1f: {  	s9 =	smul.u32 $0xF7A, s1;
	s8 =	simm.s32 @!p0 $0x1BF5;
	p2 =	por !p2, p0  }
0x20: {  	[sflag:s8] =	ssyncset.s32 @!p0 $0xFFFFF086;
	s6 =	sadd.s32 @!p0 s3, s7;
	s7 =	simm.s32 @!p0 $0x108  }
0x21: {  	s3 =	sadd.s32 s3, s9;
	s6 =	sadd.s32 @!p0 $0x88, s6;
	s7 =	simm.s32 @p2 $0x1082  }
0x22: {  	[simem:s7], [sflag:s8] =	dma.local @!p0 [hbm:s6], $0xF7A  }
0x23: {  	s9 =	sor.u32 $0xD0000000, s2;
	s6 =	simm.s32 $0x108;
	_ =	swait.ge @!p0 [sflag:s8], $0x0  }
0x24: {  	s3 =	sadd.s32 $0x88, s3;
	s6 =	simm.s32 @!p1 $0x1082;
	[sflag:s4] =	ssyncset.s32 $0xFFFFF086  }
0x25: {  	[simem:s6], [sflag:s4] =	dma.local [hbm:s3], $0xF7A  }
0x26: {  	[smem:$0x3F9B] =	sst s1;
	(tag) =	ssettag s2;
	_ =	strace s9  }
0x27: {  	s1 =	sld [smem:$0x3FAB]  }
0x28: {  	s2 =	sld [smem:$0x3FAC]  }
0x29: {  	s4 =	sld [smem:$0x3FAE]  }
0x2a: {  	p0 =	seq.s32 s5, $0x0;
	s5 =	sld [smem:$0x3FAF]  }
0x2b: {  	s6 =	sld [smem:$0x3FB0]  }
0x2c: {  	s7 =	sld [smem:$0x3FB1]  }
0x2d: {  	s3 =	simm.s32 $0x108;
	s8 =	sld [smem:$0x3FB2]  }
0x2e: {  	s3 =	simm.s32 @!p0 $0x1082;
	s9 =	sld [smem:$0x3FB3]  }
0x2f: {  	lr =	sadd.s32 s0, s3;
	s0 =	sld [smem:$0x3FAA]  }
0x30: {  	s3 =	sld [smem:$0x3FAD]  }
0x31: {  	[smem:$0x3FB6] =	sst s10  }
0x32: {  	s10 =	sld [smem:$0x3FB4];
	_ =	sdelay $0x3  }
0x33: {  	p0 =	seq.s32 s10, $0x1;
	s10 =	sld [smem:$0x3FB6];
	_ =	sdelay $0x3  }
0x34: {  	[smem:$0x3FB6] =	sst s10  }
0x35: {  	s10 =	sld [smem:$0x3FB5];
	_ =	sdelay $0x3  }
0x36: {  	p1 =	seq.s32 s10, $0x1;
	s10 =	sld [smem:$0x3FB6];
	_ =	sdelay $0x3  }
0x37: {  	[smem:$0x3FB6] =	sst s10  }
0x38: {  	s10 =	sld [smem:$0x3FB7]  }
0x39: {  	_ = 	snop;
	(pc) =	sbr.ind lr, $3  }
0x3a: {  	_ = 	snop  }
0x3b: {  	_ = 	snop  }
0x3c: {  	p2 =	seq.s32 s10, $0x1;
	s10 =	sld [smem:$0x3FB6]  }
0x3d: {  	_ =	shalt  }
0x3e: {  	_ =	shalt  }
0x3f: {  	_ =	shalt  }
0x40: {  	_ =	shalt  }
0x41: {  	_ =	shalt  }
0x42: {  	_ =	shalt  }
0x43: {  	_ =	shalt  }
0x44: {  	_ =	shalt  }
0x45: {  	_ =	shalt  }
0x46: {  	_ =	shalt  }
0x47: {  	_ =	shalt  }
0x48: {  	_ =	shalt  }
0x49: {  	_ =	shalt  }
0x4a: {  	_ =	shalt  }
0x4b: {  	_ =	shalt  }
0x4c: {  	_ =	shalt  }
0x4d: {  	_ =	shalt  }
0x4e: {  	_ =	shalt  }
0x4f: {  	_ =	shalt  }
0x50: {  	_ =	shalt  }
0x51: {  	_ =	shalt  }
0x52: {  	_ =	shalt  }
0x53: {  	_ =	shalt  }
0x54: {  	_ =	shalt  }
0x55: {  	_ =	shalt  }
0x56: {  	_ =	shalt  }
0x57: {  	_ =	shalt  }
0x58: {  	_ =	shalt  }
0x59: {  	_ =	shalt  }
0x5a: {  	_ =	shalt  }
0x5b: {  	_ =	shalt  }
0x5c: {  	_ =	shalt  }
0x5d: {  	_ =	shalt  }
0x5e: {  	_ =	shalt  }
0x5f: {  	_ =	shalt  }
0x60: {  	_ =	shalt  }
0x61: {  	_ =	shalt  }
0x62: {  	_ =	shalt  }
0x63: {  	_ =	shalt  }
0x64: {  	_ =	shalt  }
0x65: {  	_ =	shalt  }
0x66: {  	_ =	shalt  }
0x67: {  	_ =	shalt  }
0x68: {  	_ =	shalt  }
0x69: {  	_ =	shalt  }
0x6a: {  	_ =	shalt  }
0x6b: {  	_ =	shalt  }
0x6c: {  	_ =	shalt  }
0x6d: {  	_ =	shalt  }
0x6e: {  	_ =	shalt  }
0x6f: {  	_ =	shalt  }
0x70: {  	_ =	shalt  }
0x71: {  	_ =	shalt  }
0x72: {  	_ =	shalt  }
0x73: {  	_ =	shalt  }
0x74: {  	_ =	shalt  }
0x75: {  	_ =	shalt  }
0x76: {  	_ =	shalt  }
0x77: {  	_ =	shalt  }
0x78: {  	_ =	shalt  }
0x79: {  	_ =	shalt  }
0x7a: {  	_ =	shalt  }
0x7b: {  	_ =	shalt  }
0x7c: {  	_ =	shalt  }
0x7d: {  	_ =	shalt  }
0x7e: {  	_ =	shalt  }
0x7f: {  	_ =	shalt  }
0x80: {  	_ =	shalt  }
0x81: {  	_ =	shalt  }
0x82: {  	_ =	shalt  }
0x83: {  	_ =	shalt  }
0x84: {  	_ =	shalt  }
0x85: {  	_ =	shalt  }
0x86: {  	_ =	shalt  }
0x87: {  	_ =	shalt  }
.Lfunc_end0:
.L_simem_size_0:
called_computation_lowered:
.L_overlay_start_0:
0x88: {  	s2 =	sld [smem:$0x3FD9]  }
0x89: {  	s3 =	sld [smem:$0x3FFE];
	_ =	sdelay $0x1  }
0x8a: {  	s1 =	srdreg.scid  }
0x8b: {  	s0 =	sand.u32 $0x1, s1  }
0x8c: {  	s17 =	sshll.u32 s0, $0xA;
	s2 =	sadd.s32 s3, s2  }
0x8d: {  	s2 =	sadd.s32 s2, s17  }
0x8e: {  	[smem:$0x3FC2] =	sst s2  }
0x8f: {  	_ = 	snop  }
0x90: {  	s2 =	sld [smem:$0x3FC9]  }
0x91: {  	s18 =	sld [smem:$0x3FC8]  }
0x92: {  	s4 =	sld [smem:$0x3FC7]  }
0x93: {  	s5 =	sld [smem:$0x3FC6]  }
0x94: {  	s6 =	sld [smem:$0x3FC5]  }
0x95: {  	s7 =	sld [smem:$0x3FD0];
	(tm) =	ssettm $0x1  }
0x96: {  	s8 =	sld [smem:$0x3FFB];
	_ =	sdelay $0x3  }
0x97: {  	_ =	strace s8  }
0x98: {  	s8 =	sld [smem:$0x3FFC];
	_ =	sdelay $0x3  }
0x99: {  	_ =	strace s8  }
0x9a: {  	s8 =	sld [smem:$0x3FFD];
	_ =	sdelay $0x3  }
0x9b: {  	_ =	strace s8  }
0x9c: {  	_ =	strace $0x8FFFFFFF  }
0x9d: {  	s19 =	sld [smem:$0x3FDB];
	_ =	sdelay $0x1  }
0x9e: {  	s9 =	simm.s32 $_scs_section_size  }
0x9f: {  	s10 =	simm.s32 $_size__tile_overlayer_lowered;
	s11 =	simm.s32 $_tile_overlayer_lowered  }
0xa0: {  	s22 =	simm.s32 $0x1BFF;
	s21 =	sshll.u32 s11, $0x1;
	s8 =	sadd.s32 s9, s19  }
0xa1: {  	s12 =	simm.s32 $0x0;
	s20 =	sshll.u32 s10, $0x1;
	s10 =	sadd.s32 s21, s8  }
0xa2: {  	[timem:s12], [sflag:s22] =	dma.local [hbm:s10], s20  }
0xa3: {  	_ =	swait.ge [sflag:s22], s20  }
0xa4: {  	s9 =	ssub.s32 $0x0, s20;
	[sflag:s22] =	ssyncset.done $0x0  }
0xa5: {  	[sflag:s22] =	ssyncadd.s32 s9;
	_ =	sdelay $0x1  }
0xa6: {  	s23 =	simm.s32 $0x1B8B  }
0xa7: {  	_ =	swait.ge [sflag:s23], $0x1  }
0xa8: {  	[sflag:s23] =	ssyncset.done $0x0  }
0xa9: {  	s25 =	simm.s32 $0x1B8E;
	s24 =	sld [smem:$0x3FFE];
	[sflag:s23] =	ssyncadd.s32 $0xFFFFFFFF  }
0xaa: {  	s26 =	simm.s32 $execute0_lowered;
	[smem:$0x3FD2] =	sst s25  }
0xab: {  	s10 =	sshll.u32 s26, $0x1;
	_ =	strace $0x80000046;
	[dreg:$0x1] =	wrdreg $0xFFFFFFFF  }
0xac: {  	s28 =	simm.s32 $_size_execute0_lowered;
	s8 =	sadd.s32 s8, s10;
	[dreg:$0x0] =	wrdreg $0x0  }
0xad: {  	s10 =	sshll.u32 s28, $0x1;
	[dreg:$0x2] =	wrdreg s8  }
0xae: {  	[dreg:$0x3] =	wrdreg s10  }
0xaf: {  	[dreg:$0x4] =	wrdreg $0xC0  }
0xb0: {  	_ =	task [dreg:s12], $0x5FFFF  }
0xb1: {  	[dreg:$0x1] =	wrdreg $0xFFFFFFFF  }
0xb2: {  	[dreg:$0x0] =	wrdreg $0x60  }
0xb3: {  	[dreg:$0x2] =	wrdreg s4  }
0xb4: {  	[dreg:$0x3] =	wrdreg s5  }
0xb5: {  	[dreg:$0x4] =	wrdreg s7  }
0xb6: {  	[dreg:$0x5] =	wrdreg s24  }
0xb7: {  	[dreg:$0x6] =	wrdreg s2  }
0xb8: {  	[dreg:$0x7] =	wrdreg s18  }
0xb9: {  	[dreg:$0x8] =	wrdreg s6  }
0xba: {  	[dreg:$0x9] =	wrdreg $0x1ED800  }
0xbb: {  	[dreg:$0xa] =	wrdreg $0x9  }
0xbc: {  	_ =	task.clear_ibuf [dreg:s12], $0xBFFFF;
	_ =	strace $0x90000046  }
0xbd: {  	s29 =	simm.s32 $0x9;
	_ =	strace $0x80000048  }
0xbe: {  	_ =	swait.ge [sflag:s29], $0x1  }
0xbf: {  	[sflag:s29] =	ssyncadd.s32 $0xFFFFFFFF  }
0xc0: {  	_ =	strace $0x90000048  }
0xc1: {  	_ =	sfence  }
0xc2: {  	s30 =	sld [smem:$0x0];
	_ =	sdelay $0x2  }
0xc3: {  	s31 =	sshll.u32 s1, $0xD;
	s1 =	sshrl.u32 s1, $0x2  }
0xc4: {  	s3 =	sand.u32 $0x4000, s31;
	s1 =	sadd.s32 s1, s30  }
0xc5: {  	s0 =	sor.u32 s3, s0;
	s1 =	sshll.u32 s1, $0x11  }
0xc6: {  	s0 =	sor.u32 s1, s0  }
0xc7: {  	s0 =	sadd.s32 $0x8F2B, s0  }
0xc8: {  	[sflag:s0] =	ssyncadd.remote.s32 $0x1  }
0xc9: {  	_ =	sfence.sel $0xFFFF  }
0xca: {  	[dreg:$0x0] =	wrdreg $0xFFFFFFFF;
	(pc) =	sbr.abs _section_cstart, $3  }
0xcb: {  	[dreg:$0x1] =	wrdreg $0xFFFFFFFF  }
0xcc: {  	_ =	task.clear_ibuf [dreg:s12], $0x2FFFF;
	_ =	strace $0x9FFFFFFF  }
0xcd: {  	(tm) =	ssettm $0x7FFFFFFF  }
tec
execute0_lowered:
.L_overlay_start_1:
0x0: {  	(tag) =	ssettag $0x1  }
0x1: {  	s0 =	rddreg [dreg:$0x0]  }
0x2: {  	s1 =	rddreg [dreg:$0x1]  }
0x3: {  	s2 =	rddreg [dreg:$0x2]  }
0x4: {  	s3 =	rddreg [dreg:$0x3]  }
0x5: {  	s19 =	rddreg [dreg:$0x4]  }
0x6: {  	s20 =	rddreg [dreg:$0x5]  }
0x7: {  	s4 =	rddreg [dreg:$0x7];
	s5 =	simm.s32 $0x0;
	s6 =	srdreg.scid  }
0x8: {  	s12 =	stileid.u32;
	s28 =	simm.s32 $0x400;
	s29 =	simm.s32 $0x18680  }
0x9: {  	s30 =	simm.s32 $0x1C700;
	s31 =	simm.s32 $0x1;
	[smem:$0x7FF] =	sst s5  }
0xa: {  	s7 =	sadd.s32 $0x400, s3;
	s6 =	sand.u32 $0x1, s6;
	s10 =	sshll.u32 s12, $0x1  }
0xb: {  	s21 =	sshrl.u32 s12, $0x2;
	s22 =	sshll.u32 s12, $0xA;
	s26 =	sadd.s32 $0x200, s19  }
0xc: {  	p0 =	sne.s32 s12, $0x0;
	_ =	strace $0x80000047;
	s8 =	sshll.u32 s6, $0xB  }
0xd: {  	s9 =	ssub.s32 $0x2, s6;
	s6 =	sor.u32 s6, s10;
	s11 =	smul.u32 $0xC3800, s21  }
0xe: {  	s10 =	sadd.s32 s22, s4;
	[dreg:$0xc] =	wrdreg s26;
	s3 =	sadd.s32 s8, s3  }
0xf: {  	s18 =	sshrl.u32 s9, $0x1;
	s13 =	sshll.u32 s6, $0x7;
	[dreg:$0x9] =	wrdreg s10  }
0x10: {  	s15 =	sor.u32 $0x20, s6;
	s10 =	sadd.s32 $0x400, s19;
	v0 =	vmov s6;
	s6 =	simm.s32 $0x4  }
0x11: {  	s8 =	ssub.s32 s9, s18;
	s13 =	sand.u32 $0x380, s13;
	s9 =	sshll.u32 s21, $0xA  }
0x12: {  	s17 =	sshrl.u32 s15, $0x3;
	[dreg:$0xd] =	wrdreg s10;
	s23 =	sor.u32 s11, s13  }
0x13: {  	s9 =	sor.u32 s9, s13;
	s18 =	smul.u32 $0xC3800, s17;
	s11 =	sadd.s32 $0x600, s19  }
0x14: {  	s17 =	sshll.u32 s17, $0xA;
	s26 =	smax.u32 s8, $0x1;
	[dreg:$0x16] =	wrdreg s11  }
0x15: {  	s14 =	sshrl.u32 s23, $0x3;
	s16 =	sshrl.u32 s9, $0x3;
	[dreg:$0x15] =	wrdreg s26  }
0x16: {  	s26 =	simm.s32 $0x80;
	s11 =	simm.s32 $0x1E700;
	s24 =	sadd.s32 s0, s14  }
0x17: {  	s25 =	sadd.s32 s2, s16;
	s14 =	sadd.s32 s1, s14;
	[dreg:$0xa] =	wrdreg s24  }
0x18: {  	s19 =	sor.u32 s13, s18;
	s21 =	sadd.s32 s7, s16;
	[dreg:$0xb] =	wrdreg s25  }
0x19: {  	s13 =	sor.u32 s13, s17;
	s17 =	sadd.s32 $0x400, s20;
	[dreg:$0xe] =	wrdreg s14  }
0x1a: {  	[dreg:$0xf] =	wrdreg s21;
	s22 =	sshrl.u32 s19, $0x3;
	s14 =	sadd.s32 $0x200, s20  }
0x1b: {  	s23 =	sshrl.u32 s13, $0x3;
	s20 =	sadd.s32 $0x600, s20;
	s25 =	sadd.s32 $0x800, s3  }
0x1c: {  	s3 =	simm.s32 $0x1D700;
	s0 =	sadd.s32 s0, s22;
	[dreg:$0x14] =	wrdreg s25  }
0x1d: {  	v1 =	vlaneseq.u32;
	s13 =	simm.s32 $0x0;
	s1 =	sadd.s32 s1, s22;
	[dreg:$0x10] =	wrdreg s0  }
0x1e: {  	v3 =	vimm.f32 $0.0e+00;
	v4 =	vor.u32 $0x10, v1;
	v5 =	vor.u32 $0x20, v1;
	s24 =	sadd.s32 s2, s23;
	s25 =	simm.s32 $0x3;
	[dreg:$0x11] =	wrdreg s1  }
0x1f: {  	v6 =	vor.u32 $0x30, v1;
	v7 =	vor.u32 $0x40, v1;
	v8 =	vor.u32 $0x50, v1;
	[dreg:$0x12] =	wrdreg s24;
	s0 =	sadd.s32 s7, s23;
	s24 =	simm.s32 $0x5  }
0x20: {  	v9 =	vor.u32 $0x60, v1;
	v10 =	vor.u32 $0x70, v1;
	v2 =	vmov s15;
	s7 =	simm.s32 $0x20;
	[dreg:$0x13] =	wrdreg s0;
	s0 =	simm.s32 $0x2  }
.LBB2_1:
0x21: {  	s1 =	rddreg [dreg:$0x6];
	s2 =	simm.s32 $0x1E700  }
0x22: {  	[tilespmem:s2], [sflag:$0x5] =	stream.linear.gather [hbm4b:s1+s5], $0x80, $0x38;
	[tilespmem:$0x1F180] =	vst v63  }
0x23: {  	_ =	swait.ge [sflag:s24], $0x80  }
0x24: {  	[sflag:s24] =	ssyncset.done $0x0  }
0x25: {  	[sflag:s24] =	ssyncadd.s32 $0xFFFFFF80  }
0x26: {  	[tilespmem:$0x1E780] =	vst v3  }
0x27: {  	[tilespmem:$0x1E790] =	vst v3  }
0x28: {  	[tilespmem:$0x1E7A0] =	vst v3  }
0x29: {  	[tilespmem:$0x1E7B0] =	vst v3  }
0x2a: {  	[tilespmem:$0x1E7C0] =	vst v3  }
0x2b: {  	[tilespmem:$0x1E7D0] =	vst v3  }
0x2c: {  	[tilespmem:$0x1E7E0] =	vst v3  }
0x2d: {  	[tilespmem:$0x1E7F0] =	vst v3  }
0x2e: {  	[tilespmem:$0x1E800] =	vst v3  }
0x2f: {  	[tilespmem:$0x1E810] =	vst v3  }
0x30: {  	[tilespmem:$0x1E820] =	vst v3  }
0x31: {  	[tilespmem:$0x1E830] =	vst v3  }
0x32: {  	[tilespmem:$0x1E840] =	vst v3  }
0x33: {  	[tilespmem:$0x1E850] =	vst v3  }
0x34: {  	[tilespmem:$0x1E860] =	vst v3  }
0x35: {  	[tilespmem:$0x1E870] =	vst v3  }
0x36: {  	[tilespmem:$0x1E880] =	vst v3  }
0x37: {  	[tilespmem:$0x1E890] =	vst v3  }
0x38: {  	[tilespmem:$0x1E8A0] =	vst v3  }
0x39: {  	[tilespmem:$0x1E8B0] =	vst v3  }
0x3a: {  	[tilespmem:$0x1E8C0] =	vst v3  }
0x3b: {  	[tilespmem:$0x1E8D0] =	vst v3  }
0x3c: {  	[tilespmem:$0x1E8E0] =	vst v3  }
0x3d: {  	[tilespmem:$0x1E8F0] =	vst v3  }
0x3e: {  	[tilespmem:$0x1E900] =	vst v3  }
0x3f: {  	[tilespmem:$0x1E910] =	vst v3  }
0x40: {  	[tilespmem:$0x1E920] =	vst v3  }
0x41: {  	[tilespmem:$0x1E930] =	vst v3  }
0x42: {  	[tilespmem:$0x1E940] =	vst v3  }
0x43: {  	[tilespmem:$0x1E950] =	vst v3  }
0x44: {  	[tilespmem:$0x1E960] =	vst v3  }
0x45: {  	[tilespmem:$0x1E970] =	vst v3  }
0x46: {  	[tilespmem:$0x1E980] =	vst v3  }
0x47: {  	[tilespmem:$0x1E990] =	vst v3  }
0x48: {  	[tilespmem:$0x1E9A0] =	vst v3  }
0x49: {  	[tilespmem:$0x1E9B0] =	vst v3  }
0x4a: {  	[tilespmem:$0x1E9C0] =	vst v3  }
0x4b: {  	[tilespmem:$0x1E9D0] =	vst v3  }
0x4c: {  	[tilespmem:$0x1E9E0] =	vst v3  }
0x4d: {  	[tilespmem:$0x1E9F0] =	vst v3  }
0x4e: {  	[tilespmem:$0x1EA00] =	vst v3  }
0x4f: {  	[tilespmem:$0x1EA10] =	vst v3  }
0x50: {  	[tilespmem:$0x1EA20] =	vst v3  }
0x51: {  	[tilespmem:$0x1EA30] =	vst v3  }
0x52: {  	[tilespmem:$0x1EA40] =	vst v3  }
0x53: {  	[tilespmem:$0x1EA50] =	vst v3  }
0x54: {  	[tilespmem:$0x1EA60] =	vst v3  }
0x55: {  	[tilespmem:$0x1EA70] =	vst v3  }
0x56: {  	[tilespmem:$0x1EA80] =	vst v3  }
0x57: {  	[tilespmem:$0x1EA90] =	vst v3  }
0x58: {  	[tilespmem:$0x1EAA0] =	vst v3  }
0x59: {  	[tilespmem:$0x1EAB0] =	vst v3  }
0x5a: {  	[tilespmem:$0x1EAC0] =	vst v3  }
0x5b: {  	[tilespmem:$0x1EAD0] =	vst v3  }
0x5c: {  	[tilespmem:$0x1EAE0] =	vst v3  }
0x5d: {  	[tilespmem:$0x1EAF0] =	vst v3  }
0x5e: {  	[tilespmem:$0x1EB00] =	vst v3  }
0x5f: {  	[tilespmem:$0x1EB10] =	vst v3  }
0x60: {  	[tilespmem:$0x1EB20] =	vst v3  }
0x61: {  	[tilespmem:$0x1EB30] =	vst v3  }
0x62: {  	[tilespmem:$0x1EB40] =	vst v3  }
0x63: {  	[tilespmem:$0x1EB50] =	vst v3  }
0x64: {  	[tilespmem:$0x1EB60] =	vst v3  }
0x65: {  	[tilespmem:$0x1EB70] =	vst v3  }
0x66: {  	[tilespmem:$0x1EB80] =	vst v1  }
0x67: {  	[tilespmem:$0x1EB90] =	vst v4  }
0x68: {  	[tilespmem:$0x1EC00] =	vst v5  }
0x69: {  	[tilespmem:$0x1EC10] =	vst v6  }
0x6a: {  	[tilespmem:$0x1EC80] =	vst v7  }
0x6b: {  	[tilespmem:$0x1EC90] =	vst v8  }
0x6c: {  	[tilespmem:$0x1ED00] =	vst v9  }
0x6d: {  	s8 =	simm.s32 $0x1E780;
	s10 =	rddreg [dreg:$0x9];
	[tilespmem:$0x1ED10] =	vst v10  }
0x6e: {  	[spmem:s10] =	stream.linear.scatter [tilespmem:s8], [sflag:$0x5], $0x400, $0x38;
	[tilespmem:$0x1F180] =	vst v63  }
0x6f: {  	_ =	swait.ge [sflag:s24], $0x400  }
0x70: {  	[sflag:s24] =	ssyncset.done $0x0  }
0x71: {  	[sflag:s24] =	ssyncadd.s32 $0xFFFFFC00  }
0x72: {  	[bflag:$0x0] =	sbarrier.arrive $0xFFFF  }
0x73: {  	s12 =	rddreg [dreg:$0xa]  }
0x74: {  	[tilespmem:s5], [sflag:$0x1] =	stream.strided.gather [hbm4b:s12+s26], $0x18680, s28, s26, $0x38;
	[tilespmem:$0x1F180] =	vst v63  }
0x75: {  	s15 =	rddreg [dreg:$0xb]  }
0x76: {  	[tilespmem:s29], [sflag:$0x2] =	stream.linear.gather [hbm4b:s15+s5], $0x80, $0x38;
	[tilespmem:$0x1F180] =	vst v63  }
0x77: {  	s16 =	rddreg [dreg:$0x4]  }
0x78: {  	[tilespmem:s30], [sflag:$0x3] =	stream.linear.gather [hbm4b:s16+s5], $0x1000, $0x38;
	[tilespmem:$0x1F180] =	vst v63  }
0x79: {  	_ =	swait.ge [sflag:s31], $0x18680  }
0x7a: {  	[sflag:s31] =	ssyncset.done $0x0  }
0x7b: {  	[sflag:s31] =	ssyncadd.s32 $0xFFFE7980  }
0x7c: {  	_ =	swait.ge [sflag:s0], $0x80  }
0x7d: {  	[sflag:s0] =	ssyncset.done $0x0  }
0x7e: {  	s18 =	rddreg [dreg:$0xc];
	[sflag:s0] =	ssyncadd.s32 $0xFFFFFF80  }
0x7f: {  	v11 =	vld.idx.msk [tilespmem:v0+s2+$0x0], $0xffff;
	[tilespmem:s3], [sflag:$0x4] =	stream.linear.gather [hbm4b:s18+s5], $0x1000, $0x38  }
0x80: {  	_ =	swait.ge [sflag:s25], $0x1000  }
0x81: {  	[sflag:s25] =	ssyncset.done $0x0  }
0x82: {  	s19 =	simm.s32 $0x1C720;
	[sflag:s25] =	ssyncadd.s32 $0xFFFFF000  }
0x83: {  	v12 =	vld [tilespmem:s19+$0x10];
	_ =	sdelay $0x3  }
0x84: {  	v14 =	vld [tilespmem:s19+$0xFFFFFFE0]  }
0x85: {  	v15 =	vld [tilespmem:s19+$0xFFFFFFF0]  }
0x86: {  	s21 =	simm.s32 $0x1C760;
	v17 =	vld [tilespmem:s19+$0x0]  }
0x87: {  	v19 =	vld [tilespmem:s21+$0x10]  }
0x88: {  	v20 =	vld.idx.msk [tilespmem:v12+s5+$0x0], $0xffff  }
0x89: {  	s22 =	simm.s32 $0x0;
	v13 =	vld [tilespmem:s21+$0xFFFFFFF0]  }
0x8a: {  	s1 =	sand.u32 $0xF80, s22;
	v18 =	vld [tilespmem:s21+$0xFFFFFFE0]  }
0x8b: {  	s23 =	simm.s32 $0x10;
	s1 =	sadd.s32 $0x18700, s1;
	v12 =	vld [tilespmem:s21+$0x0]  }
0x8c: {  	s8 =	simm.s32 $0x30;
	s12 =	simm.s32 $0x20;
	s15 =	simm.s32 $0x4;
	v14 =	vld.idx.msk [tilespmem:v14+s5+$0x0], $0xffff  }
0x8d: {  	s16 =	sand.u32 $0x40, s22;
	s2 =	sand.u32 $0x50, s23;
	s18 =	sand.u32 $0x70, s8;
	v16 =	vld.idx.msk [tilespmem:v15+s5+$0x0], $0xffff;
	v15 =	vmul.f32 v20, v11  }
0x8e: {  	s18 =	sor.u32 s18, s1;
	s19 =	sor.u32 s16, s1;
	s21 =	sand.u32 $0x60, s12;
	v17 =	vld.idx.msk [tilespmem:v17+s5+$0x0], $0xffff  }
0x8f: {  	s12 =	sor.u32 s2, s1;
	s16 =	sor.u32 s21, s1;
	[tilespmem:s18+$0x0] =	vst v15;
	v15 =	vld.idx.msk [tilespmem:v19+s5+$0x0], $0xffff;
	s18 =	simm.s32 $0x1C7A0  }
.LBB2_2:
0x90: {  	v19 =	vld [tilespmem:s18+$0x10];
	s15 =	sadd.s32 $0x4, s15  }
0x91: {  	v14 =	vmul.f32 v14, v11;
	s8 =	sadd.s32 $0x40, s8;
	v20 =	vld [tilespmem:s18+$0xFFFFFFF0];
	p1 =	slt.u32 s15, $0xFC  }
0x92: {  	v16 =	vmul.f32 v16, v11;
	s2 =	sadd.s32 $0xFFFFFFE0, s8;
	v21 =	vld [tilespmem:s18+$0x0]  }
0x93: {  	s1 =	sadd.s32 $0xFFFFFFD0, s8;
	s21 =	sadd.s32 $0xFFFFFFF0, s8;
	v17 =	vmul.f32 v17, v11;
	s2 =	sand.u32 $0x50, s2;
	v22 =	vld [tilespmem:s18+$0xFFFFFFE0];
	[tilespmem:s19+$0x0] =	vst v14  }
.Ltmp0:
0x94: {  	s19 =	sand.u32 $0x40, s1;
	s1 =	sand.u32 $0xF80, s1;
	v14 =	vld.idx.msk [tilespmem:v18+s5+$0x0], $0xffff;
	[tilespmem:s12+$0x0] =	vst v16;
	(pc) =	sbr.rel @p1 .LBB2_2-.Ltmp0, $4  }
0x95: {  	s22 =	sand.u32 $0x70, s8;
	s21 =	sand.u32 $0x60, s21;
	s1 =	sadd.s32 $0x18700, s1;
	v15 =	vmul.f32 v15, v11;
	v16 =	vld.idx.msk [tilespmem:v13+s5+$0x0], $0xffff;
	[tilespmem:s16+$0x0] =	vst v17  }
0x96: {  	s19 =	sor.u32 s19, s1;
	s12 =	sor.u32 s2, s1;
	s2 =	sor.u32 s22, s1;
	v17 =	vld.idx.msk [tilespmem:v12+s5+$0x0], $0xffff;
	v13 =	vmov v20  }
0x97: {  	s16 =	sor.u32 s21, s1;
	[tilespmem:s2+$0x0] =	vst v15;
	v12 =	vmov v21  }
0x98: {  	s18 =	sadd.s32 $0x40, s18;
	v15 =	vld.idx.msk [tilespmem:v19+s5+$0x0], $0xffff;
	v18 =	vmov v22  }
0x99: {  	_ =	sdelay $0x3  }
0x9a: {  	v18 =	vld.idx.msk [tilespmem:v18+s5+$0x0], $0xffff  }
0x9b: {  	v14 =	vmul.f32 v14, v11;
	s1 =	sadd.s32 $0x40, s8;
	v13 =	vld.idx.msk [tilespmem:v13+s5+$0x0], $0xffff  }
0x9c: {  	v12 =	vld.idx.msk [tilespmem:v12+s5+$0x0], $0xffff;
	v16 =	vmul.f32 v16, v11;
	s2 =	sadd.s32 $0xFFFFFFD0, s1  }
0x9d: {  	[tilespmem:s19+$0x0] =	vst v14;
	v14 =	vmul.f32 v17, v11;
	s9 =	sand.u32 $0xF80, s2  }
0x9e: {  	s10 =	sand.u32 $0x70, s1;
	[tilespmem:s12+$0x0] =	vst v16;
	s8 =	sadd.s32 $0x18700, s9;
	v15 =	vmul.f32 v15, v11  }
0x9f: {  	s15 =	sadd.s32 $0xFFFFFFE0, s1;
	s2 =	sand.u32 $0x40, s2;
	[tilespmem:s16+$0x0] =	vst v14;
	s12 =	sor.u32 s10, s8;
	v14 =	vmul.f32 v18, v11  }
0xa0: {  	s1 =	sadd.s32 $0xFFFFFFF0, s1;
	s15 =	sand.u32 $0x50, s15;
	s2 =	sor.u32 s2, s8;
	v13 =	vmul.f32 v13, v11;
	[tilespmem:s12+$0x0] =	vst v15  }
0xa1: {  	s1 =	sand.u32 $0x60, s1;
	s15 =	sor.u32 s15, s8;
	v12 =	vmul.f32 v12, v11;
	[tilespmem:s2+$0x0] =	vst v14  }
0xa2: {  	s1 =	sor.u32 s1, s8;
	[tilespmem:s15+$0x0] =	vst v13  }
0xa3: {  	[tilespmem:s1+$0x0] =	vst v12  }
0xa4: {  	s1 =	rddreg [dreg:$0xd]  }
0xa5: {  	[tilespmem:s30], [sflag:$0x3] =	stream.linear.gather [hbm4b:s1+s5], $0x1000, $0x38;
	[tilespmem:$0x1F180] =	vst v63  }
0xa6: {  	_ =	swait.ge [sflag:s6], $0x1000  }
0xa7: {  	[sflag:s6] =	ssyncset.done $0x0  }
0xa8: {  	s16 =	simm.s32 $0x1D720;
	[sflag:s6] =	ssyncadd.s32 $0xFFFFF000  }
0xa9: {  	v12 =	vld [tilespmem:s16+$0x10];
	_ =	sdelay $0x3  }
0xaa: {  	v14 =	vld [tilespmem:s16+$0xFFFFFFE0]  }
0xab: {  	v15 =	vld [tilespmem:s16+$0xFFFFFFF0]  }
0xac: {  	s18 =	simm.s32 $0x1D760;
	v17 =	vld [tilespmem:s16+$0x0]  }
0xad: {  	v19 =	vld [tilespmem:s18+$0x10]  }
0xae: {  	v20 =	vld.idx.msk [tilespmem:v12+s5+$0x0], $0xffff  }
0xaf: {  	v13 =	vld [tilespmem:s18+$0xFFFFFFF0]  }
0xb0: {  	s19 =	simm.s32 $0x0;
	v18 =	vld [tilespmem:s18+$0xFFFFFFE0]  }
0xb1: {  	s21 =	simm.s32 $0x10;
	s22 =	simm.s32 $0x20;
	s23 =	sand.u32 $0x40, s19;
	v12 =	vld [tilespmem:s18+$0x0]  }
0xb2: {  	s8 =	simm.s32 $0x30;
	s15 =	simm.s32 $0x4;
	s1 =	sand.u32 $0xF80, s19;
	v14 =	vld.idx.msk [tilespmem:v14+s5+$0x0], $0xffff  }
0xb3: {  	s2 =	sand.u32 $0x50, s21;
	s1 =	sadd.s32 $0x19700, s1;
	v16 =	vld.idx.msk [tilespmem:v15+s5+$0x0], $0xffff;
	s18 =	sand.u32 $0x70, s8;
	v15 =	vmul.f32 v20, v11  }
0xb4: {  	s21 =	sand.u32 $0x60, s22;
	s19 =	sor.u32 s23, s1;
	v17 =	vld.idx.msk [tilespmem:v17+s5+$0x0], $0xffff;
	s18 =	sor.u32 s18, s1  }
0xb5: {  	s12 =	sor.u32 s2, s1;
	s16 =	sor.u32 s21, s1;
	[tilespmem:s18+$0x0] =	vst v15;
	v15 =	vld.idx.msk [tilespmem:v19+s5+$0x0], $0xffff;
	s18 =	simm.s32 $0x1D7A0  }
.LBB2_4:
0xb6: {  	v19 =	vld [tilespmem:s18+$0x10];
	s15 =	sadd.s32 $0x4, s15  }
0xb7: {  	v14 =	vmul.f32 v14, v11;
	s8 =	sadd.s32 $0x40, s8;
	v20 =	vld [tilespmem:s18+$0xFFFFFFF0];
	p1 =	slt.u32 s15, $0xFC  }
0xb8: {  	v16 =	vmul.f32 v16, v11;
	s2 =	sadd.s32 $0xFFFFFFE0, s8;
	v21 =	vld [tilespmem:s18+$0x0]  }
0xb9: {  	s1 =	sadd.s32 $0xFFFFFFD0, s8;
	s21 =	sadd.s32 $0xFFFFFFF0, s8;
	v17 =	vmul.f32 v17, v11;
	s2 =	sand.u32 $0x50, s2;
	v22 =	vld [tilespmem:s18+$0xFFFFFFE0];
	[tilespmem:s19+$0x0] =	vst v14  }
.Ltmp1:
0xba: {  	s19 =	sand.u32 $0x40, s1;
	s1 =	sand.u32 $0xF80, s1;
	v14 =	vld.idx.msk [tilespmem:v18+s5+$0x0], $0xffff;
	[tilespmem:s12+$0x0] =	vst v16;
	(pc) =	sbr.rel @p1 .LBB2_4-.Ltmp1, $4  }
0xbb: {  	s22 =	sand.u32 $0x70, s8;
	s21 =	sand.u32 $0x60, s21;
	s1 =	sadd.s32 $0x19700, s1;
	v15 =	vmul.f32 v15, v11;
	v16 =	vld.idx.msk [tilespmem:v13+s5+$0x0], $0xffff;
	[tilespmem:s16+$0x0] =	vst v17  }
0xbc: {  	s19 =	sor.u32 s19, s1;
	s12 =	sor.u32 s2, s1;
	s2 =	sor.u32 s22, s1;
	v17 =	vld.idx.msk [tilespmem:v12+s5+$0x0], $0xffff;
	v13 =	vmov v20  }
0xbd: {  	s16 =	sor.u32 s21, s1;
	[tilespmem:s2+$0x0] =	vst v15;
	v12 =	vmov v21  }
0xbe: {  	s18 =	sadd.s32 $0x40, s18;
	v15 =	vld.idx.msk [tilespmem:v19+s5+$0x0], $0xffff;
	v18 =	vmov v22  }
0xbf: {  	_ =	sdelay $0x3  }
0xc0: {  	v18 =	vld.idx.msk [tilespmem:v18+s5+$0x0], $0xffff  }
0xc1: {  	v14 =	vmul.f32 v14, v11;
	s1 =	sadd.s32 $0x40, s8;
	v13 =	vld.idx.msk [tilespmem:v13+s5+$0x0], $0xffff  }
0xc2: {  	v12 =	vld.idx.msk [tilespmem:v12+s5+$0x0], $0xffff;
	v16 =	vmul.f32 v16, v11;
	s2 =	sadd.s32 $0xFFFFFFD0, s1  }
0xc3: {  	[tilespmem:s19+$0x0] =	vst v14;
	v14 =	vmul.f32 v17, v11;
	s9 =	sand.u32 $0xF80, s2  }
0xc4: {  	s10 =	sand.u32 $0x70, s1;
	[tilespmem:s12+$0x0] =	vst v16;
	s8 =	sadd.s32 $0x19700, s9;
	v15 =	vmul.f32 v15, v11  }
0xc5: {  	s15 =	sadd.s32 $0xFFFFFFE0, s1;
	s2 =	sand.u32 $0x40, s2;
	[tilespmem:s16+$0x0] =	vst v14;
	s12 =	sor.u32 s10, s8;
	v14 =	vmul.f32 v18, v11  }
0xc6: {  	s1 =	sadd.s32 $0xFFFFFFF0, s1;
	s15 =	sand.u32 $0x50, s15;
	s2 =	sor.u32 s2, s8;
	v13 =	vmul.f32 v13, v11;
	[tilespmem:s12+$0x0] =	vst v15  }
0xc7: {  	s1 =	sand.u32 $0x60, s1;
	s15 =	sor.u32 s15, s8;
	v12 =	vmul.f32 v12, v11;
	[tilespmem:s2+$0x0] =	vst v14  }
0xc8: {  	s1 =	sor.u32 s1, s8;
	[tilespmem:s15+$0x0] =	vst v13  }
0xc9: {  	[tilespmem:s1+$0x0] =	vst v12  }
0xca: {  	s1 =	rddreg [dreg:$0x16]  }
0xcb: {  	[tilespmem:s3], [sflag:$0x4] =	stream.linear.gather [hbm4b:s1+s5], $0x1000, $0x38;
	[tilespmem:$0x1F180] =	vst v63  }
0xcc: {  	_ =	swait.ge [sflag:s25], $0x1000  }
0xcd: {  	[sflag:s25] =	ssyncset.done $0x0  }
0xce: {  	s16 =	simm.s32 $0x1C720;
	[sflag:s25] =	ssyncadd.s32 $0xFFFFF000  }
0xcf: {  	v12 =	vld [tilespmem:s16+$0x10];
	_ =	sdelay $0x3  }
0xd0: {  	v14 =	vld [tilespmem:s16+$0xFFFFFFE0]  }
0xd1: {  	v15 =	vld [tilespmem:s16+$0xFFFFFFF0]  }
0xd2: {  	s18 =	simm.s32 $0x1C760;
	v17 =	vld [tilespmem:s16+$0x0]  }
0xd3: {  	v19 =	vld [tilespmem:s18+$0x10]  }
0xd4: {  	v20 =	vld.idx.msk [tilespmem:v12+s5+$0x0], $0xffff  }
0xd5: {  	v13 =	vld [tilespmem:s18+$0xFFFFFFF0]  }
0xd6: {  	s19 =	simm.s32 $0x0;
	v18 =	vld [tilespmem:s18+$0xFFFFFFE0]  }
0xd7: {  	s21 =	simm.s32 $0x10;
	s22 =	simm.s32 $0x20;
	s23 =	sand.u32 $0x40, s19;
	v12 =	vld [tilespmem:s18+$0x0]  }
0xd8: {  	s8 =	simm.s32 $0x30;
	s15 =	simm.s32 $0x4;
	s1 =	sand.u32 $0xF80, s19;
	v14 =	vld.idx.msk [tilespmem:v14+s5+$0x0], $0xffff  }
0xd9: {  	s2 =	sand.u32 $0x50, s21;
	s1 =	sadd.s32 $0x1A700, s1;
	v16 =	vld.idx.msk [tilespmem:v15+s5+$0x0], $0xffff;
	s18 =	sand.u32 $0x70, s8;
	v15 =	vmul.f32 v20, v11  }
0xda: {  	s21 =	sand.u32 $0x60, s22;
	s19 =	sor.u32 s23, s1;
	v17 =	vld.idx.msk [tilespmem:v17+s5+$0x0], $0xffff;
	s18 =	sor.u32 s18, s1  }
0xdb: {  	s12 =	sor.u32 s2, s1;
	s16 =	sor.u32 s21, s1;
	[tilespmem:s18+$0x0] =	vst v15;
	v15 =	vld.idx.msk [tilespmem:v19+s5+$0x0], $0xffff;
	s18 =	simm.s32 $0x1C7A0  }
.LBB2_6:
0xdc: {  	v19 =	vld [tilespmem:s18+$0x10];
	s15 =	sadd.s32 $0x4, s15  }
0xdd: {  	v14 =	vmul.f32 v14, v11;
	s8 =	sadd.s32 $0x40, s8;
	v20 =	vld [tilespmem:s18+$0xFFFFFFF0];
	p1 =	slt.u32 s15, $0xFC  }
0xde: {  	v16 =	vmul.f32 v16, v11;
	s2 =	sadd.s32 $0xFFFFFFE0, s8;
	v21 =	vld [tilespmem:s18+$0x0]  }
0xdf: {  	s1 =	sadd.s32 $0xFFFFFFD0, s8;
	s21 =	sadd.s32 $0xFFFFFFF0, s8;
	v17 =	vmul.f32 v17, v11;
	s2 =	sand.u32 $0x50, s2;
	v22 =	vld [tilespmem:s18+$0xFFFFFFE0];
	[tilespmem:s19+$0x0] =	vst v14  }
.Ltmp2:
0xe0: {  	s19 =	sand.u32 $0x40, s1;
	s1 =	sand.u32 $0xF80, s1;
	v14 =	vld.idx.msk [tilespmem:v18+s5+$0x0], $0xffff;
	[tilespmem:s12+$0x0] =	vst v16;
	(pc) =	sbr.rel @p1 .LBB2_6-.Ltmp2, $4  }
0xe1: {  	s22 =	sand.u32 $0x70, s8;
	s21 =	sand.u32 $0x60, s21;
	s1 =	sadd.s32 $0x1A700, s1;
	v15 =	vmul.f32 v15, v11;
	v16 =	vld.idx.msk [tilespmem:v13+s5+$0x0], $0xffff;
	[tilespmem:s16+$0x0] =	vst v17  }
0xe2: {  	s19 =	sor.u32 s19, s1;
	s12 =	sor.u32 s2, s1;
	s2 =	sor.u32 s22, s1;
	v17 =	vld.idx.msk [tilespmem:v12+s5+$0x0], $0xffff;
	v13 =	vmov v20  }
0xe3: {  	s16 =	sor.u32 s21, s1;
	[tilespmem:s2+$0x0] =	vst v15;
	v12 =	vmov v21  }
0xe4: {  	s18 =	sadd.s32 $0x40, s18;
	v15 =	vld.idx.msk [tilespmem:v19+s5+$0x0], $0xffff;
	v18 =	vmov v22  }
0xe5: {  	_ =	sdelay $0x3  }
0xe6: {  	v18 =	vld.idx.msk [tilespmem:v18+s5+$0x0], $0xffff  }
0xe7: {  	v14 =	vmul.f32 v14, v11;
	s1 =	sadd.s32 $0x40, s8;
	v13 =	vld.idx.msk [tilespmem:v13+s5+$0x0], $0xffff  }
0xe8: {  	v12 =	vld.idx.msk [tilespmem:v12+s5+$0x0], $0xffff;
	v16 =	vmul.f32 v16, v11;
	s2 =	sadd.s32 $0xFFFFFFD0, s1  }
0xe9: {  	[tilespmem:s19+$0x0] =	vst v14;
	v14 =	vmul.f32 v17, v11;
	s9 =	sand.u32 $0xF80, s2  }
0xea: {  	s10 =	sand.u32 $0x70, s1;
	[tilespmem:s12+$0x0] =	vst v16;
	s8 =	sadd.s32 $0x1A700, s9;
	v15 =	vmul.f32 v15, v11  }
0xeb: {  	s15 =	sadd.s32 $0xFFFFFFE0, s1;
	s2 =	sand.u32 $0x40, s2;
	[tilespmem:s16+$0x0] =	vst v14;
	s12 =	sor.u32 s10, s8;
	v14 =	vmul.f32 v18, v11  }
0xec: {  	s1 =	sadd.s32 $0xFFFFFFF0, s1;
	s15 =	sand.u32 $0x50, s15;
	s2 =	sor.u32 s2, s8;
	v13 =	vmul.f32 v13, v11;
	[tilespmem:s12+$0x0] =	vst v15  }
0xed: {  	s1 =	sand.u32 $0x60, s1;
	s15 =	sor.u32 s15, s8;
	v12 =	vmul.f32 v12, v11;
	[tilespmem:s2+$0x0] =	vst v14  }
0xee: {  	s1 =	sor.u32 s1, s8;
	[tilespmem:s15+$0x0] =	vst v13  }
0xef: {  	[tilespmem:s1+$0x0] =	vst v12  }
0xf0: {  	_ =	swait.ge [sflag:s6], $0x1000  }
0xf1: {  	[sflag:s6] =	ssyncset.done $0x0  }
0xf2: {  	s16 =	simm.s32 $0x1D720;
	[sflag:s6] =	ssyncadd.s32 $0xFFFFF000  }
0xf3: {  	v12 =	vld [tilespmem:s16+$0x10];
	_ =	sdelay $0x3  }
0xf4: {  	v14 =	vld [tilespmem:s16+$0xFFFFFFE0]  }
0xf5: {  	v15 =	vld [tilespmem:s16+$0xFFFFFFF0]  }
0xf6: {  	s18 =	simm.s32 $0x1D760;
	v17 =	vld [tilespmem:s16+$0x0]  }
0xf7: {  	v19 =	vld [tilespmem:s18+$0x10]  }
0xf8: {  	v20 =	vld.idx.msk [tilespmem:v12+s5+$0x0], $0xffff  }
0xf9: {  	v13 =	vld [tilespmem:s18+$0xFFFFFFF0]  }
0xfa: {  	s19 =	simm.s32 $0x0;
	v18 =	vld [tilespmem:s18+$0xFFFFFFE0]  }
0xfb: {  	s21 =	simm.s32 $0x10;
	s22 =	simm.s32 $0x20;
	s23 =	sand.u32 $0x40, s19;
	v12 =	vld [tilespmem:s18+$0x0]  }
0xfc: {  	s8 =	simm.s32 $0x30;
	s15 =	simm.s32 $0x4;
	s1 =	sand.u32 $0xF80, s19;
	v14 =	vld.idx.msk [tilespmem:v14+s5+$0x0], $0xffff  }
0xfd: {  	s2 =	sand.u32 $0x50, s21;
	s1 =	sadd.s32 $0x1B700, s1;
	v16 =	vld.idx.msk [tilespmem:v15+s5+$0x0], $0xffff;
	s18 =	sand.u32 $0x70, s8;
	v15 =	vmul.f32 v20, v11  }
0xfe: {  	s21 =	sand.u32 $0x60, s22;
	s19 =	sor.u32 s23, s1;
	v17 =	vld.idx.msk [tilespmem:v17+s5+$0x0], $0xffff;
	s18 =	sor.u32 s18, s1  }
0xff: {  	s12 =	sor.u32 s2, s1;
	s16 =	sor.u32 s21, s1;
	[tilespmem:s18+$0x0] =	vst v15;
	v15 =	vld.idx.msk [tilespmem:v19+s5+$0x0], $0xffff;
	s18 =	simm.s32 $0x1D7A0  }
.LBB2_8:
0x100: {  	v19 =	vld [tilespmem:s18+$0x10];
	s15 =	sadd.s32 $0x4, s15  }
0x101: {  	v14 =	vmul.f32 v14, v11;
	s8 =	sadd.s32 $0x40, s8;
	v20 =	vld [tilespmem:s18+$0xFFFFFFF0];
	p1 =	slt.u32 s15, $0xFC  }
0x102: {  	v16 =	vmul.f32 v16, v11;
	s2 =	sadd.s32 $0xFFFFFFE0, s8;
	v21 =	vld [tilespmem:s18+$0x0]  }
0x103: {  	s1 =	sadd.s32 $0xFFFFFFD0, s8;
	s21 =	sadd.s32 $0xFFFFFFF0, s8;
	v17 =	vmul.f32 v17, v11;
	s2 =	sand.u32 $0x50, s2;
	v22 =	vld [tilespmem:s18+$0xFFFFFFE0];
	[tilespmem:s19+$0x0] =	vst v14  }
.Ltmp3:
0x104: {  	s19 =	sand.u32 $0x40, s1;
	s1 =	sand.u32 $0xF80, s1;
	v14 =	vld.idx.msk [tilespmem:v18+s5+$0x0], $0xffff;
	[tilespmem:s12+$0x0] =	vst v16;
	(pc) =	sbr.rel @p1 .LBB2_8-.Ltmp3, $4  }
0x105: {  	s22 =	sand.u32 $0x70, s8;
	s21 =	sand.u32 $0x60, s21;
	s1 =	sadd.s32 $0x1B700, s1;
	v15 =	vmul.f32 v15, v11;
	v16 =	vld.idx.msk [tilespmem:v13+s5+$0x0], $0xffff;
	[tilespmem:s16+$0x0] =	vst v17  }
0x106: {  	s19 =	sor.u32 s19, s1;
	s12 =	sor.u32 s2, s1;
	s2 =	sor.u32 s22, s1;
	v17 =	vld.idx.msk [tilespmem:v12+s5+$0x0], $0xffff;
	v13 =	vmov v20  }
0x107: {  	s16 =	sor.u32 s21, s1;
	[tilespmem:s2+$0x0] =	vst v15;
	v12 =	vmov v21  }
0x108: {  	s18 =	sadd.s32 $0x40, s18;
	v15 =	vld.idx.msk [tilespmem:v19+s5+$0x0], $0xffff;
	v18 =	vmov v22  }
0x109: {  	_ =	sdelay $0x3  }
0x10a: {  	v18 =	vld.idx.msk [tilespmem:v18+s5+$0x0], $0xffff  }
0x10b: {  	v14 =	vmul.f32 v14, v11;
	s1 =	sadd.s32 $0x40, s8;
	v13 =	vld.idx.msk [tilespmem:v13+s5+$0x0], $0xffff  }
0x10c: {  	v12 =	vld.idx.msk [tilespmem:v12+s5+$0x0], $0xffff;
	v16 =	vmul.f32 v16, v11;
	s2 =	sadd.s32 $0xFFFFFFD0, s1  }
0x10d: {  	[tilespmem:s19+$0x0] =	vst v14;
	v14 =	vmul.f32 v17, v11;
	s21 =	sand.u32 $0xF80, s2  }
0x10e: {  	s22 =	sand.u32 $0x70, s1;
	[tilespmem:s12+$0x0] =	vst v16;
	s8 =	sadd.s32 $0x1B700, s21;
	v15 =	vmul.f32 v15, v11  }
0x10f: {  	s15 =	sadd.s32 $0xFFFFFFE0, s1;
	s2 =	sand.u32 $0x40, s2;
	[tilespmem:s16+$0x0] =	vst v14;
	s12 =	sor.u32 s22, s8;
	v14 =	vmul.f32 v18, v11  }
0x110: {  	s1 =	sadd.s32 $0xFFFFFFF0, s1;
	s15 =	sand.u32 $0x50, s15;
	s2 =	sor.u32 s2, s8;
	v13 =	vmul.f32 v13, v11;
	[tilespmem:s12+$0x0] =	vst v15  }
0x111: {  	s1 =	sand.u32 $0x60, s1;
	s23 =	sor.u32 s15, s8;
	v11 =	vmul.f32 v12, v11;
	[tilespmem:s2+$0x0] =	vst v14  }
0x112: {  	s1 =	sor.u32 s1, s8;
	[tilespmem:s23+$0x0] =	vst v13  }
0x113: {  	[tilespmem:s1+$0x0] =	vst v11  }
0x114: {  	s1 =	rddreg [dreg:$0xe]  }
0x115: {  	[tilespmem:s5], [sflag:$0x1] =	stream.strided.gather [hbm4b:s1+s26], $0x18680, s28, s26, $0x38;
	[tilespmem:$0x1F180] =	vst v63  }
0x116: {  	s2 =	rddreg [dreg:$0xf]  }
0x117: {  	[tilespmem:s29], [sflag:$0x2] =	stream.linear.gather [hbm4b:s2+s5], $0x80, $0x38;
	[tilespmem:$0x1F180] =	vst v63  }
0x118: {  	s8 =	rddreg [dreg:$0x5]  }
0x119: {  	[tilespmem:s30], [sflag:$0x3] =	stream.linear.gather [hbm4b:s8+s5], $0x1000, $0x38;
	[tilespmem:$0x1F180] =	vst v63  }
0x11a: {  	_ =	swait.ge [sflag:s31], $0x18680  }
0x11b: {  	[sflag:s31] =	ssyncset.done $0x0  }
0x11c: {  	[sflag:s31] =	ssyncadd.s32 $0xFFFE7980  }
0x11d: {  	_ =	swait.ge [sflag:s0], $0x80  }
0x11e: {  	[sflag:s0] =	ssyncset.done $0x0  }
0x11f: {  	[sflag:s0] =	ssyncadd.s32 $0xFFFFFF80  }
0x120: {  	[tilespmem:s3], [sflag:$0x4] =	stream.linear.gather [hbm4b:s14+s5], $0x1000, $0x38;
	[tilespmem:$0x1F180] =	vst v63  }
0x121: {  	_ =	swait.ge [sflag:s25], $0x1000  }
0x122: {  	[sflag:s25] =	ssyncset.done $0x0  }
0x123: {  	s9 =	simm.s32 $0x1C720;
	[sflag:s25] =	ssyncadd.s32 $0xFFFFF000  }
0x124: {  	s10 =	simm.s32 $0x0;
	v11 =	vld [tilespmem:s9+$0x10]  }
0x125: {  	s15 =	simm.s32 $0x30;
	s16 =	sand.u32 $0xF80, s10;
	v12 =	vld [tilespmem:s9+$0xFFFFFFF0]  }
0x126: {  	s18 =	sadd.s32 $0x18700, s16;
	s8 =	sand.u32 $0x70, s15;
	v13 =	vld [tilespmem:s9+$0xFFFFFFE0]  }
0x127: {  	s12 =	sor.u32 s8, s18;
	v14 =	vld [tilespmem:s9+$0x0]  }
0x128: {  	s19 =	simm.s32 $0x1C760;
	v17 =	vld [tilespmem:s12+$0x0]  }
0x129: {  	v19 =	vld [tilespmem:s19+$0x10]  }
0x12a: {  	s21 =	simm.s32 $0x10;
	s2 =	sand.u32 $0x40, s10;
	v20 =	vld [tilespmem:s19+$0xFFFFFFF0]  }
0x12b: {  	s22 =	simm.s32 $0x20;
	s16 =	sor.u32 s2, s18;
	s15 =	sand.u32 $0x50, s21;
	v21 =	vld [tilespmem:s19+$0xFFFFFFE0]  }
0x12c: {  	s23 =	sand.u32 $0x60, s22;
	s8 =	sor.u32 s15, s18;
	v22 =	vld [tilespmem:s16+$0x0]  }
0x12d: {  	s18 =	sor.u32 s23, s18;
	v23 =	vld [tilespmem:s8+$0x0]  }
0x12e: {  	v16 =	vld [tilespmem:s18+$0x0]  }
0x12f: {  	v15 =	vld.idx.msk [tilespmem:v11+s5+$0x0], $0xffff  }
0x130: {  	v18 =	vld.idx.msk [tilespmem:v12+s5+$0x0], $0xffff  }
0x131: {  	s22 =	simm.s32 $0x40;
	v13 =	vld.idx.msk [tilespmem:v13+s5+$0x0], $0xffff  }
0x132: {  	s2 =	sand.u32 $0xF80, s22;
	v12 =	vld [tilespmem:s19+$0x0];
	s19 =	simm.s32 $0x70  }
0x133: {  	s1 =	sadd.s32 $0x18700, s2;
	v11 =	vld.idx.msk [tilespmem:v14+s5+$0x0], $0xffff;
	s9 =	sand.u32 $0x70, s19  }
0x134: {  	s10 =	simm.s32 $0x50;
	v14 =	vld.idx.msk [tilespmem:v19+s5+$0x0], $0xffff;
	s21 =	sor.u32 s9, s1;
	v19 =	vmul.f32 v15, v17  }
0x135: {  	s22 =	sand.u32 $0x40, s22;
	s15 =	simm.s32 $0x4;
	s23 =	simm.s32 $0x60;
	v17 =	vld [tilespmem:s21+$0x0]  }
0x136: {  	s2 =	sor.u32 s22, s1;
	s23 =	sand.u32 $0x60, s23;
	s9 =	sand.u32 $0x50, s10;
	v15 =	vld.idx.msk [tilespmem:v20+s5+$0x0], $0xffff;
	[tilespmem:s12+$0x0] =	vst v19;
	v19 =	vmul.f32 v13, v22  }
0x137: {  	s22 =	sor.u32 s9, s1;
	s1 =	sor.u32 s23, s1;
	v18 =	vmul.f32 v18, v23;
	v13 =	vld.idx.msk [tilespmem:v21+s5+$0x0], $0xffff;
	s12 =	simm.s32 $0x1C7A0  }
.LBB2_10:
0x138: {  	v20 =	vld [tilespmem:s12+$0x10];
	s15 =	sadd.s32 $0x4, s15;
	[tilespmem:s16+$0x0] =	vst v19;
	v11 =	vmul.f32 v11, v16;
	s16 =	smov.u32 s2  }
0x139: {  	v19 =	vld [tilespmem:s12+$0xFFFFFFF0];
	p1 =	slt.u32 s15, $0xFC;
	[tilespmem:s8+$0x0] =	vst v18;
	s8 =	smov.u32 s22  }
0x13a: {  	v18 =	vld [tilespmem:s12+$0x0];
	v14 =	vmul.f32 v14, v17;
	[tilespmem:s18+$0x0] =	vst v11;
	s18 =	smov.u32 s1  }
0x13b: {  	s19 =	sadd.s32 $0x40, s19;
	v21 =	vld [tilespmem:s12+$0xFFFFFFE0]  }
0x13c: {  	s2 =	sadd.s32 $0xFFFFFFE0, s19;
	v22 =	vmov v15;
	v11 =	vld.idx.msk [tilespmem:v12+s5+$0x0], $0xffff;
	[tilespmem:s21+$0x0] =	vst v14  }
0x13d: {  	s9 =	sadd.s32 $0xFFFFFFF0, s19;
	s23 =	sand.u32 $0x70, s19;
	s1 =	sadd.s32 $0xFFFFFFD0, s19;
	v23 =	vld [tilespmem:s16+$0x0]  }
0x13e: {  	s22 =	sand.u32 $0x50, s2;
	s21 =	sand.u32 $0x40, s1;
	s1 =	sand.u32 $0xF80, s1;
	v24 =	vld [tilespmem:s8+$0x0]  }
.Ltmp4:
0x13f: {  	s9 =	sand.u32 $0x60, s9;
	s1 =	sadd.s32 $0x18700, s1;
	v16 =	vld [tilespmem:s18+$0x0];
	(pc) =	sbr.rel @p1 .LBB2_10-.Ltmp4, $4  }
0x140: {  	s2 =	sor.u32 s21, s1;
	s22 =	sor.u32 s22, s1;
	s21 =	sor.u32 s23, s1;
	v12 =	vmov v18;
	v14 =	vld.idx.msk [tilespmem:v20+s5+$0x0], $0xffff  }
0x141: {  	s1 =	sor.u32 s9, s1;
	v17 =	vld [tilespmem:s21+$0x0]  }
0x142: {  	v15 =	vld.idx.msk [tilespmem:v19+s5+$0x0], $0xffff;
	v19 =	vmul.f32 v13, v23  }
0x143: {  	s12 =	sadd.s32 $0x40, s12;
	v13 =	vld.idx.msk [tilespmem:v21+s5+$0x0], $0xffff;
	v18 =	vmul.f32 v22, v24  }
0x144: {  	_ =	sdelay $0x3  }
0x145: {  	v12 =	vld.idx.msk [tilespmem:v12+s5+$0x0], $0xffff  }
0x146: {  	v20 =	vld [tilespmem:s2+$0x0]  }
0x147: {  	v21 =	vld [tilespmem:s22+$0x0]  }
0x148: {  	v22 =	vld [tilespmem:s1+$0x0]  }
0x149: {  	[tilespmem:s16+$0x0] =	vst v19;
	v11 =	vmul.f32 v11, v16  }
0x14a: {  	[tilespmem:s8+$0x0] =	vst v18;
	v14 =	vmul.f32 v14, v17  }
0x14b: {  	[tilespmem:s18+$0x0] =	vst v11;
	v11 =	vmul.f32 v13, v20  }
0x14c: {  	[tilespmem:s21+$0x0] =	vst v14;
	v13 =	vmul.f32 v15, v21  }
0x14d: {  	[tilespmem:s2+$0x0] =	vst v11;
	v11 =	vmul.f32 v12, v22  }
0x14e: {  	[tilespmem:s22+$0x0] =	vst v13  }
0x14f: {  	s10 =	simm.s32 $0x1EB80;
	s12 =	simm.s32 $0x18700;
	[tilespmem:s1+$0x0] =	vst v11  }
0x150: {  	[spmem:s4] =	stream.indirect.scatter.add.f32 [tilespmem:s12], [sflag:$0x5], $0x80, s10, s7, $0xb8;
	[tilespmem:$0x1F180] =	vst v63  }
0x151: {  	_ =	swait.ge [sflag:s24], $0x1000  }
0x152: {  	[sflag:s24] =	ssyncset.done $0x0  }
0x153: {  	[sflag:s24] =	ssyncadd.s32 $0xFFFFF000  }
0x154: {  	[tilespmem:s30], [sflag:$0x3] =	stream.linear.gather [hbm4b:s17+s5], $0x1000, $0x38;
	[tilespmem:$0x1F180] =	vst v63  }
0x155: {  	_ =	swait.ge [sflag:s6], $0x1000  }
0x156: {  	[sflag:s6] =	ssyncset.done $0x0  }
0x157: {  	s15 =	simm.s32 $0x1D720;
	[sflag:s6] =	ssyncadd.s32 $0xFFFFF000  }
0x158: {  	s16 =	simm.s32 $0x0;
	v11 =	vld [tilespmem:s15+$0x10]  }
0x159: {  	s9 =	sand.u32 $0xF80, s16;
	s18 =	simm.s32 $0x30;
	v12 =	vld [tilespmem:s15+$0xFFFFFFF0]  }
0x15a: {  	s19 =	sadd.s32 $0x19700, s9;
	s8 =	sand.u32 $0x70, s18;
	v13 =	vld [tilespmem:s15+$0xFFFFFFE0]  }
0x15b: {  	s9 =	sor.u32 s8, s19;
	v14 =	vld [tilespmem:s15+$0x0]  }
0x15c: {  	s21 =	simm.s32 $0x1D760;
	v17 =	vld [tilespmem:s9+$0x0]  }
0x15d: {  	v19 =	vld [tilespmem:s21+$0x10]  }
0x15e: {  	s2 =	sand.u32 $0x40, s16;
	s12 =	simm.s32 $0x10;
	v20 =	vld [tilespmem:s21+$0xFFFFFFF0]  }
0x15f: {  	s8 =	sor.u32 s2, s19;
	s12 =	sand.u32 $0x50, s12;
	v62 =	vld [tilespmem:s21+$0xFFFFFFE0];
	s15 =	simm.s32 $0x20  }
0x160: {  	s16 =	sor.u32 s12, s19;
	v63 =	vld [tilespmem:s8+$0x0];
	s22 =	sand.u32 $0x60, s15  }
0x161: {  	v23 =	vld [tilespmem:s16+$0x0];
	s18 =	sor.u32 s22, s19  }
0x162: {  	v16 =	vld [tilespmem:s18+$0x0]  }
0x163: {  	v15 =	vld.idx.msk [tilespmem:v11+s5+$0x0], $0xffff  }
0x164: {  	v18 =	vld.idx.msk [tilespmem:v12+s5+$0x0], $0xffff  }
0x165: {  	s12 =	simm.s32 $0x40;
	v13 =	vld.idx.msk [tilespmem:v13+s5+$0x0], $0xffff  }
0x166: {  	s23 =	sand.u32 $0xF80, s12;
	s19 =	simm.s32 $0x70;
	v12 =	vld [tilespmem:s21+$0x0]  }
0x167: {  	s22 =	sadd.s32 $0x19700, s23;
	s2 =	sand.u32 $0x70, s19;
	v11 =	vld.idx.msk [tilespmem:v14+s5+$0x0], $0xffff  }
0x168: {  	s10 =	simm.s32 $0x50;
	s21 =	sor.u32 s2, s22;
	v14 =	vld.idx.msk [tilespmem:v19+s5+$0x0], $0xffff;
	v19 =	vmul.f32 v15, v17  }
0x169: {  	s1 =	sand.u32 $0x50, s10;
	s12 =	sand.u32 $0x40, s12;
	s23 =	simm.s32 $0x60;
	v17 =	vld [tilespmem:s21+$0x0]  }
0x16a: {  	s15 =	simm.s32 $0x4;
	s23 =	sand.u32 $0x60, s23;
	s1 =	sor.u32 s1, s22;
	v15 =	vld.idx.msk [tilespmem:v20+s5+$0x0], $0xffff;
	[tilespmem:s9+$0x0] =	vst v19;
	v19 =	vmul.f32 v13, v63  }
0x16b: {  	s2 =	sor.u32 s12, s22;
	s22 =	sor.u32 s23, s22;
	s12 =	simm.s32 $0x1D7A0;
	v18 =	vmul.f32 v18, v23;
	v13 =	vld.idx.msk [tilespmem:v62+s5+$0x0], $0xffff  }
.LBB2_12:
0x16c: {  	v20 =	vld [tilespmem:s12+$0x10];
	s15 =	sadd.s32 $0x4, s15;
	[tilespmem:s8+$0x0] =	vst v19;
	v11 =	vmul.f32 v11, v16;
	s8 =	smov.u32 s2  }
0x16d: {  	v19 =	vld [tilespmem:s12+$0xFFFFFFF0];
	p1 =	slt.u32 s15, $0xFC;
	[tilespmem:s16+$0x0] =	vst v18;
	s16 =	smov.u32 s1  }
0x16e: {  	v18 =	vld [tilespmem:s12+$0x0];
	v14 =	vmul.f32 v14, v17;
	[tilespmem:s18+$0x0] =	vst v11;
	s18 =	smov.u32 s22  }
0x16f: {  	s19 =	sadd.s32 $0x40, s19;
	v21 =	vld [tilespmem:s12+$0xFFFFFFE0]  }
0x170: {  	s1 =	sadd.s32 $0xFFFFFFD0, s19;
	v22 =	vmov v15;
	v11 =	vld.idx.msk [tilespmem:v12+s5+$0x0], $0xffff;
	[tilespmem:s21+$0x0] =	vst v14  }
0x171: {  	s2 =	sadd.s32 $0xFFFFFFE0, s19;
	s9 =	sadd.s32 $0xFFFFFFF0, s19;
	s10 =	sand.u32 $0x70, s19;
	v23 =	vld [tilespmem:s8+$0x0]  }
0x172: {  	s22 =	sand.u32 $0x50, s2;
	s21 =	sand.u32 $0x40, s1;
	s1 =	sand.u32 $0xF80, s1;
	v24 =	vld [tilespmem:s16+$0x0]  }
.Ltmp5:
0x173: {  	s9 =	sand.u32 $0x60, s9;
	s23 =	sadd.s32 $0x19700, s1;
	v16 =	vld [tilespmem:s18+$0x0];
	(pc) =	sbr.rel @p1 .LBB2_12-.Ltmp5, $4  }
0x174: {  	s2 =	sor.u32 s21, s23;
	s1 =	sor.u32 s22, s23;
	s21 =	sor.u32 s10, s23;
	v12 =	vmov v18;
	v14 =	vld.idx.msk [tilespmem:v20+s5+$0x0], $0xffff  }
0x175: {  	s22 =	sor.u32 s9, s23;
	v17 =	vld [tilespmem:s21+$0x0]  }
0x176: {  	v15 =	vld.idx.msk [tilespmem:v19+s5+$0x0], $0xffff;
	v19 =	vmul.f32 v13, v23  }
0x177: {  	s12 =	sadd.s32 $0x40, s12;
	v13 =	vld.idx.msk [tilespmem:v21+s5+$0x0], $0xffff;
	v18 =	vmul.f32 v22, v24  }
0x178: {  	_ =	sdelay $0x3  }
0x179: {  	v12 =	vld.idx.msk [tilespmem:v12+s5+$0x0], $0xffff  }
0x17a: {  	v20 =	vld [tilespmem:s2+$0x0]  }
0x17b: {  	v21 =	vld [tilespmem:s1+$0x0]  }
0x17c: {  	v22 =	vld [tilespmem:s22+$0x0]  }
0x17d: {  	[tilespmem:s8+$0x0] =	vst v19;
	v11 =	vmul.f32 v11, v16  }
0x17e: {  	[tilespmem:s16+$0x0] =	vst v18;
	v14 =	vmul.f32 v14, v17  }
0x17f: {  	[tilespmem:s18+$0x0] =	vst v11;
	v11 =	vmul.f32 v13, v20  }
0x180: {  	[tilespmem:s21+$0x0] =	vst v14;
	v13 =	vmul.f32 v15, v21  }
0x181: {  	[tilespmem:s2+$0x0] =	vst v11;
	v11 =	vmul.f32 v12, v22  }
0x182: {  	[tilespmem:s1+$0x0] =	vst v13  }
0x183: {  	s9 =	simm.s32 $0x1EC00;
	s10 =	simm.s32 $0x19700;
	[tilespmem:s22+$0x0] =	vst v11  }
0x184: {  	[spmem:s4] =	stream.indirect.scatter.add.f32 [tilespmem:s10], [sflag:$0x5], $0x80, s9, s7, $0xb8;
	[tilespmem:$0x1F180] =	vst v63  }
0x185: {  	_ =	swait.ge [sflag:s24], $0x1000  }
0x186: {  	[sflag:s24] =	ssyncset.done $0x0  }
0x187: {  	[sflag:s24] =	ssyncadd.s32 $0xFFFFF000  }
0x188: {  	[tilespmem:s3], [sflag:$0x4] =	stream.linear.gather [hbm4b:s20+s5], $0x1000, $0x38;
	[tilespmem:$0x1F180] =	vst v63  }
0x189: {  	_ =	swait.ge [sflag:s25], $0x1000  }
0x18a: {  	[sflag:s25] =	ssyncset.done $0x0  }
0x18b: {  	s12 =	simm.s32 $0x1C720;
	[sflag:s25] =	ssyncadd.s32 $0xFFFFF000  }
0x18c: {  	s15 =	simm.s32 $0x0;
	v11 =	vld [tilespmem:s12+$0x10]  }
0x18d: {  	s16 =	simm.s32 $0x30;
	s9 =	sand.u32 $0xF80, s15;
	v12 =	vld [tilespmem:s12+$0xFFFFFFF0]  }
0x18e: {  	s8 =	sand.u32 $0x70, s16;
	s18 =	sadd.s32 $0x1A700, s9;
	v13 =	vld [tilespmem:s12+$0xFFFFFFE0]  }
0x18f: {  	s9 =	sor.u32 s8, s18;
	v14 =	vld [tilespmem:s12+$0x0]  }
0x190: {  	s19 =	simm.s32 $0x1C760;
	v17 =	vld [tilespmem:s9+$0x0]  }
0x191: {  	v19 =	vld [tilespmem:s19+$0x10]  }
0x192: {  	s2 =	sand.u32 $0x40, s15;
	s10 =	simm.s32 $0x10;
	v20 =	vld [tilespmem:s19+$0xFFFFFFF0]  }
0x193: {  	s10 =	sand.u32 $0x50, s10;
	s8 =	sor.u32 s2, s18;
	v62 =	vld [tilespmem:s19+$0xFFFFFFE0];
	s12 =	simm.s32 $0x20  }
0x194: {  	s16 =	sor.u32 s10, s18;
	v63 =	vld [tilespmem:s8+$0x0];
	s21 =	sand.u32 $0x60, s12  }
0x195: {  	v23 =	vld [tilespmem:s16+$0x0];
	s18 =	sor.u32 s21, s18  }
0x196: {  	v16 =	vld [tilespmem:s18+$0x0]  }
0x197: {  	v15 =	vld.idx.msk [tilespmem:v11+s5+$0x0], $0xffff  }
0x198: {  	v18 =	vld.idx.msk [tilespmem:v12+s5+$0x0], $0xffff  }
0x199: {  	s10 =	simm.s32 $0x40;
	v13 =	vld.idx.msk [tilespmem:v13+s5+$0x0], $0xffff  }
0x19a: {  	s22 =	sand.u32 $0xF80, s10;
	v12 =	vld [tilespmem:s19+$0x0];
	s19 =	simm.s32 $0x70  }
0x19b: {  	s12 =	sadd.s32 $0x1A700, s22;
	v11 =	vld.idx.msk [tilespmem:v14+s5+$0x0], $0xffff;
	s23 =	sand.u32 $0x70, s19  }
0x19c: {  	s15 =	simm.s32 $0x4;
	v14 =	vld.idx.msk [tilespmem:v19+s5+$0x0], $0xffff;
	s21 =	sor.u32 s23, s12;
	v19 =	vmul.f32 v15, v17  }
0x19d: {  	s2 =	simm.s32 $0x50;
	s10 =	sand.u32 $0x40, s10;
	s22 =	simm.s32 $0x60;
	v17 =	vld [tilespmem:s21+$0x0]  }
0x19e: {  	s1 =	sand.u32 $0x50, s2;
	s2 =	sor.u32 s10, s12;
	s23 =	sand.u32 $0x60, s22;
	v15 =	vld.idx.msk [tilespmem:v20+s5+$0x0], $0xffff;
	[tilespmem:s9+$0x0] =	vst v19;
	v19 =	vmul.f32 v13, v63  }
0x19f: {  	s1 =	sor.u32 s1, s12;
	s22 =	sor.u32 s23, s12;
	s12 =	simm.s32 $0x1C7A0;
	v18 =	vmul.f32 v18, v23;
	v13 =	vld.idx.msk [tilespmem:v62+s5+$0x0], $0xffff  }
.LBB2_14:
0x1a0: {  	v20 =	vld [tilespmem:s12+$0x10];
	s15 =	sadd.s32 $0x4, s15;
	[tilespmem:s8+$0x0] =	vst v19;
	v11 =	vmul.f32 v11, v16;
	s8 =	smov.u32 s2  }
0x1a1: {  	v19 =	vld [tilespmem:s12+$0xFFFFFFF0];
	p1 =	slt.u32 s15, $0xFC;
	[tilespmem:s16+$0x0] =	vst v18;
	s16 =	smov.u32 s1  }
0x1a2: {  	v18 =	vld [tilespmem:s12+$0x0];
	v14 =	vmul.f32 v14, v17;
	[tilespmem:s18+$0x0] =	vst v11;
	s18 =	smov.u32 s22  }
0x1a3: {  	s19 =	sadd.s32 $0x40, s19;
	v21 =	vld [tilespmem:s12+$0xFFFFFFE0]  }
0x1a4: {  	s1 =	sadd.s32 $0xFFFFFFD0, s19;
	v22 =	vmov v15;
	v11 =	vld.idx.msk [tilespmem:v12+s5+$0x0], $0xffff;
	[tilespmem:s21+$0x0] =	vst v14  }
0x1a5: {  	s2 =	sadd.s32 $0xFFFFFFE0, s19;
	s9 =	sadd.s32 $0xFFFFFFF0, s19;
	s23 =	sand.u32 $0x70, s19;
	v23 =	vld [tilespmem:s8+$0x0]  }
0x1a6: {  	s10 =	sand.u32 $0x40, s1;
	s1 =	sand.u32 $0xF80, s1;
	s21 =	sand.u32 $0x50, s2;
	v24 =	vld [tilespmem:s16+$0x0]  }
.Ltmp6:
0x1a7: {  	s9 =	sand.u32 $0x60, s9;
	s22 =	sadd.s32 $0x1A700, s1;
	v16 =	vld [tilespmem:s18+$0x0];
	(pc) =	sbr.rel @p1 .LBB2_14-.Ltmp6, $4  }
0x1a8: {  	s2 =	sor.u32 s10, s22;
	s1 =	sor.u32 s21, s22;
	s21 =	sor.u32 s23, s22;
	v12 =	vmov v18;
	v14 =	vld.idx.msk [tilespmem:v20+s5+$0x0], $0xffff  }
0x1a9: {  	s22 =	sor.u32 s9, s22;
	v17 =	vld [tilespmem:s21+$0x0]  }
0x1aa: {  	v15 =	vld.idx.msk [tilespmem:v19+s5+$0x0], $0xffff;
	v19 =	vmul.f32 v13, v23  }
0x1ab: {  	s12 =	sadd.s32 $0x40, s12;
	v13 =	vld.idx.msk [tilespmem:v21+s5+$0x0], $0xffff;
	v18 =	vmul.f32 v22, v24  }
0x1ac: {  	_ =	sdelay $0x3  }
0x1ad: {  	v12 =	vld.idx.msk [tilespmem:v12+s5+$0x0], $0xffff  }
0x1ae: {  	v20 =	vld [tilespmem:s2+$0x0]  }
0x1af: {  	v21 =	vld [tilespmem:s1+$0x0]  }
0x1b0: {  	v22 =	vld [tilespmem:s22+$0x0]  }
0x1b1: {  	[tilespmem:s8+$0x0] =	vst v19;
	v11 =	vmul.f32 v11, v16  }
0x1b2: {  	[tilespmem:s16+$0x0] =	vst v18;
	v14 =	vmul.f32 v14, v17  }
0x1b3: {  	[tilespmem:s18+$0x0] =	vst v11;
	v11 =	vmul.f32 v13, v20  }
0x1b4: {  	[tilespmem:s21+$0x0] =	vst v14;
	v13 =	vmul.f32 v15, v21  }
0x1b5: {  	[tilespmem:s2+$0x0] =	vst v11;
	v11 =	vmul.f32 v12, v22  }
0x1b6: {  	[tilespmem:s1+$0x0] =	vst v13  }
0x1b7: {  	s9 =	simm.s32 $0x1EC80;
	s10 =	simm.s32 $0x1A700;
	[tilespmem:s22+$0x0] =	vst v11  }
0x1b8: {  	[spmem:s4] =	stream.indirect.scatter.add.f32 [tilespmem:s10], [sflag:$0x5], $0x80, s9, s7, $0xb8;
	[tilespmem:$0x1F180] =	vst v63  }
0x1b9: {  	_ =	swait.ge [sflag:s24], $0x1000  }
0x1ba: {  	[sflag:s24] =	ssyncset.done $0x0  }
0x1bb: {  	[sflag:s24] =	ssyncadd.s32 $0xFFFFF000  }
0x1bc: {  	_ =	swait.ge [sflag:s6], $0x1000  }
0x1bd: {  	[sflag:s6] =	ssyncset.done $0x0  }
0x1be: {  	s12 =	simm.s32 $0x1D720;
	[sflag:s6] =	ssyncadd.s32 $0xFFFFF000  }
0x1bf: {  	s15 =	simm.s32 $0x0;
	v11 =	vld [tilespmem:s12+$0x10]  }
0x1c0: {  	s16 =	simm.s32 $0x30;
	s9 =	sand.u32 $0xF80, s15;
	v12 =	vld [tilespmem:s12+$0xFFFFFFF0]  }
0x1c1: {  	s8 =	sand.u32 $0x70, s16;
	s18 =	sadd.s32 $0x1B700, s9;
	v13 =	vld [tilespmem:s12+$0xFFFFFFE0]  }
0x1c2: {  	s9 =	sor.u32 s8, s18;
	v14 =	vld [tilespmem:s12+$0x0]  }
0x1c3: {  	s19 =	simm.s32 $0x1D760;
	v17 =	vld [tilespmem:s9+$0x0]  }
0x1c4: {  	v19 =	vld [tilespmem:s19+$0x10]  }
0x1c5: {  	s2 =	sand.u32 $0x40, s15;
	s10 =	simm.s32 $0x10;
	v20 =	vld [tilespmem:s19+$0xFFFFFFF0]  }
0x1c6: {  	s10 =	sand.u32 $0x50, s10;
	s8 =	sor.u32 s2, s18;
	v62 =	vld [tilespmem:s19+$0xFFFFFFE0];
	s12 =	simm.s32 $0x20  }
0x1c7: {  	s16 =	sor.u32 s10, s18;
	v63 =	vld [tilespmem:s8+$0x0];
	s21 =	sand.u32 $0x60, s12  }
0x1c8: {  	v23 =	vld [tilespmem:s16+$0x0];
	s18 =	sor.u32 s21, s18  }
0x1c9: {  	v16 =	vld [tilespmem:s18+$0x0]  }
0x1ca: {  	v15 =	vld.idx.msk [tilespmem:v11+s5+$0x0], $0xffff  }
0x1cb: {  	v18 =	vld.idx.msk [tilespmem:v12+s5+$0x0], $0xffff  }
0x1cc: {  	s10 =	simm.s32 $0x40;
	v13 =	vld.idx.msk [tilespmem:v13+s5+$0x0], $0xffff  }
0x1cd: {  	s22 =	sand.u32 $0xF80, s10;
	v12 =	vld [tilespmem:s19+$0x0];
	s19 =	simm.s32 $0x70  }
0x1ce: {  	s12 =	sadd.s32 $0x1B700, s22;
	v11 =	vld.idx.msk [tilespmem:v14+s5+$0x0], $0xffff;
	s23 =	sand.u32 $0x70, s19  }
0x1cf: {  	s15 =	simm.s32 $0x4;
	v14 =	vld.idx.msk [tilespmem:v19+s5+$0x0], $0xffff;
	s21 =	sor.u32 s23, s12;
	v19 =	vmul.f32 v15, v17  }
0x1d0: {  	s2 =	simm.s32 $0x50;
	s10 =	sand.u32 $0x40, s10;
	s22 =	simm.s32 $0x60;
	v17 =	vld [tilespmem:s21+$0x0]  }
0x1d1: {  	s1 =	sand.u32 $0x50, s2;
	s2 =	sor.u32 s10, s12;
	s23 =	sand.u32 $0x60, s22;
	v15 =	vld.idx.msk [tilespmem:v20+s5+$0x0], $0xffff;
	[tilespmem:s9+$0x0] =	vst v19;
	v19 =	vmul.f32 v13, v63  }
0x1d2: {  	s1 =	sor.u32 s1, s12;
	s22 =	sor.u32 s23, s12;
	s12 =	simm.s32 $0x1D7A0;
	v18 =	vmul.f32 v18, v23;
	v13 =	vld.idx.msk [tilespmem:v62+s5+$0x0], $0xffff  }
.LBB2_16:
0x1d3: {  	v20 =	vld [tilespmem:s12+$0x10];
	s15 =	sadd.s32 $0x4, s15;
	[tilespmem:s8+$0x0] =	vst v19;
	v11 =	vmul.f32 v11, v16;
	s8 =	smov.u32 s2  }
0x1d4: {  	v19 =	vld [tilespmem:s12+$0xFFFFFFF0];
	p1 =	slt.u32 s15, $0xFC;
	[tilespmem:s16+$0x0] =	vst v18;
	s16 =	smov.u32 s1  }
0x1d5: {  	v18 =	vld [tilespmem:s12+$0x0];
	v14 =	vmul.f32 v14, v17;
	[tilespmem:s18+$0x0] =	vst v11;
	s18 =	smov.u32 s22  }
0x1d6: {  	s19 =	sadd.s32 $0x40, s19;
	v21 =	vld [tilespmem:s12+$0xFFFFFFE0]  }
0x1d7: {  	s1 =	sadd.s32 $0xFFFFFFD0, s19;
	v22 =	vmov v15;
	v11 =	vld.idx.msk [tilespmem:v12+s5+$0x0], $0xffff;
	[tilespmem:s21+$0x0] =	vst v14  }
0x1d8: {  	s2 =	sadd.s32 $0xFFFFFFE0, s19;
	s9 =	sadd.s32 $0xFFFFFFF0, s19;
	s23 =	sand.u32 $0x70, s19;
	v23 =	vld [tilespmem:s8+$0x0]  }
0x1d9: {  	s10 =	sand.u32 $0x40, s1;
	s1 =	sand.u32 $0xF80, s1;
	s21 =	sand.u32 $0x50, s2;
	v24 =	vld [tilespmem:s16+$0x0]  }
.Ltmp7:
0x1da: {  	s9 =	sand.u32 $0x60, s9;
	s22 =	sadd.s32 $0x1B700, s1;
	v16 =	vld [tilespmem:s18+$0x0];
	(pc) =	sbr.rel @p1 .LBB2_16-.Ltmp7, $4  }
0x1db: {  	s2 =	sor.u32 s10, s22;
	s1 =	sor.u32 s21, s22;
	s21 =	sor.u32 s23, s22;
	v12 =	vmov v18;
	v14 =	vld.idx.msk [tilespmem:v20+s5+$0x0], $0xffff  }
0x1dc: {  	s22 =	sor.u32 s9, s22;
	v17 =	vld [tilespmem:s21+$0x0]  }
0x1dd: {  	v15 =	vld.idx.msk [tilespmem:v19+s5+$0x0], $0xffff;
	v19 =	vmul.f32 v13, v23  }
0x1de: {  	s12 =	sadd.s32 $0x40, s12;
	v13 =	vld.idx.msk [tilespmem:v21+s5+$0x0], $0xffff;
	v18 =	vmul.f32 v22, v24  }
0x1df: {  	_ =	sdelay $0x3  }
0x1e0: {  	v12 =	vld.idx.msk [tilespmem:v12+s5+$0x0], $0xffff  }
0x1e1: {  	v20 =	vld [tilespmem:s2+$0x0]  }
0x1e2: {  	v21 =	vld [tilespmem:s1+$0x0]  }
0x1e3: {  	v22 =	vld [tilespmem:s22+$0x0]  }
0x1e4: {  	[tilespmem:s8+$0x0] =	vst v19;
	v11 =	vmul.f32 v11, v16  }
0x1e5: {  	[tilespmem:s16+$0x0] =	vst v18;
	v14 =	vmul.f32 v14, v17  }
0x1e6: {  	[tilespmem:s18+$0x0] =	vst v11;
	v11 =	vmul.f32 v13, v20  }
0x1e7: {  	[tilespmem:s21+$0x0] =	vst v14;
	v13 =	vmul.f32 v15, v21  }
0x1e8: {  	[tilespmem:s2+$0x0] =	vst v11;
	v11 =	vmul.f32 v12, v22  }
0x1e9: {  	[tilespmem:s1+$0x0] =	vst v13  }
0x1ea: {  	s8 =	simm.s32 $0x1B700;
	s2 =	simm.s32 $0x1ED00;
	[tilespmem:s22+$0x0] =	vst v11  }
0x1eb: {  	[spmem:s4] =	stream.indirect.scatter.add.f32 [tilespmem:s8], [sflag:$0x5], $0x80, s2, s7, $0xb8;
	[tilespmem:$0x1F180] =	vst v63  }
0x1ec: {  	_ =	swait.ge [sflag:s24], $0x1000  }
0x1ed: {  	[sflag:s24] =	ssyncset.done $0x0  }
0x1ee: {  	s9 =	rddreg [dreg:$0x10];
	[sflag:s24] =	ssyncadd.s32 $0xFFFFF000  }
0x1ef: {  	[tilespmem:s5], [sflag:$0x1] =	stream.strided.gather [hbm4b:s9+s26], $0x18680, s28, s26, $0x38;
	[tilespmem:$0x1F180] =	vst v63  }
0x1f0: {  	s10 =	rddreg [dreg:$0x12]  }
0x1f1: {  	[tilespmem:s29], [sflag:$0x2] =	stream.linear.gather [hbm4b:s10+s5], $0x80, $0x38;
	[tilespmem:$0x1F180] =	vst v63  }
0x1f2: {  	s12 =	rddreg [dreg:$0x4]  }
0x1f3: {  	[tilespmem:s30], [sflag:$0x3] =	stream.linear.gather [hbm4b:s12+s5], $0x1000, $0x38;
	[tilespmem:$0x1F180] =	vst v63  }
0x1f4: {  	_ =	swait.ge [sflag:s31], $0x18680  }
0x1f5: {  	[sflag:s31] =	ssyncset.done $0x0  }
0x1f6: {  	[sflag:s31] =	ssyncadd.s32 $0xFFFE7980  }
0x1f7: {  	_ =	swait.ge [sflag:s0], $0x80  }
0x1f8: {  	[sflag:s0] =	ssyncset.done $0x0  }
0x1f9: {  	s15 =	rddreg [dreg:$0xc];
	[sflag:s0] =	ssyncadd.s32 $0xFFFFFF80  }
0x1fa: {  	v11 =	vld.idx.msk [tilespmem:v2+s11+$0x0], $0xffff;
	[tilespmem:s3], [sflag:$0x4] =	stream.linear.gather [hbm4b:s15+s5], $0x1000, $0x38  }
0x1fb: {  	_ =	swait.ge [sflag:s25], $0x1000  }
0x1fc: {  	[sflag:s25] =	ssyncset.done $0x0  }
0x1fd: {  	s16 =	simm.s32 $0x1C720;
	[sflag:s25] =	ssyncadd.s32 $0xFFFFF000  }
0x1fe: {  	v12 =	vld [tilespmem:s16+$0x10];
	_ =	sdelay $0x3  }
0x1ff: {  	v14 =	vld [tilespmem:s16+$0xFFFFFFE0]  }
0x200: {  	v15 =	vld [tilespmem:s16+$0xFFFFFFF0]  }
0x201: {  	s18 =	simm.s32 $0x1C760;
	v17 =	vld [tilespmem:s16+$0x0]  }
0x202: {  	v19 =	vld [tilespmem:s18+$0x10]  }
0x203: {  	v20 =	vld.idx.msk [tilespmem:v12+s5+$0x0], $0xffff  }
0x204: {  	s19 =	simm.s32 $0x0;
	v13 =	vld [tilespmem:s18+$0xFFFFFFF0]  }
0x205: {  	s1 =	sand.u32 $0xF80, s19;
	v18 =	vld [tilespmem:s18+$0xFFFFFFE0]  }
0x206: {  	s21 =	simm.s32 $0x10;
	s22 =	sadd.s32 $0x18700, s1;
	v12 =	vld [tilespmem:s18+$0x0]  }
0x207: {  	s8 =	simm.s32 $0x30;
	s2 =	sand.u32 $0x50, s21;
	s9 =	simm.s32 $0x20;
	v14 =	vld.idx.msk [tilespmem:v14+s5+$0x0], $0xffff  }
0x208: {  	s9 =	sand.u32 $0x60, s9;
	s10 =	sand.u32 $0x40, s19;
	s12 =	sand.u32 $0x70, s8;
	v16 =	vld.idx.msk [tilespmem:v15+s5+$0x0], $0xffff;
	v15 =	vmul.f32 v20, v11  }
0x209: {  	s1 =	sor.u32 s10, s22;
	s23 =	sor.u32 s12, s22;
	s12 =	sor.u32 s2, s22;
	v17 =	vld.idx.msk [tilespmem:v17+s5+$0x0], $0xffff  }
0x20a: {  	s15 =	simm.s32 $0x4;
	s16 =	sor.u32 s9, s22;
	s18 =	simm.s32 $0x1C7A0;
	[tilespmem:s23+$0x0] =	vst v15;
	v15 =	vld.idx.msk [tilespmem:v19+s5+$0x0], $0xffff  }
.LBB2_18:
0x20b: {  	v19 =	vld [tilespmem:s18+$0x10];
	s15 =	sadd.s32 $0x4, s15  }
0x20c: {  	v14 =	vmul.f32 v14, v11;
	s8 =	sadd.s32 $0x40, s8;
	v20 =	vld [tilespmem:s18+$0xFFFFFFF0];
	p1 =	slt.u32 s15, $0xFC  }
0x20d: {  	v16 =	vmul.f32 v16, v11;
	s9 =	sadd.s32 $0xFFFFFFE0, s8;
	v21 =	vld [tilespmem:s18+$0x0]  }
0x20e: {  	s2 =	sadd.s32 $0xFFFFFFD0, s8;
	s10 =	sadd.s32 $0xFFFFFFF0, s8;
	v17 =	vmul.f32 v17, v11;
	s9 =	sand.u32 $0x50, s9;
	v22 =	vld [tilespmem:s18+$0xFFFFFFE0];
	[tilespmem:s1+$0x0] =	vst v14  }
.Ltmp8:
0x20f: {  	s1 =	sand.u32 $0x40, s2;
	s2 =	sand.u32 $0xF80, s2;
	v14 =	vld.idx.msk [tilespmem:v18+s5+$0x0], $0xffff;
	[tilespmem:s12+$0x0] =	vst v16;
	(pc) =	sbr.rel @p1 .LBB2_18-.Ltmp8, $4  }
0x210: {  	s19 =	sand.u32 $0x70, s8;
	s10 =	sand.u32 $0x60, s10;
	s2 =	sadd.s32 $0x18700, s2;
	v15 =	vmul.f32 v15, v11;
	v16 =	vld.idx.msk [tilespmem:v13+s5+$0x0], $0xffff;
	[tilespmem:s16+$0x0] =	vst v17  }
0x211: {  	s1 =	sor.u32 s1, s2;
	s12 =	sor.u32 s9, s2;
	s9 =	sor.u32 s19, s2;
	v17 =	vld.idx.msk [tilespmem:v12+s5+$0x0], $0xffff;
	v13 =	vmov v20  }
0x212: {  	s16 =	sor.u32 s10, s2;
	[tilespmem:s9+$0x0] =	vst v15;
	v12 =	vmov v21  }
0x213: {  	s18 =	sadd.s32 $0x40, s18;
	v15 =	vld.idx.msk [tilespmem:v19+s5+$0x0], $0xffff;
	v18 =	vmov v22  }
0x214: {  	_ =	sdelay $0x3  }
0x215: {  	v18 =	vld.idx.msk [tilespmem:v18+s5+$0x0], $0xffff  }
0x216: {  	v14 =	vmul.f32 v14, v11;
	s2 =	sadd.s32 $0x40, s8;
	v13 =	vld.idx.msk [tilespmem:v13+s5+$0x0], $0xffff  }
0x217: {  	v12 =	vld.idx.msk [tilespmem:v12+s5+$0x0], $0xffff;
	v16 =	vmul.f32 v16, v11;
	s8 =	sadd.s32 $0xFFFFFFD0, s2  }
0x218: {  	[tilespmem:s1+$0x0] =	vst v14;
	v14 =	vmul.f32 v17, v11;
	s22 =	sand.u32 $0xF80, s8  }
0x219: {  	s9 =	sand.u32 $0x70, s2;
	[tilespmem:s12+$0x0] =	vst v16;
	s1 =	sadd.s32 $0x18700, s22;
	v15 =	vmul.f32 v15, v11  }
0x21a: {  	s10 =	sadd.s32 $0xFFFFFFE0, s2;
	s8 =	sand.u32 $0x40, s8;
	[tilespmem:s16+$0x0] =	vst v14;
	s9 =	sor.u32 s9, s1;
	v14 =	vmul.f32 v18, v11  }
0x21b: {  	s2 =	sadd.s32 $0xFFFFFFF0, s2;
	s10 =	sand.u32 $0x50, s10;
	s8 =	sor.u32 s8, s1;
	v13 =	vmul.f32 v13, v11;
	[tilespmem:s9+$0x0] =	vst v15  }
0x21c: {  	s2 =	sand.u32 $0x60, s2;
	s23 =	sor.u32 s10, s1;
	v12 =	vmul.f32 v12, v11;
	[tilespmem:s8+$0x0] =	vst v14  }
0x21d: {  	s1 =	sor.u32 s2, s1;
	[tilespmem:s23+$0x0] =	vst v13  }
0x21e: {  	[tilespmem:s1+$0x0] =	vst v12  }
0x21f: {  	s1 =	rddreg [dreg:$0xd]  }
0x220: {  	[tilespmem:s30], [sflag:$0x3] =	stream.linear.gather [hbm4b:s1+s5], $0x1000, $0x38;
	[tilespmem:$0x1F180] =	vst v63  }
0x221: {  	_ =	swait.ge [sflag:s6], $0x1000  }
0x222: {  	[sflag:s6] =	ssyncset.done $0x0  }
0x223: {  	s9 =	simm.s32 $0x1D720;
	[sflag:s6] =	ssyncadd.s32 $0xFFFFF000  }
0x224: {  	v12 =	vld [tilespmem:s9+$0x10];
	_ =	sdelay $0x3  }
0x225: {  	v14 =	vld [tilespmem:s9+$0xFFFFFFE0]  }
0x226: {  	v15 =	vld [tilespmem:s9+$0xFFFFFFF0]  }
0x227: {  	s10 =	simm.s32 $0x1D760;
	v17 =	vld [tilespmem:s9+$0x0]  }
0x228: {  	v19 =	vld [tilespmem:s10+$0x10]  }
0x229: {  	v20 =	vld.idx.msk [tilespmem:v12+s5+$0x0], $0xffff  }
0x22a: {  	v13 =	vld [tilespmem:s10+$0xFFFFFFF0]  }
0x22b: {  	s15 =	simm.s32 $0x4;
	v18 =	vld [tilespmem:s10+$0xFFFFFFE0]  }
0x22c: {  	s18 =	simm.s32 $0x20;
	s12 =	simm.s32 $0x0;
	s16 =	simm.s32 $0x10;
	v12 =	vld [tilespmem:s10+$0x0]  }
0x22d: {  	s19 =	sand.u32 $0x40, s12;
	s8 =	simm.s32 $0x30;
	s1 =	sand.u32 $0xF80, s12;
	v14 =	vld.idx.msk [tilespmem:v14+s5+$0x0], $0xffff  }
0x22e: {  	s2 =	sand.u32 $0x50, s16;
	s22 =	sand.u32 $0x70, s8;
	s21 =	sadd.s32 $0x19700, s1;
	v16 =	vld.idx.msk [tilespmem:v15+s5+$0x0], $0xffff;
	v15 =	vmul.f32 v20, v11  }
0x22f: {  	s1 =	sor.u32 s19, s21;
	s23 =	sor.u32 s22, s21;
	s9 =	sand.u32 $0x60, s18;
	v17 =	vld.idx.msk [tilespmem:v17+s5+$0x0], $0xffff  }
0x230: {  	s12 =	sor.u32 s2, s21;
	s18 =	simm.s32 $0x1D7A0;
	s16 =	sor.u32 s9, s21;
	[tilespmem:s23+$0x0] =	vst v15;
	v15 =	vld.idx.msk [tilespmem:v19+s5+$0x0], $0xffff  }
.LBB2_20:
0x231: {  	v19 =	vld [tilespmem:s18+$0x10];
	s15 =	sadd.s32 $0x4, s15  }
0x232: {  	v14 =	vmul.f32 v14, v11;
	s8 =	sadd.s32 $0x40, s8;
	v20 =	vld [tilespmem:s18+$0xFFFFFFF0];
	p1 =	slt.u32 s15, $0xFC  }
0x233: {  	v16 =	vmul.f32 v16, v11;
	s9 =	sadd.s32 $0xFFFFFFE0, s8;
	v21 =	vld [tilespmem:s18+$0x0]  }
0x234: {  	s2 =	sadd.s32 $0xFFFFFFD0, s8;
	s10 =	sadd.s32 $0xFFFFFFF0, s8;
	v17 =	vmul.f32 v17, v11;
	s9 =	sand.u32 $0x50, s9;
	v22 =	vld [tilespmem:s18+$0xFFFFFFE0];
	[tilespmem:s1+$0x0] =	vst v14  }
.Ltmp9:
0x235: {  	s1 =	sand.u32 $0x40, s2;
	s2 =	sand.u32 $0xF80, s2;
	v14 =	vld.idx.msk [tilespmem:v18+s5+$0x0], $0xffff;
	[tilespmem:s12+$0x0] =	vst v16;
	(pc) =	sbr.rel @p1 .LBB2_20-.Ltmp9, $4  }
0x236: {  	s19 =	sand.u32 $0x70, s8;
	s10 =	sand.u32 $0x60, s10;
	s2 =	sadd.s32 $0x19700, s2;
	v15 =	vmul.f32 v15, v11;
	v16 =	vld.idx.msk [tilespmem:v13+s5+$0x0], $0xffff;
	[tilespmem:s16+$0x0] =	vst v17  }
0x237: {  	s1 =	sor.u32 s1, s2;
	s12 =	sor.u32 s9, s2;
	s9 =	sor.u32 s19, s2;
	v17 =	vld.idx.msk [tilespmem:v12+s5+$0x0], $0xffff;
	v13 =	vmov v20  }
0x238: {  	s16 =	sor.u32 s10, s2;
	[tilespmem:s9+$0x0] =	vst v15;
	v12 =	vmov v21  }
0x239: {  	s18 =	sadd.s32 $0x40, s18;
	v15 =	vld.idx.msk [tilespmem:v19+s5+$0x0], $0xffff;
	v18 =	vmov v22  }
0x23a: {  	_ =	sdelay $0x3  }
0x23b: {  	v18 =	vld.idx.msk [tilespmem:v18+s5+$0x0], $0xffff  }
0x23c: {  	v14 =	vmul.f32 v14, v11;
	s2 =	sadd.s32 $0x40, s8;
	v13 =	vld.idx.msk [tilespmem:v13+s5+$0x0], $0xffff  }
0x23d: {  	v12 =	vld.idx.msk [tilespmem:v12+s5+$0x0], $0xffff;
	v16 =	vmul.f32 v16, v11;
	s8 =	sadd.s32 $0xFFFFFFD0, s2  }
0x23e: {  	[tilespmem:s1+$0x0] =	vst v14;
	v14 =	vmul.f32 v17, v11;
	s22 =	sand.u32 $0xF80, s8  }
0x23f: {  	s9 =	sand.u32 $0x70, s2;
	[tilespmem:s12+$0x0] =	vst v16;
	s1 =	sadd.s32 $0x19700, s22;
	v15 =	vmul.f32 v15, v11  }
0x240: {  	s10 =	sadd.s32 $0xFFFFFFE0, s2;
	s8 =	sand.u32 $0x40, s8;
	[tilespmem:s16+$0x0] =	vst v14;
	s9 =	sor.u32 s9, s1;
	v14 =	vmul.f32 v18, v11  }
0x241: {  	s2 =	sadd.s32 $0xFFFFFFF0, s2;
	s10 =	sand.u32 $0x50, s10;
	s8 =	sor.u32 s8, s1;
	v13 =	vmul.f32 v13, v11;
	[tilespmem:s9+$0x0] =	vst v15  }
0x242: {  	s2 =	sand.u32 $0x60, s2;
	s23 =	sor.u32 s10, s1;
	v12 =	vmul.f32 v12, v11;
	[tilespmem:s8+$0x0] =	vst v14  }
0x243: {  	s1 =	sor.u32 s2, s1;
	[tilespmem:s23+$0x0] =	vst v13  }
0x244: {  	[tilespmem:s1+$0x0] =	vst v12  }
0x245: {  	s1 =	rddreg [dreg:$0x16]  }
0x246: {  	[tilespmem:s3], [sflag:$0x4] =	stream.linear.gather [hbm4b:s1+s5], $0x1000, $0x38;
	[tilespmem:$0x1F180] =	vst v63  }
0x247: {  	_ =	swait.ge [sflag:s25], $0x1000  }
0x248: {  	[sflag:s25] =	ssyncset.done $0x0  }
0x249: {  	s9 =	simm.s32 $0x1C720;
	[sflag:s25] =	ssyncadd.s32 $0xFFFFF000  }
0x24a: {  	v12 =	vld [tilespmem:s9+$0x10];
	_ =	sdelay $0x3  }
0x24b: {  	v14 =	vld [tilespmem:s9+$0xFFFFFFE0]  }
0x24c: {  	v15 =	vld [tilespmem:s9+$0xFFFFFFF0]  }
0x24d: {  	s10 =	simm.s32 $0x1C760;
	v17 =	vld [tilespmem:s9+$0x0]  }
0x24e: {  	v19 =	vld [tilespmem:s10+$0x10]  }
0x24f: {  	v20 =	vld.idx.msk [tilespmem:v12+s5+$0x0], $0xffff  }
0x250: {  	v13 =	vld [tilespmem:s10+$0xFFFFFFF0]  }
0x251: {  	s15 =	simm.s32 $0x4;
	v18 =	vld [tilespmem:s10+$0xFFFFFFE0]  }
0x252: {  	s18 =	simm.s32 $0x20;
	s12 =	simm.s32 $0x0;
	s16 =	simm.s32 $0x10;
	v12 =	vld [tilespmem:s10+$0x0]  }
0x253: {  	s19 =	sand.u32 $0x40, s12;
	s8 =	simm.s32 $0x30;
	s1 =	sand.u32 $0xF80, s12;
	v14 =	vld.idx.msk [tilespmem:v14+s5+$0x0], $0xffff  }
0x254: {  	s2 =	sand.u32 $0x50, s16;
	s22 =	sand.u32 $0x70, s8;
	s21 =	sadd.s32 $0x1A700, s1;
	v16 =	vld.idx.msk [tilespmem:v15+s5+$0x0], $0xffff;
	v15 =	vmul.f32 v20, v11  }
0x255: {  	s1 =	sor.u32 s19, s21;
	s23 =	sor.u32 s22, s21;
	s9 =	sand.u32 $0x60, s18;
	v17 =	vld.idx.msk [tilespmem:v17+s5+$0x0], $0xffff  }
0x256: {  	s12 =	sor.u32 s2, s21;
	s18 =	simm.s32 $0x1C7A0;
	s16 =	sor.u32 s9, s21;
	[tilespmem:s23+$0x0] =	vst v15;
	v15 =	vld.idx.msk [tilespmem:v19+s5+$0x0], $0xffff  }
.LBB2_22:
0x257: {  	v19 =	vld [tilespmem:s18+$0x10];
	s15 =	sadd.s32 $0x4, s15  }
0x258: {  	v14 =	vmul.f32 v14, v11;
	s8 =	sadd.s32 $0x40, s8;
	v20 =	vld [tilespmem:s18+$0xFFFFFFF0];
	p1 =	slt.u32 s15, $0xFC  }
0x259: {  	v16 =	vmul.f32 v16, v11;
	s9 =	sadd.s32 $0xFFFFFFE0, s8;
	v21 =	vld [tilespmem:s18+$0x0]  }
0x25a: {  	s2 =	sadd.s32 $0xFFFFFFD0, s8;
	s10 =	sadd.s32 $0xFFFFFFF0, s8;
	v17 =	vmul.f32 v17, v11;
	s9 =	sand.u32 $0x50, s9;
	v22 =	vld [tilespmem:s18+$0xFFFFFFE0];
	[tilespmem:s1+$0x0] =	vst v14  }
.Ltmp10:
0x25b: {  	s1 =	sand.u32 $0x40, s2;
	s2 =	sand.u32 $0xF80, s2;
	v14 =	vld.idx.msk [tilespmem:v18+s5+$0x0], $0xffff;
	[tilespmem:s12+$0x0] =	vst v16;
	(pc) =	sbr.rel @p1 .LBB2_22-.Ltmp10, $4  }
0x25c: {  	s19 =	sand.u32 $0x70, s8;
	s10 =	sand.u32 $0x60, s10;
	s2 =	sadd.s32 $0x1A700, s2;
	v15 =	vmul.f32 v15, v11;
	v16 =	vld.idx.msk [tilespmem:v13+s5+$0x0], $0xffff;
	[tilespmem:s16+$0x0] =	vst v17  }
0x25d: {  	s1 =	sor.u32 s1, s2;
	s12 =	sor.u32 s9, s2;
	s9 =	sor.u32 s19, s2;
	v17 =	vld.idx.msk [tilespmem:v12+s5+$0x0], $0xffff;
	v13 =	vmov v20  }
0x25e: {  	s16 =	sor.u32 s10, s2;
	[tilespmem:s9+$0x0] =	vst v15;
	v12 =	vmov v21  }
0x25f: {  	s18 =	sadd.s32 $0x40, s18;
	v15 =	vld.idx.msk [tilespmem:v19+s5+$0x0], $0xffff;
	v18 =	vmov v22  }
0x260: {  	_ =	sdelay $0x3  }
0x261: {  	v18 =	vld.idx.msk [tilespmem:v18+s5+$0x0], $0xffff  }
0x262: {  	v14 =	vmul.f32 v14, v11;
	s2 =	sadd.s32 $0x40, s8;
	v13 =	vld.idx.msk [tilespmem:v13+s5+$0x0], $0xffff  }
0x263: {  	v12 =	vld.idx.msk [tilespmem:v12+s5+$0x0], $0xffff;
	v16 =	vmul.f32 v16, v11;
	s8 =	sadd.s32 $0xFFFFFFD0, s2  }
0x264: {  	[tilespmem:s1+$0x0] =	vst v14;
	v14 =	vmul.f32 v17, v11;
	s22 =	sand.u32 $0xF80, s8  }
0x265: {  	s9 =	sand.u32 $0x70, s2;
	[tilespmem:s12+$0x0] =	vst v16;
	s1 =	sadd.s32 $0x1A700, s22;
	v15 =	vmul.f32 v15, v11  }
0x266: {  	s10 =	sadd.s32 $0xFFFFFFE0, s2;
	s8 =	sand.u32 $0x40, s8;
	[tilespmem:s16+$0x0] =	vst v14;
	s9 =	sor.u32 s9, s1;
	v14 =	vmul.f32 v18, v11  }
0x267: {  	s2 =	sadd.s32 $0xFFFFFFF0, s2;
	s10 =	sand.u32 $0x50, s10;
	s8 =	sor.u32 s8, s1;
	v13 =	vmul.f32 v13, v11;
	[tilespmem:s9+$0x0] =	vst v15  }
0x268: {  	s2 =	sand.u32 $0x60, s2;
	s23 =	sor.u32 s10, s1;
	v12 =	vmul.f32 v12, v11;
	[tilespmem:s8+$0x0] =	vst v14  }
0x269: {  	s1 =	sor.u32 s2, s1;
	[tilespmem:s23+$0x0] =	vst v13  }
0x26a: {  	[tilespmem:s1+$0x0] =	vst v12  }
0x26b: {  	_ =	swait.ge [sflag:s6], $0x1000  }
0x26c: {  	[sflag:s6] =	ssyncset.done $0x0  }
0x26d: {  	s9 =	simm.s32 $0x1D720;
	[sflag:s6] =	ssyncadd.s32 $0xFFFFF000  }
0x26e: {  	v12 =	vld [tilespmem:s9+$0x10];
	_ =	sdelay $0x3  }
0x26f: {  	v14 =	vld [tilespmem:s9+$0xFFFFFFE0]  }
0x270: {  	v15 =	vld [tilespmem:s9+$0xFFFFFFF0]  }
0x271: {  	s10 =	simm.s32 $0x1D760;
	v17 =	vld [tilespmem:s9+$0x0]  }
0x272: {  	v19 =	vld [tilespmem:s10+$0x10]  }
0x273: {  	v20 =	vld.idx.msk [tilespmem:v12+s5+$0x0], $0xffff  }
0x274: {  	v13 =	vld [tilespmem:s10+$0xFFFFFFF0]  }
0x275: {  	s15 =	simm.s32 $0x4;
	v18 =	vld [tilespmem:s10+$0xFFFFFFE0]  }
0x276: {  	s18 =	simm.s32 $0x20;
	s12 =	simm.s32 $0x0;
	s16 =	simm.s32 $0x10;
	v12 =	vld [tilespmem:s10+$0x0]  }
0x277: {  	s19 =	sand.u32 $0x40, s12;
	s8 =	simm.s32 $0x30;
	s1 =	sand.u32 $0xF80, s12;
	v14 =	vld.idx.msk [tilespmem:v14+s5+$0x0], $0xffff  }
0x278: {  	s2 =	sand.u32 $0x50, s16;
	s21 =	sadd.s32 $0x1B700, s1;
	s22 =	sand.u32 $0x70, s8;
	v16 =	vld.idx.msk [tilespmem:v15+s5+$0x0], $0xffff;
	v15 =	vmul.f32 v20, v11  }
0x279: {  	s1 =	sor.u32 s19, s21;
	s23 =	sor.u32 s22, s21;
	s9 =	sand.u32 $0x60, s18;
	v17 =	vld.idx.msk [tilespmem:v17+s5+$0x0], $0xffff  }
0x27a: {  	s12 =	sor.u32 s2, s21;
	s18 =	simm.s32 $0x1D7A0;
	s16 =	sor.u32 s9, s21;
	[tilespmem:s23+$0x0] =	vst v15;
	v15 =	vld.idx.msk [tilespmem:v19+s5+$0x0], $0xffff  }
.LBB2_24:
0x27b: {  	v19 =	vld [tilespmem:s18+$0x10];
	s15 =	sadd.s32 $0x4, s15  }
0x27c: {  	v14 =	vmul.f32 v14, v11;
	s8 =	sadd.s32 $0x40, s8;
	v20 =	vld [tilespmem:s18+$0xFFFFFFF0];
	p1 =	slt.u32 s15, $0xFC  }
0x27d: {  	v16 =	vmul.f32 v16, v11;
	s9 =	sadd.s32 $0xFFFFFFE0, s8;
	v21 =	vld [tilespmem:s18+$0x0]  }
0x27e: {  	s2 =	sadd.s32 $0xFFFFFFD0, s8;
	s10 =	sadd.s32 $0xFFFFFFF0, s8;
	v17 =	vmul.f32 v17, v11;
	s9 =	sand.u32 $0x50, s9;
	v22 =	vld [tilespmem:s18+$0xFFFFFFE0];
	[tilespmem:s1+$0x0] =	vst v14  }
.Ltmp11:
0x27f: {  	s1 =	sand.u32 $0x40, s2;
	s2 =	sand.u32 $0xF80, s2;
	v14 =	vld.idx.msk [tilespmem:v18+s5+$0x0], $0xffff;
	[tilespmem:s12+$0x0] =	vst v16;
	(pc) =	sbr.rel @p1 .LBB2_24-.Ltmp11, $4  }
0x280: {  	s19 =	sand.u32 $0x70, s8;
	s10 =	sand.u32 $0x60, s10;
	s2 =	sadd.s32 $0x1B700, s2;
	v15 =	vmul.f32 v15, v11;
	v16 =	vld.idx.msk [tilespmem:v13+s5+$0x0], $0xffff;
	[tilespmem:s16+$0x0] =	vst v17  }
0x281: {  	s1 =	sor.u32 s1, s2;
	s12 =	sor.u32 s9, s2;
	s9 =	sor.u32 s19, s2;
	v17 =	vld.idx.msk [tilespmem:v12+s5+$0x0], $0xffff;
	v13 =	vmov v20  }
0x282: {  	s16 =	sor.u32 s10, s2;
	[tilespmem:s9+$0x0] =	vst v15;
	v12 =	vmov v21  }
0x283: {  	s18 =	sadd.s32 $0x40, s18;
	v15 =	vld.idx.msk [tilespmem:v19+s5+$0x0], $0xffff;
	v18 =	vmov v22  }
0x284: {  	_ =	sdelay $0x3  }
0x285: {  	v18 =	vld.idx.msk [tilespmem:v18+s5+$0x0], $0xffff  }
0x286: {  	v14 =	vmul.f32 v14, v11;
	s2 =	sadd.s32 $0x40, s8;
	v13 =	vld.idx.msk [tilespmem:v13+s5+$0x0], $0xffff  }
0x287: {  	v12 =	vld.idx.msk [tilespmem:v12+s5+$0x0], $0xffff;
	v16 =	vmul.f32 v16, v11;
	s8 =	sadd.s32 $0xFFFFFFD0, s2  }
0x288: {  	[tilespmem:s1+$0x0] =	vst v14;
	v14 =	vmul.f32 v17, v11;
	s22 =	sand.u32 $0xF80, s8  }
0x289: {  	s9 =	sand.u32 $0x70, s2;
	[tilespmem:s12+$0x0] =	vst v16;
	s1 =	sadd.s32 $0x1B700, s22;
	v15 =	vmul.f32 v15, v11  }
0x28a: {  	s10 =	sadd.s32 $0xFFFFFFE0, s2;
	s8 =	sand.u32 $0x40, s8;
	[tilespmem:s16+$0x0] =	vst v14;
	s9 =	sor.u32 s9, s1;
	v14 =	vmul.f32 v18, v11  }
0x28b: {  	s2 =	sadd.s32 $0xFFFFFFF0, s2;
	s10 =	sand.u32 $0x50, s10;
	s8 =	sor.u32 s8, s1;
	v13 =	vmul.f32 v13, v11;
	[tilespmem:s9+$0x0] =	vst v15  }
0x28c: {  	s2 =	sand.u32 $0x60, s2;
	s23 =	sor.u32 s10, s1;
	v11 =	vmul.f32 v12, v11;
	[tilespmem:s8+$0x0] =	vst v14  }
0x28d: {  	s1 =	sor.u32 s2, s1;
	[tilespmem:s23+$0x0] =	vst v13  }
0x28e: {  	[tilespmem:s1+$0x0] =	vst v11  }
0x28f: {  	s1 =	rddreg [dreg:$0x11]  }
0x290: {  	[tilespmem:s5], [sflag:$0x1] =	stream.strided.gather [hbm4b:s1+s26], $0x18680, s28, s26, $0x38;
	[tilespmem:$0x1F180] =	vst v63  }
0x291: {  	s9 =	rddreg [dreg:$0x13]  }
0x292: {  	[tilespmem:s29], [sflag:$0x2] =	stream.linear.gather [hbm4b:s9+s5], $0x80, $0x38;
	[tilespmem:$0x1F180] =	vst v63  }
0x293: {  	s10 =	rddreg [dreg:$0x5]  }
0x294: {  	[tilespmem:s30], [sflag:$0x3] =	stream.linear.gather [hbm4b:s10+s5], $0x1000, $0x38;
	[tilespmem:$0x1F180] =	vst v63  }
0x295: {  	_ =	swait.ge [sflag:s31], $0x18680  }
0x296: {  	[sflag:s31] =	ssyncset.done $0x0  }
0x297: {  	[sflag:s31] =	ssyncadd.s32 $0xFFFE7980  }
0x298: {  	_ =	swait.ge [sflag:s0], $0x80  }
0x299: {  	[sflag:s0] =	ssyncset.done $0x0  }
0x29a: {  	[sflag:s0] =	ssyncadd.s32 $0xFFFFFF80  }
0x29b: {  	[tilespmem:s3], [sflag:$0x4] =	stream.linear.gather [hbm4b:s14+s5], $0x1000, $0x38;
	[tilespmem:$0x1F180] =	vst v63  }
0x29c: {  	_ =	swait.ge [sflag:s25], $0x1000  }
0x29d: {  	[sflag:s25] =	ssyncset.done $0x0  }
0x29e: {  	s12 =	simm.s32 $0x1C720;
	[sflag:s25] =	ssyncadd.s32 $0xFFFFF000  }
0x29f: {  	s15 =	simm.s32 $0x0;
	v11 =	vld [tilespmem:s12+$0x10]  }
0x2a0: {  	s18 =	sand.u32 $0xF80, s15;
	s16 =	simm.s32 $0x30;
	v12 =	vld [tilespmem:s12+$0xFFFFFFF0]  }
0x2a1: {  	s19 =	sadd.s32 $0x18700, s18;
	s8 =	sand.u32 $0x70, s16;
	v13 =	vld [tilespmem:s12+$0xFFFFFFE0]  }
0x2a2: {  	s9 =	sor.u32 s8, s19;
	v14 =	vld [tilespmem:s12+$0x0]  }
0x2a3: {  	s21 =	simm.s32 $0x1C760;
	v17 =	vld [tilespmem:s9+$0x0]  }
0x2a4: {  	v19 =	vld [tilespmem:s21+$0x10]  }
0x2a5: {  	s22 =	simm.s32 $0x10;
	s2 =	sand.u32 $0x40, s15;
	v20 =	vld [tilespmem:s21+$0xFFFFFFF0]  }
0x2a6: {  	s23 =	simm.s32 $0x20;
	s8 =	sor.u32 s2, s19;
	s10 =	sand.u32 $0x50, s22;
	v21 =	vld [tilespmem:s21+$0xFFFFFFE0]  }
0x2a7: {  	s16 =	sor.u32 s10, s19;
	s12 =	sand.u32 $0x60, s23;
	v22 =	vld [tilespmem:s8+$0x0]  }
0x2a8: {  	v23 =	vld [tilespmem:s16+$0x0];
	s18 =	sor.u32 s12, s19  }
0x2a9: {  	v16 =	vld [tilespmem:s18+$0x0]  }
0x2aa: {  	v15 =	vld.idx.msk [tilespmem:v11+s5+$0x0], $0xffff  }
0x2ab: {  	v18 =	vld.idx.msk [tilespmem:v12+s5+$0x0], $0xffff  }
0x2ac: {  	s10 =	simm.s32 $0x40;
	v13 =	vld.idx.msk [tilespmem:v13+s5+$0x0], $0xffff  }
0x2ad: {  	s15 =	sand.u32 $0xF80, s10;
	s19 =	simm.s32 $0x70;
	v12 =	vld [tilespmem:s21+$0x0]  }
0x2ae: {  	s12 =	sadd.s32 $0x18700, s15;
	v11 =	vld.idx.msk [tilespmem:v14+s5+$0x0], $0xffff;
	s21 =	sand.u32 $0x70, s19  }
0x2af: {  	s22 =	simm.s32 $0x50;
	v14 =	vld.idx.msk [tilespmem:v19+s5+$0x0], $0xffff;
	s21 =	sor.u32 s21, s12;
	v19 =	vmul.f32 v15, v17  }
0x2b0: {  	s1 =	sand.u32 $0x50, s22;
	s10 =	sand.u32 $0x40, s10;
	s23 =	simm.s32 $0x60;
	v17 =	vld [tilespmem:s21+$0x0]  }
0x2b1: {  	s15 =	simm.s32 $0x4;
	s22 =	sand.u32 $0x60, s23;
	s2 =	sor.u32 s10, s12;
	v15 =	vld.idx.msk [tilespmem:v20+s5+$0x0], $0xffff;
	[tilespmem:s9+$0x0] =	vst v19;
	v19 =	vmul.f32 v13, v22  }
0x2b2: {  	s1 =	sor.u32 s1, s12;
	s22 =	sor.u32 s22, s12;
	s12 =	simm.s32 $0x1C7A0;
	v18 =	vmul.f32 v18, v23;
	v13 =	vld.idx.msk [tilespmem:v21+s5+$0x0], $0xffff  }
.LBB2_26:
0x2b3: {  	v20 =	vld [tilespmem:s12+$0x10];
	s15 =	sadd.s32 $0x4, s15;
	[tilespmem:s8+$0x0] =	vst v19;
	v11 =	vmul.f32 v11, v16;
	s8 =	smov.u32 s2  }
0x2b4: {  	v19 =	vld [tilespmem:s12+$0xFFFFFFF0];
	p1 =	slt.u32 s15, $0xFC;
	[tilespmem:s16+$0x0] =	vst v18;
	s16 =	smov.u32 s1  }
0x2b5: {  	v18 =	vld [tilespmem:s12+$0x0];
	v14 =	vmul.f32 v14, v17;
	[tilespmem:s18+$0x0] =	vst v11;
	s18 =	smov.u32 s22  }
0x2b6: {  	s19 =	sadd.s32 $0x40, s19;
	v21 =	vld [tilespmem:s12+$0xFFFFFFE0]  }
0x2b7: {  	s1 =	sadd.s32 $0xFFFFFFD0, s19;
	v22 =	vmov v15;
	v11 =	vld.idx.msk [tilespmem:v12+s5+$0x0], $0xffff;
	[tilespmem:s21+$0x0] =	vst v14  }
0x2b8: {  	s2 =	sadd.s32 $0xFFFFFFE0, s19;
	s9 =	sadd.s32 $0xFFFFFFF0, s19;
	s23 =	sand.u32 $0x70, s19;
	v23 =	vld [tilespmem:s8+$0x0]  }
0x2b9: {  	s10 =	sand.u32 $0x40, s1;
	s1 =	sand.u32 $0xF80, s1;
	s21 =	sand.u32 $0x50, s2;
	v24 =	vld [tilespmem:s16+$0x0]  }
.Ltmp12:
0x2ba: {  	s9 =	sand.u32 $0x60, s9;
	s22 =	sadd.s32 $0x18700, s1;
	v16 =	vld [tilespmem:s18+$0x0];
	(pc) =	sbr.rel @p1 .LBB2_26-.Ltmp12, $4  }
0x2bb: {  	s2 =	sor.u32 s10, s22;
	s1 =	sor.u32 s21, s22;
	s21 =	sor.u32 s23, s22;
	v12 =	vmov v18;
	v14 =	vld.idx.msk [tilespmem:v20+s5+$0x0], $0xffff  }
0x2bc: {  	s22 =	sor.u32 s9, s22;
	v17 =	vld [tilespmem:s21+$0x0]  }
0x2bd: {  	v15 =	vld.idx.msk [tilespmem:v19+s5+$0x0], $0xffff;
	v19 =	vmul.f32 v13, v23  }
0x2be: {  	s12 =	sadd.s32 $0x40, s12;
	v13 =	vld.idx.msk [tilespmem:v21+s5+$0x0], $0xffff;
	v18 =	vmul.f32 v22, v24  }
0x2bf: {  	_ =	sdelay $0x3  }
0x2c0: {  	v12 =	vld.idx.msk [tilespmem:v12+s5+$0x0], $0xffff  }
0x2c1: {  	v20 =	vld [tilespmem:s2+$0x0]  }
0x2c2: {  	v21 =	vld [tilespmem:s1+$0x0]  }
0x2c3: {  	v22 =	vld [tilespmem:s22+$0x0]  }
0x2c4: {  	[tilespmem:s8+$0x0] =	vst v19;
	v11 =	vmul.f32 v11, v16  }
0x2c5: {  	[tilespmem:s16+$0x0] =	vst v18;
	v14 =	vmul.f32 v14, v17  }
0x2c6: {  	[tilespmem:s18+$0x0] =	vst v11;
	v11 =	vmul.f32 v13, v20  }
0x2c7: {  	[tilespmem:s21+$0x0] =	vst v14;
	v13 =	vmul.f32 v15, v21  }
0x2c8: {  	[tilespmem:s2+$0x0] =	vst v11;
	v11 =	vmul.f32 v12, v22  }
0x2c9: {  	[tilespmem:s1+$0x0] =	vst v13  }
0x2ca: {  	s9 =	simm.s32 $0x1EB80;
	s10 =	simm.s32 $0x18700;
	[tilespmem:s22+$0x0] =	vst v11  }
0x2cb: {  	[spmem:s4] =	stream.indirect.scatter.add.f32 [tilespmem:s10], [sflag:$0x5], $0x80, s9, s7, $0xb8;
	[tilespmem:$0x1F180] =	vst v63  }
0x2cc: {  	_ =	swait.ge [sflag:s24], $0x1000  }
0x2cd: {  	[sflag:s24] =	ssyncset.done $0x0  }
0x2ce: {  	[sflag:s24] =	ssyncadd.s32 $0xFFFFF000  }
0x2cf: {  	[tilespmem:s30], [sflag:$0x3] =	stream.linear.gather [hbm4b:s17+s5], $0x1000, $0x38;
	[tilespmem:$0x1F180] =	vst v63  }
0x2d0: {  	_ =	swait.ge [sflag:s6], $0x1000  }
0x2d1: {  	[sflag:s6] =	ssyncset.done $0x0  }
0x2d2: {  	s12 =	simm.s32 $0x1D720;
	[sflag:s6] =	ssyncadd.s32 $0xFFFFF000  }
0x2d3: {  	s15 =	simm.s32 $0x0;
	v11 =	vld [tilespmem:s12+$0x10]  }
0x2d4: {  	s16 =	simm.s32 $0x30;
	s9 =	sand.u32 $0xF80, s15;
	v12 =	vld [tilespmem:s12+$0xFFFFFFF0]  }
0x2d5: {  	s8 =	sand.u32 $0x70, s16;
	s18 =	sadd.s32 $0x19700, s9;
	v13 =	vld [tilespmem:s12+$0xFFFFFFE0]  }
0x2d6: {  	s9 =	sor.u32 s8, s18;
	v14 =	vld [tilespmem:s12+$0x0]  }
0x2d7: {  	s19 =	simm.s32 $0x1D760;
	v17 =	vld [tilespmem:s9+$0x0]  }
0x2d8: {  	v19 =	vld [tilespmem:s19+$0x10]  }
0x2d9: {  	s2 =	sand.u32 $0x40, s15;
	s10 =	simm.s32 $0x10;
	v20 =	vld [tilespmem:s19+$0xFFFFFFF0]  }
0x2da: {  	s10 =	sand.u32 $0x50, s10;
	s8 =	sor.u32 s2, s18;
	v62 =	vld [tilespmem:s19+$0xFFFFFFE0];
	s12 =	simm.s32 $0x20  }
0x2db: {  	s16 =	sor.u32 s10, s18;
	v63 =	vld [tilespmem:s8+$0x0];
	s21 =	sand.u32 $0x60, s12  }
0x2dc: {  	v23 =	vld [tilespmem:s16+$0x0];
	s18 =	sor.u32 s21, s18  }
0x2dd: {  	v16 =	vld [tilespmem:s18+$0x0]  }
0x2de: {  	v15 =	vld.idx.msk [tilespmem:v11+s5+$0x0], $0xffff  }
0x2df: {  	v18 =	vld.idx.msk [tilespmem:v12+s5+$0x0], $0xffff  }
0x2e0: {  	s10 =	simm.s32 $0x40;
	v13 =	vld.idx.msk [tilespmem:v13+s5+$0x0], $0xffff  }
0x2e1: {  	s22 =	sand.u32 $0xF80, s10;
	v12 =	vld [tilespmem:s19+$0x0];
	s19 =	simm.s32 $0x70  }
0x2e2: {  	s12 =	sadd.s32 $0x19700, s22;
	v11 =	vld.idx.msk [tilespmem:v14+s5+$0x0], $0xffff;
	s23 =	sand.u32 $0x70, s19  }
0x2e3: {  	s15 =	simm.s32 $0x4;
	v14 =	vld.idx.msk [tilespmem:v19+s5+$0x0], $0xffff;
	s21 =	sor.u32 s23, s12;
	v19 =	vmul.f32 v15, v17  }
0x2e4: {  	s2 =	simm.s32 $0x50;
	s10 =	sand.u32 $0x40, s10;
	s22 =	simm.s32 $0x60;
	v17 =	vld [tilespmem:s21+$0x0]  }
0x2e5: {  	s1 =	sand.u32 $0x50, s2;
	s2 =	sor.u32 s10, s12;
	s23 =	sand.u32 $0x60, s22;
	v15 =	vld.idx.msk [tilespmem:v20+s5+$0x0], $0xffff;
	[tilespmem:s9+$0x0] =	vst v19;
	v19 =	vmul.f32 v13, v63  }
0x2e6: {  	s1 =	sor.u32 s1, s12;
	s22 =	sor.u32 s23, s12;
	s12 =	simm.s32 $0x1D7A0;
	v18 =	vmul.f32 v18, v23;
	v13 =	vld.idx.msk [tilespmem:v62+s5+$0x0], $0xffff  }
.LBB2_28:
0x2e7: {  	v20 =	vld [tilespmem:s12+$0x10];
	s15 =	sadd.s32 $0x4, s15;
	[tilespmem:s8+$0x0] =	vst v19;
	v11 =	vmul.f32 v11, v16;
	s8 =	smov.u32 s2  }
0x2e8: {  	v19 =	vld [tilespmem:s12+$0xFFFFFFF0];
	p1 =	slt.u32 s15, $0xFC;
	[tilespmem:s16+$0x0] =	vst v18;
	s16 =	smov.u32 s1  }
0x2e9: {  	v18 =	vld [tilespmem:s12+$0x0];
	v14 =	vmul.f32 v14, v17;
	[tilespmem:s18+$0x0] =	vst v11;
	s18 =	smov.u32 s22  }
0x2ea: {  	s19 =	sadd.s32 $0x40, s19;
	v21 =	vld [tilespmem:s12+$0xFFFFFFE0]  }
0x2eb: {  	s1 =	sadd.s32 $0xFFFFFFD0, s19;
	v22 =	vmov v15;
	v11 =	vld.idx.msk [tilespmem:v12+s5+$0x0], $0xffff;
	[tilespmem:s21+$0x0] =	vst v14  }
0x2ec: {  	s2 =	sadd.s32 $0xFFFFFFE0, s19;
	s9 =	sadd.s32 $0xFFFFFFF0, s19;
	s23 =	sand.u32 $0x70, s19;
	v23 =	vld [tilespmem:s8+$0x0]  }
0x2ed: {  	s10 =	sand.u32 $0x40, s1;
	s1 =	sand.u32 $0xF80, s1;
	s21 =	sand.u32 $0x50, s2;
	v24 =	vld [tilespmem:s16+$0x0]  }
.Ltmp13:
0x2ee: {  	s9 =	sand.u32 $0x60, s9;
	s22 =	sadd.s32 $0x19700, s1;
	v16 =	vld [tilespmem:s18+$0x0];
	(pc) =	sbr.rel @p1 .LBB2_28-.Ltmp13, $4  }
0x2ef: {  	s2 =	sor.u32 s10, s22;
	s1 =	sor.u32 s21, s22;
	s21 =	sor.u32 s23, s22;
	v12 =	vmov v18;
	v14 =	vld.idx.msk [tilespmem:v20+s5+$0x0], $0xffff  }
0x2f0: {  	s22 =	sor.u32 s9, s22;
	v17 =	vld [tilespmem:s21+$0x0]  }
0x2f1: {  	v15 =	vld.idx.msk [tilespmem:v19+s5+$0x0], $0xffff;
	v19 =	vmul.f32 v13, v23  }
0x2f2: {  	s12 =	sadd.s32 $0x40, s12;
	v13 =	vld.idx.msk [tilespmem:v21+s5+$0x0], $0xffff;
	v18 =	vmul.f32 v22, v24  }
0x2f3: {  	_ =	sdelay $0x3  }
0x2f4: {  	v12 =	vld.idx.msk [tilespmem:v12+s5+$0x0], $0xffff  }
0x2f5: {  	v20 =	vld [tilespmem:s2+$0x0]  }
0x2f6: {  	v21 =	vld [tilespmem:s1+$0x0]  }
0x2f7: {  	v22 =	vld [tilespmem:s22+$0x0]  }
0x2f8: {  	[tilespmem:s8+$0x0] =	vst v19;
	v11 =	vmul.f32 v11, v16  }
0x2f9: {  	[tilespmem:s16+$0x0] =	vst v18;
	v14 =	vmul.f32 v14, v17  }
0x2fa: {  	[tilespmem:s18+$0x0] =	vst v11;
	v11 =	vmul.f32 v13, v20  }
0x2fb: {  	[tilespmem:s21+$0x0] =	vst v14;
	v13 =	vmul.f32 v15, v21  }
0x2fc: {  	[tilespmem:s2+$0x0] =	vst v11;
	v11 =	vmul.f32 v12, v22  }
0x2fd: {  	[tilespmem:s1+$0x0] =	vst v13  }
0x2fe: {  	s9 =	simm.s32 $0x1EC00;
	s10 =	simm.s32 $0x19700;
	[tilespmem:s22+$0x0] =	vst v11  }
0x2ff: {  	[spmem:s4] =	stream.indirect.scatter.add.f32 [tilespmem:s10], [sflag:$0x5], $0x80, s9, s7, $0xb8;
	[tilespmem:$0x1F180] =	vst v63  }
0x300: {  	_ =	swait.ge [sflag:s24], $0x1000  }
0x301: {  	[sflag:s24] =	ssyncset.done $0x0  }
0x302: {  	[sflag:s24] =	ssyncadd.s32 $0xFFFFF000  }
0x303: {  	[tilespmem:s3], [sflag:$0x4] =	stream.linear.gather [hbm4b:s20+s5], $0x1000, $0x38;
	[tilespmem:$0x1F180] =	vst v63  }
0x304: {  	_ =	swait.ge [sflag:s25], $0x1000  }
0x305: {  	[sflag:s25] =	ssyncset.done $0x0  }
0x306: {  	s12 =	simm.s32 $0x1C720;
	[sflag:s25] =	ssyncadd.s32 $0xFFFFF000  }
0x307: {  	s15 =	simm.s32 $0x0;
	v11 =	vld [tilespmem:s12+$0x10]  }
0x308: {  	s16 =	simm.s32 $0x30;
	s9 =	sand.u32 $0xF80, s15;
	v12 =	vld [tilespmem:s12+$0xFFFFFFF0]  }
0x309: {  	s8 =	sand.u32 $0x70, s16;
	s18 =	sadd.s32 $0x1A700, s9;
	v13 =	vld [tilespmem:s12+$0xFFFFFFE0]  }
0x30a: {  	s9 =	sor.u32 s8, s18;
	v14 =	vld [tilespmem:s12+$0x0]  }
0x30b: {  	s19 =	simm.s32 $0x1C760;
	v17 =	vld [tilespmem:s9+$0x0]  }
0x30c: {  	v19 =	vld [tilespmem:s19+$0x10]  }
0x30d: {  	s2 =	sand.u32 $0x40, s15;
	s10 =	simm.s32 $0x10;
	v20 =	vld [tilespmem:s19+$0xFFFFFFF0]  }
0x30e: {  	s10 =	sand.u32 $0x50, s10;
	s8 =	sor.u32 s2, s18;
	v62 =	vld [tilespmem:s19+$0xFFFFFFE0];
	s12 =	simm.s32 $0x20  }
0x30f: {  	s16 =	sor.u32 s10, s18;
	v63 =	vld [tilespmem:s8+$0x0];
	s21 =	sand.u32 $0x60, s12  }
0x310: {  	v23 =	vld [tilespmem:s16+$0x0];
	s18 =	sor.u32 s21, s18  }
0x311: {  	v16 =	vld [tilespmem:s18+$0x0]  }
0x312: {  	v15 =	vld.idx.msk [tilespmem:v11+s5+$0x0], $0xffff  }
0x313: {  	v18 =	vld.idx.msk [tilespmem:v12+s5+$0x0], $0xffff  }
0x314: {  	s10 =	simm.s32 $0x40;
	v13 =	vld.idx.msk [tilespmem:v13+s5+$0x0], $0xffff  }
0x315: {  	s22 =	sand.u32 $0xF80, s10;
	v12 =	vld [tilespmem:s19+$0x0];
	s19 =	simm.s32 $0x70  }
0x316: {  	s12 =	sadd.s32 $0x1A700, s22;
	v11 =	vld.idx.msk [tilespmem:v14+s5+$0x0], $0xffff;
	s23 =	sand.u32 $0x70, s19  }
0x317: {  	s15 =	simm.s32 $0x4;
	v14 =	vld.idx.msk [tilespmem:v19+s5+$0x0], $0xffff;
	s21 =	sor.u32 s23, s12;
	v19 =	vmul.f32 v15, v17  }
0x318: {  	s2 =	simm.s32 $0x50;
	s10 =	sand.u32 $0x40, s10;
	s22 =	simm.s32 $0x60;
	v17 =	vld [tilespmem:s21+$0x0]  }
0x319: {  	s1 =	sand.u32 $0x50, s2;
	s2 =	sor.u32 s10, s12;
	s23 =	sand.u32 $0x60, s22;
	v15 =	vld.idx.msk [tilespmem:v20+s5+$0x0], $0xffff;
	[tilespmem:s9+$0x0] =	vst v19;
	v19 =	vmul.f32 v13, v63  }
0x31a: {  	s1 =	sor.u32 s1, s12;
	s22 =	sor.u32 s23, s12;
	s12 =	simm.s32 $0x1C7A0;
	v18 =	vmul.f32 v18, v23;
	v13 =	vld.idx.msk [tilespmem:v62+s5+$0x0], $0xffff  }
.LBB2_30:
0x31b: {  	v20 =	vld [tilespmem:s12+$0x10];
	s15 =	sadd.s32 $0x4, s15;
	[tilespmem:s8+$0x0] =	vst v19;
	v11 =	vmul.f32 v11, v16;
	s8 =	smov.u32 s2  }
0x31c: {  	v19 =	vld [tilespmem:s12+$0xFFFFFFF0];
	p1 =	slt.u32 s15, $0xFC;
	[tilespmem:s16+$0x0] =	vst v18;
	s16 =	smov.u32 s1  }
0x31d: {  	v18 =	vld [tilespmem:s12+$0x0];
	v14 =	vmul.f32 v14, v17;
	[tilespmem:s18+$0x0] =	vst v11;
	s18 =	smov.u32 s22  }
0x31e: {  	s19 =	sadd.s32 $0x40, s19;
	v21 =	vld [tilespmem:s12+$0xFFFFFFE0]  }
0x31f: {  	s1 =	sadd.s32 $0xFFFFFFD0, s19;
	v22 =	vmov v15;
	v11 =	vld.idx.msk [tilespmem:v12+s5+$0x0], $0xffff;
	[tilespmem:s21+$0x0] =	vst v14  }
0x320: {  	s2 =	sadd.s32 $0xFFFFFFE0, s19;
	s9 =	sadd.s32 $0xFFFFFFF0, s19;
	s23 =	sand.u32 $0x70, s19;
	v23 =	vld [tilespmem:s8+$0x0]  }
0x321: {  	s10 =	sand.u32 $0x40, s1;
	s1 =	sand.u32 $0xF80, s1;
	s21 =	sand.u32 $0x50, s2;
	v24 =	vld [tilespmem:s16+$0x0]  }
.Ltmp14:
0x322: {  	s9 =	sand.u32 $0x60, s9;
	s22 =	sadd.s32 $0x1A700, s1;
	v16 =	vld [tilespmem:s18+$0x0];
	(pc) =	sbr.rel @p1 .LBB2_30-.Ltmp14, $4  }
0x323: {  	s2 =	sor.u32 s10, s22;
	s1 =	sor.u32 s21, s22;
	s21 =	sor.u32 s23, s22;
	v12 =	vmov v18;
	v14 =	vld.idx.msk [tilespmem:v20+s5+$0x0], $0xffff  }
0x324: {  	s22 =	sor.u32 s9, s22;
	v17 =	vld [tilespmem:s21+$0x0]  }
0x325: {  	v15 =	vld.idx.msk [tilespmem:v19+s5+$0x0], $0xffff;
	v19 =	vmul.f32 v13, v23  }
0x326: {  	s12 =	sadd.s32 $0x40, s12;
	v13 =	vld.idx.msk [tilespmem:v21+s5+$0x0], $0xffff;
	v18 =	vmul.f32 v22, v24  }
0x327: {  	_ =	sdelay $0x3  }
0x328: {  	v12 =	vld.idx.msk [tilespmem:v12+s5+$0x0], $0xffff  }
0x329: {  	v20 =	vld [tilespmem:s2+$0x0]  }
0x32a: {  	v21 =	vld [tilespmem:s1+$0x0]  }
0x32b: {  	v22 =	vld [tilespmem:s22+$0x0]  }
0x32c: {  	[tilespmem:s8+$0x0] =	vst v19;
	v11 =	vmul.f32 v11, v16  }
0x32d: {  	[tilespmem:s16+$0x0] =	vst v18;
	v14 =	vmul.f32 v14, v17  }
0x32e: {  	[tilespmem:s18+$0x0] =	vst v11;
	v11 =	vmul.f32 v13, v20  }
0x32f: {  	[tilespmem:s21+$0x0] =	vst v14;
	v13 =	vmul.f32 v15, v21  }
0x330: {  	[tilespmem:s2+$0x0] =	vst v11;
	v11 =	vmul.f32 v12, v22  }
0x331: {  	[tilespmem:s1+$0x0] =	vst v13  }
0x332: {  	s9 =	simm.s32 $0x1EC80;
	s10 =	simm.s32 $0x1A700;
	[tilespmem:s22+$0x0] =	vst v11  }
0x333: {  	[spmem:s4] =	stream.indirect.scatter.add.f32 [tilespmem:s10], [sflag:$0x5], $0x80, s9, s7, $0xb8;
	[tilespmem:$0x1F180] =	vst v63  }
0x334: {  	_ =	swait.ge [sflag:s24], $0x1000  }
0x335: {  	[sflag:s24] =	ssyncset.done $0x0  }
0x336: {  	[sflag:s24] =	ssyncadd.s32 $0xFFFFF000  }
0x337: {  	_ =	swait.ge [sflag:s6], $0x1000  }
0x338: {  	[sflag:s6] =	ssyncset.done $0x0  }
0x339: {  	s12 =	simm.s32 $0x1D720;
	[sflag:s6] =	ssyncadd.s32 $0xFFFFF000  }
0x33a: {  	s15 =	simm.s32 $0x0;
	v11 =	vld [tilespmem:s12+$0x10]  }
0x33b: {  	s16 =	simm.s32 $0x30;
	s9 =	sand.u32 $0xF80, s15;
	v12 =	vld [tilespmem:s12+$0xFFFFFFF0]  }
0x33c: {  	s8 =	sand.u32 $0x70, s16;
	s18 =	sadd.s32 $0x1B700, s9;
	v13 =	vld [tilespmem:s12+$0xFFFFFFE0]  }
0x33d: {  	s9 =	sor.u32 s8, s18;
	v14 =	vld [tilespmem:s12+$0x0]  }
0x33e: {  	s19 =	simm.s32 $0x1D760;
	v17 =	vld [tilespmem:s9+$0x0]  }
0x33f: {  	v19 =	vld [tilespmem:s19+$0x10]  }
0x340: {  	s2 =	sand.u32 $0x40, s15;
	s10 =	simm.s32 $0x10;
	v20 =	vld [tilespmem:s19+$0xFFFFFFF0]  }
0x341: {  	s10 =	sand.u32 $0x50, s10;
	s8 =	sor.u32 s2, s18;
	v62 =	vld [tilespmem:s19+$0xFFFFFFE0];
	s12 =	simm.s32 $0x20  }
0x342: {  	s16 =	sor.u32 s10, s18;
	v63 =	vld [tilespmem:s8+$0x0];
	s21 =	sand.u32 $0x60, s12  }
0x343: {  	v23 =	vld [tilespmem:s16+$0x0];
	s18 =	sor.u32 s21, s18  }
0x344: {  	v16 =	vld [tilespmem:s18+$0x0]  }
0x345: {  	v15 =	vld.idx.msk [tilespmem:v11+s5+$0x0], $0xffff  }
0x346: {  	v18 =	vld.idx.msk [tilespmem:v12+s5+$0x0], $0xffff  }
0x347: {  	s10 =	simm.s32 $0x40;
	v13 =	vld.idx.msk [tilespmem:v13+s5+$0x0], $0xffff  }
0x348: {  	s22 =	sand.u32 $0xF80, s10;
	v12 =	vld [tilespmem:s19+$0x0];
	s19 =	simm.s32 $0x70  }
0x349: {  	s12 =	sadd.s32 $0x1B700, s22;
	v11 =	vld.idx.msk [tilespmem:v14+s5+$0x0], $0xffff;
	s23 =	sand.u32 $0x70, s19  }
0x34a: {  	s15 =	simm.s32 $0x4;
	v14 =	vld.idx.msk [tilespmem:v19+s5+$0x0], $0xffff;
	s21 =	sor.u32 s23, s12;
	v19 =	vmul.f32 v15, v17  }
0x34b: {  	s2 =	simm.s32 $0x50;
	s10 =	sand.u32 $0x40, s10;
	s22 =	simm.s32 $0x60;
	v17 =	vld [tilespmem:s21+$0x0]  }
0x34c: {  	s1 =	sand.u32 $0x50, s2;
	s2 =	sor.u32 s10, s12;
	s23 =	sand.u32 $0x60, s22;
	v15 =	vld.idx.msk [tilespmem:v20+s5+$0x0], $0xffff;
	[tilespmem:s9+$0x0] =	vst v19;
	v19 =	vmul.f32 v13, v63  }
0x34d: {  	s1 =	sor.u32 s1, s12;
	s22 =	sor.u32 s23, s12;
	s12 =	simm.s32 $0x1D7A0;
	v18 =	vmul.f32 v18, v23;
	v13 =	vld.idx.msk [tilespmem:v62+s5+$0x0], $0xffff  }
.LBB2_32:
0x34e: {  	v20 =	vld [tilespmem:s12+$0x10];
	s15 =	sadd.s32 $0x4, s15;
	[tilespmem:s8+$0x0] =	vst v19;
	v11 =	vmul.f32 v11, v16;
	s8 =	smov.u32 s2  }
0x34f: {  	v19 =	vld [tilespmem:s12+$0xFFFFFFF0];
	p1 =	slt.u32 s15, $0xFC;
	[tilespmem:s16+$0x0] =	vst v18;
	s16 =	smov.u32 s1  }
0x350: {  	v18 =	vld [tilespmem:s12+$0x0];
	v14 =	vmul.f32 v14, v17;
	[tilespmem:s18+$0x0] =	vst v11;
	s18 =	smov.u32 s22  }
0x351: {  	s19 =	sadd.s32 $0x40, s19;
	v21 =	vld [tilespmem:s12+$0xFFFFFFE0]  }
0x352: {  	s1 =	sadd.s32 $0xFFFFFFD0, s19;
	v22 =	vmov v15;
	v11 =	vld.idx.msk [tilespmem:v12+s5+$0x0], $0xffff;
	[tilespmem:s21+$0x0] =	vst v14  }
0x353: {  	s2 =	sadd.s32 $0xFFFFFFE0, s19;
	s9 =	sadd.s32 $0xFFFFFFF0, s19;
	s23 =	sand.u32 $0x70, s19;
	v23 =	vld [tilespmem:s8+$0x0]  }
0x354: {  	s10 =	sand.u32 $0x40, s1;
	s1 =	sand.u32 $0xF80, s1;
	s21 =	sand.u32 $0x50, s2;
	v24 =	vld [tilespmem:s16+$0x0]  }
.Ltmp15:
0x355: {  	s9 =	sand.u32 $0x60, s9;
	s22 =	sadd.s32 $0x1B700, s1;
	v16 =	vld [tilespmem:s18+$0x0];
	(pc) =	sbr.rel @p1 .LBB2_32-.Ltmp15, $4  }
0x356: {  	s2 =	sor.u32 s10, s22;
	s1 =	sor.u32 s21, s22;
	s21 =	sor.u32 s23, s22;
	v12 =	vmov v18;
	v14 =	vld.idx.msk [tilespmem:v20+s5+$0x0], $0xffff  }
0x357: {  	s22 =	sor.u32 s9, s22;
	v17 =	vld [tilespmem:s21+$0x0]  }
0x358: {  	v15 =	vld.idx.msk [tilespmem:v19+s5+$0x0], $0xffff;
	v19 =	vmul.f32 v13, v23  }
0x359: {  	s12 =	sadd.s32 $0x40, s12;
	v13 =	vld.idx.msk [tilespmem:v21+s5+$0x0], $0xffff;
	v18 =	vmul.f32 v22, v24  }
0x35a: {  	_ =	sdelay $0x3  }
0x35b: {  	v12 =	vld.idx.msk [tilespmem:v12+s5+$0x0], $0xffff  }
0x35c: {  	v20 =	vld [tilespmem:s2+$0x0]  }
0x35d: {  	v21 =	vld [tilespmem:s1+$0x0]  }
0x35e: {  	v22 =	vld [tilespmem:s22+$0x0]  }
0x35f: {  	[tilespmem:s8+$0x0] =	vst v19;
	v11 =	vmul.f32 v11, v16  }
0x360: {  	[tilespmem:s16+$0x0] =	vst v18;
	v14 =	vmul.f32 v14, v17  }
0x361: {  	[tilespmem:s18+$0x0] =	vst v11;
	v11 =	vmul.f32 v13, v20  }
0x362: {  	[tilespmem:s21+$0x0] =	vst v14;
	v63 =	vmul.f32 v15, v21  }
0x363: {  	[tilespmem:s2+$0x0] =	vst v11;
	v11 =	vmul.f32 v12, v22  }
0x364: {  	[tilespmem:s1+$0x0] =	vst v63  }
0x365: {  	s21 =	simm.s32 $0x1ED00;
	[tilespmem:s22+$0x0] =	vst v11;
	s22 =	simm.s32 $0x1B700  }
0x366: {  	[spmem:s4] =	stream.indirect.scatter.add.f32 [tilespmem:s22], [sflag:$0x5], $0x80, s21, s7, $0xb8;
	[tilespmem:$0x1F180] =	vst v63  }
0x367: {  	_ =	swait.ge [sflag:s24], $0x1000  }
0x368: {  	[sflag:s24] =	ssyncset.done $0x0  }
0x369: {  	[sflag:s24] =	ssyncadd.s32 $0xFFFFF000  }
0x36a: {  	[bflag:$0x0] =	sbarrier.arrive $0xFFFF  }
0x36b: {  	s1 =	sshrl.u32 @!p0 s4, $0x3;
	s2 =	simm.s32 @!p0 $0x1C05;
	s8 =	rddreg [dreg:$0x14]  }
0x36c: {  	[hbm:s8], [sflag:s2] =	dma.local @!p0 [spmem:s1], $0x800  }
0x36d: {  	s1 =	simm.s32 @!p0 $0x5  }
0x36e: {  	_ =	swait.ge @!p0 [sflag:s1], $0x800  }
0x36f: {  	s13 =	sadd.s32 $0x1, s13;
	s23 =	rddreg [dreg:$0x15]  }
0x370: {  	p1 =	sne.s32 s13, s23  }
.Ltmp16:
0x371: {  	_ = 	snop;
	(pc) =	sbr.rel @p1 .LBB2_1-.Ltmp16, $3  }
0x372: {  	_ =	sdelay $0x1  }
0x373: {  	[sflag:s1] =	ssyncset.done @!p0 $0x0  }
0x374: {  	[sflag:s1] =	ssyncadd.s32 @!p0 $0xFFFFF800  }
0x375: {  	_ =	sfence.sel $0x180000  }
0x376: {  	[bflag:$0x0] =	sbarrier.arrive $0xFFFF  }
0x377: {  	_ =	strace $0x90000047  }
0x378: {  	[bflag:$0x2] =	sbarrier.arrive $0xFFFF  }
0x379: {  	s0 =	rddreg [dreg:$0x8]  }
0x37a: {  	s0 =	sadd.s32 @!p0 $0x100000, s0  }
0x37b: {  	[sflag:s0] =	ssyncadd.tile.s32 @!p0 $0x1;
	_ =	shalt  }
.Lfunc_end2:
_tile_overlayer_lowered:
.L_overlay_start_2:
0x37c: {  	(tag) =	ssettag $0x2  }
0x37d: {  	s0 =	rddreg [dreg:$0x0];
	s2 =	stileid.u32  }
0x37e: {  	s1 =	rddreg [dreg:$0x1];
	p0 =	sne.s32 s2, $0x0  }
0x37f: {  	s3 =	rddreg [dreg:$0x2];
	[bflag:$0x3] =	sbarrier.arrive $0xFFFF;
	s2 =	simm.s32 @!p0 $0x1C05  }
0x380: {  	[timem:s3], [sflag:s2] =	dma.local @!p0 [hbm:s0], s1  }
0x381: {  	s0 =	simm.s32 @!p0 $0x5  }
0x382: {  	_ =	swait.ge @!p0 [sflag:s0], s1  }
0x383: {  	s1 =	ssub.s32 @!p0 $0x0, s1;
	[sflag:s0] =	ssyncset.done @!p0 $0x0  }
0x384: {  	[sflag:s0] =	ssyncadd.s32 @!p0 s1  }
0x385: {  	[bflag:$0x3] =	sbarrier.arrive $0xFFFF  }
0x386: {  	_ =	shalt  }

</sc_bundles>
